<compile_context>
chip_gen: v7x
topology: tpu7x:2x2x1
jax: 0.10.2.dev20260603
libtpu: 0.0.44.dev20260713+nightly
codegen_flags: <defaults>
</compile_context>

<pallas_src>
import jax
import jax.numpy as jnp
from jax import lax
from jax.experimental import pallas as pl
from jax.experimental.pallas import tpu as pltpu
from jax.experimental.pallas import tpu_sc as plsc

EPS_C = 0.1
C, H, W = 3, 32, 32
N = C * H * W
R = N + 1
RP = 3200
NW = 32
ROWS_PER_W = N // NW
BUF_ROWS = 16
N_CHUNK = ROWS_PER_W // BUF_ROWS


def _relu_parts(xc):
    lo = jnp.maximum(EPS_C - xc, 0.0) * 0.5
    hi = jnp.maximum(xc - (1.0 - EPS_C), 0.0) * 0.5
    return lo, hi


_mesh = plsc.VectorSubcoreMesh(
    core_axis_name="c", subcore_axis_name="s", num_cores=2, num_subcores=16
)

_OUT_TYPE = jax.ShapeDtypeStruct((N, RP), jnp.float32)
_SCRATCH = [
    pltpu.VMEM((128,), jnp.float32),
    pltpu.VMEM((128,), jnp.float32),
    pltpu.VMEM((BUF_ROWS, RP), jnp.float32),
    pltpu.VMEM((BUF_ROWS, RP), jnp.float32),
    pltpu.SemaphoreType.DMA,
    pltpu.SemaphoreType.DMA,
]


def _sc_body(x_hbm, out_hbm, e_v, b_v, buf_a, buf_b, sem_a, sem_b):
    wid = lax.axis_index("s") * 2 + lax.axis_index("c")
    p0 = wid * ROWS_PER_W

    pltpu.sync_copy(x_hbm.at[pl.ds(p0, 96)], e_v.at[pl.ds(0, 96)])
    for cc in range(6):
        xc = e_v[pl.ds(16 * cc, 16)]
        lo, hi = _relu_parts(xc)
        b_v[pl.ds(16 * cc, 16)] = xc + lo - hi
        e_v[pl.ds(16 * cc, 16)] = EPS_C - lo - hi

    zeros16 = jnp.zeros((16,), jnp.float32)
    iota16 = lax.iota(jnp.int32, 16)
    zcol16 = jnp.zeros((16,), jnp.int32)
    bufs = (buf_a, buf_b)
    sems = (sem_a, sem_b)

    def _zero(buf):
        def _z(r, carry):
            for cc in range(RP // 16):
                buf[r, pl.ds(16 * cc, 16)] = zeros16
            return carry

        lax.fori_loop(0, BUF_ROWS, _z, 0)

    def _poke(buf, j):
        plsc.store_scatter(buf, [iota16, zcol16], b_v[pl.ds(16 * j, 16)])
        plsc.store_scatter(
            buf, [iota16, iota16 + (p0 + 16 * j + 1)], e_v[pl.ds(16 * j, 16)]
        )

    def _clean(buf, j):
        plsc.store_scatter(buf, [iota16, iota16 + (p0 + 16 * j + 1)], zeros16)

    dmas = [None] * N_CHUNK
    for j in range(N_CHUNK):
        b = j % 2
        if j < 2:
            _zero(bufs[b])
        else:
            dmas[j - 2].wait()
            _clean(bufs[b], j - 2)
        _poke(bufs[b], j)
        dmas[j] = pltpu.async_copy(
            bufs[b], out_hbm.at[pl.ds(p0 + 16 * j, BUF_ROWS)], sems[b]
        )
    dmas[N_CHUNK - 2].wait()
    dmas[N_CHUNK - 1].wait()


_sc_kernel = pl.kernel(
    _sc_body,
    out_type=_OUT_TYPE,
    mesh=_mesh,
    scratch_types=_SCRATCH,
    compiler_params=pltpu.CompilerParams(needs_layout_passes=False),
)


def kernel(x):
    t = _sc_kernel(x.reshape(N))
    t = lax.slice(t, (0, 0), (N, R))
    return jnp.transpose(t.reshape(1, C, H, W, R), (0, 4, 1, 2, 3))

# --- scband reference (transcript-rebuilt; emitter-appended) ---
"""Pipeline reference for scband-transformed-input-19104014532646 (READ-ONLY COPY).

The authoritative reference and input builder live on the scoring server;
editing this copy changes nothing except your own understanding.
"""

import jax, jax.numpy as jnp
import numpy as np

EPS = 0.1


def setup_inputs(seed: int = 0) -> dict:
    key = jax.random.key(seed)
    x = jax.random.uniform(key, (1, 3, 32, 32), dtype=jnp.float32)
    return {"x": x}


def reference(x):
    eps = EPS
    B, C, H, W = x.shape
    # bias = x + relu(eps - x)/2 - relu(x - (1 - eps))/2
    bias = x + jax.nn.relu(eps - x) / 2 - jax.nn.relu(x - (1 - eps)) / 2
    # error_terms = eps - relu(eps - x)/2 - relu(x - (1 - eps))/2
    error = eps - jax.nn.relu(eps - x) / 2 - jax.nn.relu(x - (1 - eps)) / 2
    cond = error >= 0
    n = C * H * W
    # Zonotope(x) makes [B, 1, C, H, W]; new_error_terms triggers add_space(n=C*H*W)
    zono = jnp.zeros((B, 1 + n, C, H, W), dtype=x.dtype)
    # fill_bias: zonotope[0, 0] = bias (B == 1)
    zono = zono.at[0, 0].set(bias[0])
    # scripted new_error_terms: iterate (f, i, j) row-major; where cond true,
    # write error[0, f, i, j] at error-term slot i_error (starting at 1).
    cond_flat = cond[0].reshape(-1)
    err_flat = error[0].reshape(-1)
    bias_flat = bias[0].reshape(-1)
    ci = cond_flat.astype(jnp.int32)
    pos = jnp.cumsum(ci) - ci + 1  # exclusive cumsum + start_index 1
    # where cond is false, redirect write to slot 0 with the value already there
    pos_safe = jnp.where(cond_flat, pos, 0)
    k = jnp.arange(n)
    f_idx = k // (H * W)
    i_idx = (k // W) % H
    j_idx = k % W
    vals = jnp.where(cond_flat, err_flat, bias_flat)
    zono = zono.at[0, pos_safe, f_idx, i_idx, j_idx].set(vals)
    # error >= eps/2 > 0 for all x, so last_error_term == 1 + n and
    # get_zonotope() returns the full tensor.
    return zono

if __name__ == "__main__":
    import jax
    _d = setup_inputs()
    print(jax.jit(kernel)(*tuple(_d.values())))

</pallas_src>

<mosaic_0001>
#map = affine_map<(d0, d1) -> (0)>
#map1 = affine_map<(d0, d1) -> (0, 0)>
module attributes {stable_mosaic.version = 14 : i64} {
  func.func @_sc_body(%arg0: i32, %arg1: i32, %arg2: memref<3072xf32, #tpu.memory_space<hbm>>, %arg3: memref<3072x3200xf32, #tpu.memory_space<hbm>>, %arg4: memref<128xf32, #tpu.memory_space<vmem>>, %arg5: memref<128xf32, #tpu.memory_space<vmem>>, %arg6: memref<16x3200xf32, #tpu.memory_space<vmem>>, %arg7: memref<16x3200xf32, #tpu.memory_space<vmem>>, %arg8: memref<!tpu.dma_semaphore, #tpu.memory_space<semaphore_mem>>, %arg9: memref<!tpu.dma_semaphore, #tpu.memory_space<semaphore_mem>>) attributes {dimension_semantics = [#tpu.dimension_semantics<core_parallel>, #tpu.dimension_semantics<subcore_parallel>], iteration_bounds = array<i64: 2, 16>, scalar_prefetch = 0 : i64, scratch_operands = 6 : i64, tpu.core_type = #tpu.core_type<sc_vector_subcore>, window_params = [{transform_indices = #map}, {transform_indices = #map1}]} {
    %mul3A = arith.constant 2 : i32
    %mul3A_0 = arith.muli %arg1, %mul3A : i32
    %add3A = arith.addi %mul3A_0, %arg0 : i32
    %mul3A_1 = arith.constant 96 : i32
    %mul3A_2 = arith.muli %add3A, %mul3A_1 : i32
    "tpu.region"() ({
      %run_scoped3A = tpu.sem_alloc : memref<!tpu.dma_semaphore, #tpu.memory_space<semaphore_mem>>
      %dma_start3A_335 = arith.constant 0 : i32
      %dma_start3A_336 = tpu.memref_slice %arg4[%dma_start3A_335] : memref<128xf32, #tpu.memory_space<vmem>> -> memref<96xf32, #tpu.memory_space<vmem>>
      %dma_start3A_337 = tpu.memref_slice %arg2[%mul3A_2] : memref<3072xf32, #tpu.memory_space<hbm>> -> memref<96xf32, #tpu.memory_space<hbm>>
      %dma_start3A_338 = arith.constant 0 : i32
      %dma_start3A_339 = tpu.memref_slice %arg4[%dma_start3A_338] : memref<128xf32, #tpu.memory_space<vmem>> -> memref<96xf32, #tpu.memory_space<vmem>>
      %dma_start3A_340 = tpu.memref_slice %arg2[%mul3A_2] : memref<3072xf32, #tpu.memory_space<hbm>> -> memref<96xf32, #tpu.memory_space<hbm>>
      tpu.enqueue_dma source(%dma_start3A_340 : memref<96xf32, #tpu.memory_space<hbm>>) target(%dma_start3A_339 : memref<96xf32, #tpu.memory_space<vmem>>) target_semaphore(%run_scoped3A : memref<!tpu.dma_semaphore, #tpu.memory_space<semaphore_mem>>)
      %dma_wait3A_341 = arith.constant 0 : i32
      %dma_wait3A_342 = tpu.memref_slice %arg4[%dma_wait3A_341] : memref<128xf32, #tpu.memory_space<vmem>> -> memref<96xf32, #tpu.memory_space<vmem>>
      %dma_wait3A_343 = tpu.memref_slice %arg2[%mul3A_2] : memref<3072xf32, #tpu.memory_space<hbm>> -> memref<96xf32, #tpu.memory_space<hbm>>
      %dma_wait3A_344 = arith.constant 0 : i32
      %dma_wait3A_345 = tpu.memref_slice %arg4[%dma_wait3A_344] : memref<128xf32, #tpu.memory_space<vmem>> -> memref<96xf32, #tpu.memory_space<vmem>>
      %dma_wait3A_346 = tpu.memref_slice %arg2[%mul3A_2] : memref<3072xf32, #tpu.memory_space<hbm>> -> memref<96xf32, #tpu.memory_space<hbm>>
      tpu.wait_dma2 semaphore(%run_scoped3A : memref<!tpu.dma_semaphore, #tpu.memory_space<semaphore_mem>>) src(%dma_wait3A_346 : memref<96xf32, #tpu.memory_space<hbm>>) dst(%dma_wait3A_345 : memref<96xf32, #tpu.memory_space<vmem>>)
      tpu.yield
    }) : () -> ()
    %get3A = arith.constant 0 : index
    %get3A_3 = tpu.vector_load %arg4[%get3A] {strides = array<i32>} : memref<128xf32, #tpu.memory_space<vmem>>, vector<16xf32>,
    %sub3A = arith.constant 1.000000e-01 : f32
    %sub3A_4 = vector.broadcast %sub3A : f32 to vector<16xf32>
    %sub3A_5 = arith.subf %sub3A_4, %get3A_3 : vector<16xf32>
    %max3A = arith.constant 0.000000e+00 : f32
    %max3A_6 = vector.broadcast %max3A : f32 to vector<16xf32>
    %max3A_7 = arith.maximumf %sub3A_5, %max3A_6 : vector<16xf32>
    %mul3A_8 = arith.constant 5.000000e-01 : f32
    %mul3A_9 = vector.broadcast %mul3A_8 : f32 to vector<16xf32>
    %mul3A_10 = arith.mulf %max3A_7, %mul3A_9 : vector<16xf32>
    %sub3A_11 = arith.constant 0.899999976 : f32
    %sub3A_12 = vector.broadcast %sub3A_11 : f32 to vector<16xf32>
    %sub3A_13 = arith.subf %get3A_3, %sub3A_12 : vector<16xf32>
    %max3A_14 = arith.constant 0.000000e+00 : f32
    %max3A_15 = vector.broadcast %max3A_14 : f32 to vector<16xf32>
    %max3A_16 = arith.maximumf %sub3A_13, %max3A_15 : vector<16xf32>
    %mul3A_17 = arith.constant 5.000000e-01 : f32
    %mul3A_18 = vector.broadcast %mul3A_17 : f32 to vector<16xf32>
    %mul3A_19 = arith.mulf %max3A_16, %mul3A_18 : vector<16xf32>
    %add3A_20 = arith.addf %get3A_3, %mul3A_10 : vector<16xf32>
    %sub3A_21 = arith.subf %add3A_20, %mul3A_19 : vector<16xf32>
    %swap3A = arith.constant 0 : index
    %swap3A_22 = tpu.vector_load %arg5[%swap3A] {strides = array<i32>} : memref<128xf32, #tpu.memory_space<vmem>>, vector<16xf32>,
    tpu.vector_store %arg5[%swap3A], %sub3A_21 {strides = array<i32>} : memref<128xf32, #tpu.memory_space<vmem>>, vector<16xf32>,
    %sub3A_23 = arith.constant 1.000000e-01 : f32
    %sub3A_24 = vector.broadcast %sub3A_23 : f32 to vector<16xf32>
    %sub3A_25 = arith.subf %sub3A_24, %mul3A_10 : vector<16xf32>
    %sub3A_26 = arith.subf %sub3A_25, %mul3A_19 : vector<16xf32>
    %swap3A_27 = arith.constant 0 : index
    %swap3A_28 = tpu.vector_load %arg4[%swap3A_27] {strides = array<i32>} : memref<128xf32, #tpu.memory_space<vmem>>, vector<16xf32>,
    tpu.vector_store %arg4[%swap3A_27], %sub3A_26 {strides = array<i32>} : memref<128xf32, #tpu.memory_space<vmem>>, vector<16xf32>,
    %get3A_29 = arith.constant 16 : index
    %get3A_30 = tpu.vector_load %arg4[%get3A_29] {strides = array<i32>} : memref<128xf32, #tpu.memory_space<vmem>>, vector<16xf32>,
    %sub3A_31 = arith.constant 1.000000e-01 : f32
    %sub3A_32 = vector.broadcast %sub3A_31 : f32 to vector<16xf32>
    %sub3A_33 = arith.subf %sub3A_32, %get3A_30 : vector<16xf32>
    %max3A_34 = arith.constant 0.000000e+00 : f32
    %max3A_35 = vector.broadcast %max3A_34 : f32 to vector<16xf32>
    %max3A_36 = arith.maximumf %sub3A_33, %max3A_35 : vector<16xf32>
    %mul3A_37 = arith.constant 5.000000e-01 : f32
    %mul3A_38 = vector.broadcast %mul3A_37 : f32 to vector<16xf32>
    %mul3A_39 = arith.mulf %max3A_36, %mul3A_38 : vector<16xf32>
    %sub3A_40 = arith.constant 0.899999976 : f32
    %sub3A_41 = vector.broadcast %sub3A_40 : f32 to vector<16xf32>
    %sub3A_42 = arith.subf %get3A_30, %sub3A_41 : vector<16xf32>
    %max3A_43 = arith.constant 0.000000e+00 : f32
    %max3A_44 = vector.broadcast %max3A_43 : f32 to vector<16xf32>
    %max3A_45 = arith.maximumf %sub3A_42, %max3A_44 : vector<16xf32>
    %mul3A_46 = arith.constant 5.000000e-01 : f32
    %mul3A_47 = vector.broadcast %mul3A_46 : f32 to vector<16xf32>
    %mul3A_48 = arith.mulf %max3A_45, %mul3A_47 : vector<16xf32>
    %add3A_49 = arith.addf %get3A_30, %mul3A_39 : vector<16xf32>
    %sub3A_50 = arith.subf %add3A_49, %mul3A_48 : vector<16xf32>
    %swap3A_51 = arith.constant 16 : index
    %swap3A_52 = tpu.vector_load %arg5[%swap3A_51] {strides = array<i32>} : memref<128xf32, #tpu.memory_space<vmem>>, vector<16xf32>,
    tpu.vector_store %arg5[%swap3A_51], %sub3A_50 {strides = array<i32>} : memref<128xf32, #tpu.memory_space<vmem>>, vector<16xf32>,
    %sub3A_53 = arith.constant 1.000000e-01 : f32
    %sub3A_54 = vector.broadcast %sub3A_53 : f32 to vector<16xf32>
    %sub3A_55 = arith.subf %sub3A_54, %mul3A_39 : vector<16xf32>
    %sub3A_56 = arith.subf %sub3A_55, %mul3A_48 : vector<16xf32>
    %swap3A_57 = arith.constant 16 : index
    %swap3A_58 = tpu.vector_load %arg4[%swap3A_57] {strides = array<i32>} : memref<128xf32, #tpu.memory_space<vmem>>, vector<16xf32>,
    tpu.vector_store %arg4[%swap3A_57], %sub3A_56 {strides = array<i32>} : memref<128xf32, #tpu.memory_space<vmem>>, vector<16xf32>,
    %get3A_59 = arith.constant 32 : index
    %get3A_60 = tpu.vector_load %arg4[%get3A_59] {strides = array<i32>} : memref<128xf32, #tpu.memory_space<vmem>>, vector<16xf32>,
    %sub3A_61 = arith.constant 1.000000e-01 : f32
    %sub3A_62 = vector.broadcast %sub3A_61 : f32 to vector<16xf32>
    %sub3A_63 = arith.subf %sub3A_62, %get3A_60 : vector<16xf32>
    %max3A_64 = arith.constant 0.000000e+00 : f32
    %max3A_65 = vector.broadcast %max3A_64 : f32 to vector<16xf32>
    %max3A_66 = arith.maximumf %sub3A_63, %max3A_65 : vector<16xf32>
    %mul3A_67 = arith.constant 5.000000e-01 : f32
    %mul3A_68 = vector.broadcast %mul3A_67 : f32 to vector<16xf32>
    %mul3A_69 = arith.mulf %max3A_66, %mul3A_68 : vector<16xf32>
    %sub3A_70 = arith.constant 0.899999976 : f32
    %sub3A_71 = vector.broadcast %sub3A_70 : f32 to vector<16xf32>
    %sub3A_72 = arith.subf %get3A_60, %sub3A_71 : vector<16xf32>
    %max3A_73 = arith.constant 0.000000e+00 : f32
    %max3A_74 = vector.broadcast %max3A_73 : f32 to vector<16xf32>
    %max3A_75 = arith.maximumf %sub3A_72, %max3A_74 : vector<16xf32>
    %mul3A_76 = arith.constant 5.000000e-01 : f32
    %mul3A_77 = vector.broadcast %mul3A_76 : f32 to vector<16xf32>
    %mul3A_78 = arith.mulf %max3A_75, %mul3A_77 : vector<16xf32>
    %add3A_79 = arith.addf %get3A_60, %mul3A_69 : vector<16xf32>
    %sub3A_80 = arith.subf %add3A_79, %mul3A_78 : vector<16xf32>
    %swap3A_81 = arith.constant 32 : index
    %swap3A_82 = tpu.vector_load %arg5[%swap3A_81] {strides = array<i32>} : memref<128xf32, #tpu.memory_space<vmem>>, vector<16xf32>,
    tpu.vector_store %arg5[%swap3A_81], %sub3A_80 {strides = array<i32>} : memref<128xf32, #tpu.memory_space<vmem>>, vector<16xf32>,
    %sub3A_83 = arith.constant 1.000000e-01 : f32
    %sub3A_84 = vector.broadcast %sub3A_83 : f32 to vector<16xf32>
    %sub3A_85 = arith.subf %sub3A_84, %mul3A_69 : vector<16xf32>
    %sub3A_86 = arith.subf %sub3A_85, %mul3A_78 : vector<16xf32>
    %swap3A_87 = arith.constant 32 : index
    %swap3A_88 = tpu.vector_load %arg4[%swap3A_87] {strides = array<i32>} : memref<128xf32, #tpu.memory_space<vmem>>, vector<16xf32>,
    tpu.vector_store %arg4[%swap3A_87], %sub3A_86 {strides = array<i32>} : memref<128xf32, #tpu.memory_space<vmem>>, vector<16xf32>,
    %get3A_89 = arith.constant 48 : index
    %get3A_90 = tpu.vector_load %arg4[%get3A_89] {strides = array<i32>} : memref<128xf32, #tpu.memory_space<vmem>>, vector<16xf32>,
    %sub3A_91 = arith.constant 1.000000e-01 : f32
    %sub3A_92 = vector.broadcast %sub3A_91 : f32 to vector<16xf32>
    %sub3A_93 = arith.subf %sub3A_92, %get3A_90 : vector<16xf32>
    %max3A_94 = arith.constant 0.000000e+00 : f32
    %max3A_95 = vector.broadcast %max3A_94 : f32 to vector<16xf32>
    %max3A_96 = arith.maximumf %sub3A_93, %max3A_95 : vector<16xf32>
    %mul3A_97 = arith.constant 5.000000e-01 : f32
    %mul3A_98 = vector.broadcast %mul3A_97 : f32 to vector<16xf32>
    %mul3A_99 = arith.mulf %max3A_96, %mul3A_98 : vector<16xf32>
    %sub3A_100 = arith.constant 0.899999976 : f32
    %sub3A_101 = vector.broadcast %sub3A_100 : f32 to vector<16xf32>
    %sub3A_102 = arith.subf %get3A_90, %sub3A_101 : vector<16xf32>
    %max3A_103 = arith.constant 0.000000e+00 : f32
    %max3A_104 = vector.broadcast %max3A_103 : f32 to vector<16xf32>
    %max3A_105 = arith.maximumf %sub3A_102, %max3A_104 : vector<16xf32>
    %mul3A_106 = arith.constant 5.000000e-01 : f32
    %mul3A_107 = vector.broadcast %mul3A_106 : f32 to vector<16xf32>
    %mul3A_108 = arith.mulf %max3A_105, %mul3A_107 : vector<16xf32>
    %add3A_109 = arith.addf %get3A_90, %mul3A_99 : vector<16xf32>
    %sub3A_110 = arith.subf %add3A_109, %mul3A_108 : vector<16xf32>
    %swap3A_111 = arith.constant 48 : index
    %swap3A_112 = tpu.vector_load %arg5[%swap3A_111] {strides = array<i32>} : memref<128xf32, #tpu.memory_space<vmem>>, vector<16xf32>,
    tpu.vector_store %arg5[%swap3A_111], %sub3A_110 {strides = array<i32>} : memref<128xf32, #tpu.memory_space<vmem>>, vector<16xf32>,
    %sub3A_113 = arith.constant 1.000000e-01 : f32
    %sub3A_114 = vector.broadcast %sub3A_113 : f32 to vector<16xf32>
    %sub3A_115 = arith.subf %sub3A_114, %mul3A_99 : vector<16xf32>
    %sub3A_116 = arith.subf %sub3A_115, %mul3A_108 : vector<16xf32>
    %swap3A_117 = arith.constant 48 : index
    %swap3A_118 = tpu.vector_load %arg4[%swap3A_117] {strides = array<i32>} : memref<128xf32, #tpu.memory_space<vmem>>, vector<16xf32>,
    tpu.vector_store %arg4[%swap3A_117], %sub3A_116 {strides = array<i32>} : memref<128xf32, #tpu.memory_space<vmem>>, vector<16xf32>,
    %get3A_119 = arith.constant 64 : index
    %get3A_120 = tpu.vector_load %arg4[%get3A_119] {strides = array<i32>} : memref<128xf32, #tpu.memory_space<vmem>>, vector<16xf32>,
    %sub3A_121 = arith.constant 1.000000e-01 : f32
    %sub3A_122 = vector.broadcast %sub3A_121 : f32 to vector<16xf32>
    %sub3A_123 = arith.subf %sub3A_122, %get3A_120 : vector<16xf32>
    %max3A_124 = arith.constant 0.000000e+00 : f32
    %max3A_125 = vector.broadcast %max3A_124 : f32 to vector<16xf32>
    %max3A_126 = arith.maximumf %sub3A_123, %max3A_125 : vector<16xf32>
    %mul3A_127 = arith.constant 5.000000e-01 : f32
    %mul3A_128 = vector.broadcast %mul3A_127 : f32 to vector<16xf32>
    %mul3A_129 = arith.mulf %max3A_126, %mul3A_128 : vector<16xf32>
    %sub3A_130 = arith.constant 0.899999976 : f32
    %sub3A_131 = vector.broadcast %sub3A_130 : f32 to vector<16xf32>
    %sub3A_132 = arith.subf %get3A_120, %sub3A_131 : vector<16xf32>
    %max3A_133 = arith.constant 0.000000e+00 : f32
    %max3A_134 = vector.broadcast %max3A_133 : f32 to vector<16xf32>
    %max3A_135 = arith.maximumf %sub3A_132, %max3A_134 : vector<16xf32>
    %mul3A_136 = arith.constant 5.000000e-01 : f32
    %mul3A_137 = vector.broadcast %mul3A_136 : f32 to vector<16xf32>
    %mul3A_138 = arith.mulf %max3A_135, %mul3A_137 : vector<16xf32>
    %add3A_139 = arith.addf %get3A_120, %mul3A_129 : vector<16xf32>
    %sub3A_140 = arith.subf %add3A_139, %mul3A_138 : vector<16xf32>
    %swap3A_141 = arith.constant 64 : index
    %swap3A_142 = tpu.vector_load %arg5[%swap3A_141] {strides = array<i32>} : memref<128xf32, #tpu.memory_space<vmem>>, vector<16xf32>,
    tpu.vector_store %arg5[%swap3A_141], %sub3A_140 {strides = array<i32>} : memref<128xf32, #tpu.memory_space<vmem>>, vector<16xf32>,
    %sub3A_143 = arith.constant 1.000000e-01 : f32
    %sub3A_144 = vector.broadcast %sub3A_143 : f32 to vector<16xf32>
    %sub3A_145 = arith.subf %sub3A_144, %mul3A_129 : vector<16xf32>
    %sub3A_146 = arith.subf %sub3A_145, %mul3A_138 : vector<16xf32>
    %swap3A_147 = arith.constant 64 : index
    %swap3A_148 = tpu.vector_load %arg4[%swap3A_147] {strides = array<i32>} : memref<128xf32, #tpu.memory_space<vmem>>, vector<16xf32>,
    tpu.vector_store %arg4[%swap3A_147], %sub3A_146 {strides = array<i32>} : memref<128xf32, #tpu.memory_space<vmem>>, vector<16xf32>,
    %get3A_149 = arith.constant 80 : index
    %get3A_150 = tpu.vector_load %arg4[%get3A_149] {strides = array<i32>} : memref<128xf32, #tpu.memory_space<vmem>>, vector<16xf32>,
    %sub3A_151 = arith.constant 1.000000e-01 : f32
    %sub3A_152 = vector.broadcast %sub3A_151 : f32 to vector<16xf32>
    %sub3A_153 = arith.subf %sub3A_152, %get3A_150 : vector<16xf32>
    %max3A_154 = arith.constant 0.000000e+00 : f32
    %max3A_155 = vector.broadcast %max3A_154 : f32 to vector<16xf32>
    %max3A_156 = arith.maximumf %sub3A_153, %max3A_155 : vector<16xf32>
    %mul3A_157 = arith.constant 5.000000e-01 : f32
    %mul3A_158 = vector.broadcast %mul3A_157 : f32 to vector<16xf32>
    %mul3A_159 = arith.mulf %max3A_156, %mul3A_158 : vector<16xf32>
    %sub3A_160 = arith.constant 0.899999976 : f32
    %sub3A_161 = vector.broadcast %sub3A_160 : f32 to vector<16xf32>
    %sub3A_162 = arith.subf %get3A_150, %sub3A_161 : vector<16xf32>
    %max3A_163 = arith.constant 0.000000e+00 : f32
    %max3A_164 = vector.broadcast %max3A_163 : f32 to vector<16xf32>
    %max3A_165 = arith.maximumf %sub3A_162, %max3A_164 : vector<16xf32>
    %mul3A_166 = arith.constant 5.000000e-01 : f32
    %mul3A_167 = vector.broadcast %mul3A_166 : f32 to vector<16xf32>
    %mul3A_168 = arith.mulf %max3A_165, %mul3A_167 : vector<16xf32>
    %add3A_169 = arith.addf %get3A_150, %mul3A_159 : vector<16xf32>
    %sub3A_170 = arith.subf %add3A_169, %mul3A_168 : vector<16xf32>
    %swap3A_171 = arith.constant 80 : index
    %swap3A_172 = tpu.vector_load %arg5[%swap3A_171] {strides = array<i32>} : memref<128xf32, #tpu.memory_space<vmem>>, vector<16xf32>,
    tpu.vector_store %arg5[%swap3A_171], %sub3A_170 {strides = array<i32>} : memref<128xf32, #tpu.memory_space<vmem>>, vector<16xf32>,
    %sub3A_173 = arith.constant 1.000000e-01 : f32
    %sub3A_174 = vector.broadcast %sub3A_173 : f32 to vector<16xf32>
    %sub3A_175 = arith.subf %sub3A_174, %mul3A_159 : vector<16xf32>
    %sub3A_176 = arith.subf %sub3A_175, %mul3A_168 : vector<16xf32>
    %swap3A_177 = arith.constant 80 : index
    %swap3A_178 = tpu.vector_load %arg4[%swap3A_177] {strides = array<i32>} : memref<128xf32, #tpu.memory_space<vmem>>, vector<16xf32>,
    tpu.vector_store %arg4[%swap3A_177], %sub3A_176 {strides = array<i32>} : memref<128xf32, #tpu.memory_space<vmem>>, vector<16xf32>,
    %broadcast_in_dim3A = arith.constant 0.000000e+00 : f32
    %broadcast_in_dim3A_179 = vector.broadcast %broadcast_in_dim3A : f32 to vector<16xf32>
    %iota3A = tpu.iota {dimensions = array<i32: 0>} : vector<16xi32>
    %broadcast_in_dim3A_180 = arith.constant 0 : i32
    %broadcast_in_dim3A_181 = vector.broadcast %broadcast_in_dim3A_180 : i32 to vector<16xi32>
    %scan3A = arith.constant 0 : i32
    %scan3A_182 = arith.constant 0 : i32
    %scan3A_183 = arith.constant 16 : i32
    %scan3A_184 = arith.addi %scan3A_182, %scan3A_183 : i32
    %scan3A_185 = arith.constant 1 : i32
    scf.for %scan3A_335 = %scan3A_182 to %scan3A_184 step %scan3A_185  : i32 {
      %swap3A_336 = arith.index_cast %scan3A_335 : i32 to index
      %swap3A_337 = arith.constant 0 : index
      %swap3A_338 = tpu.vector_load %arg6[%swap3A_336, %swap3A_337] {strides = array<i32>} : memref<16x3200xf32, #tpu.memory_space<vmem>>, vector<16xf32>,
      tpu.vector_store %arg6[%swap3A_336, %swap3A_337], %broadcast_in_dim3A_179 {strides = array<i32>} : memref<16x3200xf32, #tpu.memory_space<vmem>>, vector<16xf32>,
      %swap3A_339 = arith.index_cast %scan3A_335 : i32 to index
      %swap3A_340 = arith.constant 16 : index
      %swap3A_341 = tpu.vector_load %arg6[%swap3A_339, %swap3A_340] {strides = array<i32>} : memref<16x3200xf32, #tpu.memory_space<vmem>>, vector<16xf32>,
      tpu.vector_store %arg6[%swap3A_339, %swap3A_340], %broadcast_in_dim3A_179 {strides = array<i32>} : memref<16x3200xf32, #tpu.memory_space<vmem>>, vector<16xf32>,
      %swap3A_342 = arith.index_cast %scan3A_335 : i32 to index
      %swap3A_343 = arith.constant 32 : index
      %swap3A_344 = tpu.vector_load %arg6[%swap3A_342, %swap3A_343] {strides = array<i32>} : memref<16x3200xf32, #tpu.memory_space<vmem>>, vector<16xf32>,
      tpu.vector_store %arg6[%swap3A_342, %swap3A_343], %broadcast_in_dim3A_179 {strides = array<i32>} : memref<16x3200xf32, #tpu.memory_space<vmem>>, vector<16xf32>,
      %swap3A_345 = arith.index_cast %scan3A_335 : i32 to index
      %swap3A_346 = arith.constant 48 : index
      %swap3A_347 = tpu.vector_load %arg6[%swap3A_345, %swap3A_346] {strides = array<i32>} : memref<16x3200xf32, #tpu.memory_space<vmem>>, vector<16xf32>,
      tpu.vector_store %arg6[%swap3A_345, %swap3A_346], %broadcast_in_dim3A_179 {strides = array<i32>} : memref<16x3200xf32, #tpu.memory_space<vmem>>, vector<16xf32>,
      %swap3A_348 = arith.index_cast %scan3A_335 : i32 to index
      %swap3A_349 = arith.constant 64 : index
      %swap3A_350 = tpu.vector_load %arg6[%swap3A_348, %swap3A_349] {strides = array<i32>} : memref<16x3200xf32, #tpu.memory_space<vmem>>, vector<16xf32>,
      tpu.vector_store %arg6[%swap3A_348, %swap3A_349], %broadcast_in_dim3A_179 {strides = array<i32>} : memref<16x3200xf32, #tpu.memory_space<vmem>>, vector<16xf32>,
      %swap3A_351 = arith.index_cast %scan3A_335 : i32 to index
      %swap3A_352 = arith.constant 80 : index
      %swap3A_353 = tpu.vector_load %arg6[%swap3A_351, %swap3A_352] {strides = array<i32>} : memref<16x3200xf32, #tpu.memory_space<vmem>>, vector<16xf32>,
      tpu.vector_store %arg6[%swap3A_351, %swap3A_352], %broadcast_in_dim3A_179 {strides = array<i32>} : memref<16x3200xf32, #tpu.memory_space<vmem>>, vector<16xf32>,
      %swap3A_354 = arith.index_cast %scan3A_335 : i32 to index
      %swap3A_355 = arith.constant 96 : index
      %swap3A_356 = tpu.vector_load %arg6[%swap3A_354, %swap3A_355] {strides = array<i32>} : memref<16x3200xf32, #tpu.memory_space<vmem>>, vector<16xf32>,
      tpu.vector_store %arg6[%swap3A_354, %swap3A_355], %broadcast_in_dim3A_179 {strides = array<i32>} : memref<16x3200xf32, #tpu.memory_space<vmem>>, vector<16xf32>,
      %swap3A_357 = arith.index_cast %scan3A_335 : i32 to index
      %swap3A_358 = arith.constant 112 : index
      %swap3A_359 = tpu.vector_load %arg6[%swap3A_357, %swap3A_358] {strides = array<i32>} : memref<16x3200xf32, #tpu.memory_space<vmem>>, vector<16xf32>,
      tpu.vector_store %arg6[%swap3A_357, %swap3A_358], %broadcast_in_dim3A_179 {strides = array<i32>} : memref<16x3200xf32, #tpu.memory_space<vmem>>, vector<16xf32>,
      %swap3A_360 = arith.index_cast %scan3A_335 : i32 to index
      %swap3A_361 = arith.constant 128 : index
      %swap3A_362 = tpu.vector_load %arg6[%swap3A_360, %swap3A_361] {strides = array<i32>} : memref<16x3200xf32, #tpu.memory_space<vmem>>, vector<16xf32>,
      tpu.vector_store %arg6[%swap3A_360, %swap3A_361], %broadcast_in_dim3A_179 {strides = array<i32>} : memref<16x3200xf32, #tpu.memory_space<vmem>>, vector<16xf32>,
      %swap3A_363 = arith.index_cast %scan3A_335 : i32 to index
      %swap3A_364 = arith.constant 144 : index
      %swap3A_365 = tpu.vector_load %arg6[%swap3A_363, %swap3A_364] {strides = array<i32>} : memref<16x3200xf32, #tpu.memory_space<vmem>>, vector<16xf32>,
      tpu.vector_store %arg6[%swap3A_363, %swap3A_364], %broadcast_in_dim3A_179 {strides = array<i32>} : memref<16x3200xf32, #tpu.memory_space<vmem>>, vector<16xf32>,
      %swap3A_366 = arith.index_cast %scan3A_335 : i32 to index
      %swap3A_367 = arith.constant 160 : index
      %swap3A_368 = tpu.vector_load %arg6[%swap3A_366, %swap3A_367] {strides = array<i32>} : memref<16x3200xf32, #tpu.memory_space<vmem>>, vector<16xf32>,
      tpu.vector_store %arg6[%swap3A_366, %swap3A_367], %broadcast_in_dim3A_179 {strides = array<i32>} : memref<16x3200xf32, #tpu.memory_space<vmem>>, vector<16xf32>,
      %swap3A_369 = arith.index_cast %scan3A_335 : i32 to index
      %swap3A_370 = arith.constant 176 : index
      %swap3A_371 = tpu.vector_load %arg6[%swap3A_369, %swap3A_370] {strides = array<i32>} : memref<16x3200xf32, #tpu.memory_space<vmem>>, vector<16xf32>,
      tpu.vector_store %arg6[%swap3A_369, %swap3A_370], %broadcast_in_dim3A_179 {strides = array<i32>} : memref<16x3200xf32, #tpu.memory_space<vmem>>, vector<16xf32>,
      %swap3A_372 = arith.index_cast %scan3A_335 : i32 to index
      %swap3A_373 = arith.constant 192 : index
      %swap3A_374 = tpu.vector_load %arg6[%swap3A_372, %swap3A_373] {strides = array<i32>} : memref<16x3200xf32, #tpu.memory_space<vmem>>, vector<16xf32>,
      tpu.vector_store %arg6[%swap3A_372, %swap3A_373], %broadcast_in_dim3A_179 {strides = array<i32>} : memref<16x3200xf32, #tpu.memory_space<vmem>>, vector<16xf32>,
      %swap3A_375 = arith.index_cast %scan3A_335 : i32 to index
      %swap3A_376 = arith.constant 208 : index
      %swap3A_377 = tpu.vector_load %arg6[%swap3A_375, %swap3A_376] {strides = array<i32>} : memref<16x3200xf32, #tpu.memory_space<vmem>>, vector<16xf32>,
      tpu.vector_store %arg6[%swap3A_375, %swap3A_376], %broadcast_in_dim3A_179 {strides = array<i32>} : memref<16x3200xf32, #tpu.memory_space<vmem>>, vector<16xf32>,
      %swap3A_378 = arith.index_cast %scan3A_335 : i32 to index
      %swap3A_379 = arith.constant 224 : index
      %swap3A_380 = tpu.vector_load %arg6[%swap3A_378, %swap3A_379] {strides = array<i32>} : memref<16x3200xf32, #tpu.memory_space<vmem>>, vector<16xf32>,
      tpu.vector_store %arg6[%swap3A_378, %swap3A_379], %broadcast_in_dim3A_179 {strides = array<i32>} : memref<16x3200xf32, #tpu.memory_space<vmem>>, vector<16xf32>,
      %swap3A_381 = arith.index_cast %scan3A_335 : i32 to index
      %swap3A_382 = arith.constant 240 : index
      %swap3A_383 = tpu.vector_load %arg6[%swap3A_381, %swap3A_382] {strides = array<i32>} : memref<16x3200xf32, #tpu.memory_space<vmem>>, vector<16xf32>,
      tpu.vector_store %arg6[%swap3A_381, %swap3A_382], %broadcast_in_dim3A_179 {strides = array<i32>} : memref<16x3200xf32, #tpu.memory_space<vmem>>, vector<16xf32>,
      %swap3A_384 = arith.index_cast %scan3A_335 : i32 to index
      %swap3A_385 = arith.constant 256 : index
      %swap3A_386 = tpu.vector_load %arg6[%swap3A_384, %swap3A_385] {strides = array<i32>} : memref<16x3200xf32, #tpu.memory_space<vmem>>, vector<16xf32>,
      tpu.vector_store %arg6[%swap3A_384, %swap3A_385], %broadcast_in_dim3A_179 {strides = array<i32>} : memref<16x3200xf32, #tpu.memory_space<vmem>>, vector<16xf32>,
      %swap3A_387 = arith.index_cast %scan3A_335 : i32 to index
      %swap3A_388 = arith.constant 272 : index
      %swap3A_389 = tpu.vector_load %arg6[%swap3A_387, %swap3A_388] {strides = array<i32>} : memref<16x3200xf32, #tpu.memory_space<vmem>>, vector<16xf32>,
      tpu.vector_store %arg6[%swap3A_387, %swap3A_388], %broadcast_in_dim3A_179 {strides = array<i32>} : memref<16x3200xf32, #tpu.memory_space<vmem>>, vector<16xf32>,
      %swap3A_390 = arith.index_cast %scan3A_335 : i32 to index
      %swap3A_391 = arith.constant 288 : index
      %swap3A_392 = tpu.vector_load %arg6[%swap3A_390, %swap3A_391] {strides = array<i32>} : memref<16x3200xf32, #tpu.memory_space<vmem>>, vector<16xf32>,
      tpu.vector_store %arg6[%swap3A_390, %swap3A_391], %broadcast_in_dim3A_179 {strides = array<i32>} : memref<16x3200xf32, #tpu.memory_space<vmem>>, vector<16xf32>,
      %swap3A_393 = arith.index_cast %scan3A_335 : i32 to index
      %swap3A_394 = arith.constant 304 : index
      %swap3A_395 = tpu.vector_load %arg6[%swap3A_393, %swap3A_394] {strides = array<i32>} : memref<16x3200xf32, #tpu.memory_space<vmem>>, vector<16xf32>,
      tpu.vector_store %arg6[%swap3A_393, %swap3A_394], %broadcast_in_dim3A_179 {strides = array<i32>} : memref<16x3200xf32, #tpu.memory_space<vmem>>, vector<16xf32>,
      %swap3A_396 = arith.index_cast %scan3A_335 : i32 to index
      %swap3A_397 = arith.constant 320 : index
      %swap3A_398 = tpu.vector_load %arg6[%swap3A_396, %swap3A_397] {strides = array<i32>} : memref<16x3200xf32, #tpu.memory_space<vmem>>, vector<16xf32>,
      tpu.vector_store %arg6[%swap3A_396, %swap3A_397], %broadcast_in_dim3A_179 {strides = array<i32>} : memref<16x3200xf32, #tpu.memory_space<vmem>>, vector<16xf32>,
      %swap3A_399 = arith.index_cast %scan3A_335 : i32 to index
      %swap3A_400 = arith.constant 336 : index
      %swap3A_401 = tpu.vector_load %arg6[%swap3A_399, %swap3A_400] {strides = array<i32>} : memref<16x3200xf32, #tpu.memory_space<vmem>>, vector<16xf32>,
      tpu.vector_store %arg6[%swap3A_399, %swap3A_400], %broadcast_in_dim3A_179 {strides = array<i32>} : memref<16x3200xf32, #tpu.memory_space<vmem>>, vector<16xf32>,
      %swap3A_402 = arith.index_cast %scan3A_335 : i32 to index
      %swap3A_403 = arith.constant 352 : index
      %swap3A_404 = tpu.vector_load %arg6[%swap3A_402, %swap3A_403] {strides = array<i32>} : memref<16x3200xf32, #tpu.memory_space<vmem>>, vector<16xf32>,
      tpu.vector_store %arg6[%swap3A_402, %swap3A_403], %broadcast_in_dim3A_179 {strides = array<i32>} : memref<16x3200xf32, #tpu.memory_space<vmem>>, vector<16xf32>,
      %swap3A_405 = arith.index_cast %scan3A_335 : i32 to index
      %swap3A_406 = arith.constant 368 : index
      %swap3A_407 = tpu.vector_load %arg6[%swap3A_405, %swap3A_406] {strides = array<i32>} : memref<16x3200xf32, #tpu.memory_space<vmem>>, vector<16xf32>,
      tpu.vector_store %arg6[%swap3A_405, %swap3A_406], %broadcast_in_dim3A_179 {strides = array<i32>} : memref<16x3200xf32, #tpu.memory_space<vmem>>, vector<16xf32>,
      %swap3A_408 = arith.index_cast %scan3A_335 : i32 to index
      %swap3A_409 = arith.constant 384 : index
      %swap3A_410 = tpu.vector_load %arg6[%swap3A_408, %swap3A_409] {strides = array<i32>} : memref<16x3200xf32, #tpu.memory_space<vmem>>, vector<16xf32>,
      tpu.vector_store %arg6[%swap3A_408, %swap3A_409], %broadcast_in_dim3A_179 {strides = array<i32>} : memref<16x3200xf32, #tpu.memory_space<vmem>>, vector<16xf32>,
      %swap3A_411 = arith.index_cast %scan3A_335 : i32 to index
      %swap3A_412 = arith.constant 400 : index
      %swap3A_413 = tpu.vector_load %arg6[%swap3A_411, %swap3A_412] {strides = array<i32>} : memref<16x3200xf32, #tpu.memory_space<vmem>>, vector<16xf32>,
      tpu.vector_store %arg6[%swap3A_411, %swap3A_412], %broadcast_in_dim3A_179 {strides = array<i32>} : memref<16x3200xf32, #tpu.memory_space<vmem>>, vector<16xf32>,
      %swap3A_414 = arith.index_cast %scan3A_335 : i32 to index
      %swap3A_415 = arith.constant 416 : index
      %swap3A_416 = tpu.vector_load %arg6[%swap3A_414, %swap3A_415] {strides = array<i32>} : memref<16x3200xf32, #tpu.memory_space<vmem>>, vector<16xf32>,
      tpu.vector_store %arg6[%swap3A_414, %swap3A_415], %broadcast_in_dim3A_179 {strides = array<i32>} : memref<16x3200xf32, #tpu.memory_space<vmem>>, vector<16xf32>,
      %swap3A_417 = arith.index_cast %scan3A_335 : i32 to index
      %swap3A_418 = arith.constant 432 : index
      %swap3A_419 = tpu.vector_load %arg6[%swap3A_417, %swap3A_418] {strides = array<i32>} : memref<16x3200xf32, #tpu.memory_space<vmem>>, vector<16xf32>,
      tpu.vector_store %arg6[%swap3A_417, %swap3A_418], %broadcast_in_dim3A_179 {strides = array<i32>} : memref<16x3200xf32, #tpu.memory_space<vmem>>, vector<16xf32>,
      %swap3A_420 = arith.index_cast %scan3A_335 : i32 to index
      %swap3A_421 = arith.constant 448 : index
      %swap3A_422 = tpu.vector_load %arg6[%swap3A_420, %swap3A_421] {strides = array<i32>} : memref<16x3200xf32, #tpu.memory_space<vmem>>, vector<16xf32>,
      tpu.vector_store %arg6[%swap3A_420, %swap3A_421], %broadcast_in_dim3A_179 {strides = array<i32>} : memref<16x3200xf32, #tpu.memory_space<vmem>>, vector<16xf32>,
      %swap3A_423 = arith.index_cast %scan3A_335 : i32 to index
      %swap3A_424 = arith.constant 464 : index
      %swap3A_425 = tpu.vector_load %arg6[%swap3A_423, %swap3A_424] {strides = array<i32>} : memref<16x3200xf32, #tpu.memory_space<vmem>>, vector<16xf32>,
      tpu.vector_store %arg6[%swap3A_423, %swap3A_424], %broadcast_in_dim3A_179 {strides = array<i32>} : memref<16x3200xf32, #tpu.memory_space<vmem>>, vector<16xf32>,
      %swap3A_426 = arith.index_cast %scan3A_335 : i32 to index
      %swap3A_427 = arith.constant 480 : index
      %swap3A_428 = tpu.vector_load %arg6[%swap3A_426, %swap3A_427] {strides = array<i32>} : memref<16x3200xf32, #tpu.memory_space<vmem>>, vector<16xf32>,
      tpu.vector_store %arg6[%swap3A_426, %swap3A_427], %broadcast_in_dim3A_179 {strides = array<i32>} : memref<16x3200xf32, #tpu.memory_space<vmem>>, vector<16xf32>,
      %swap3A_429 = arith.index_cast %scan3A_335 : i32 to index
      %swap3A_430 = arith.constant 496 : index
      %swap3A_431 = tpu.vector_load %arg6[%swap3A_429, %swap3A_430] {strides = array<i32>} : memref<16x3200xf32, #tpu.memory_space<vmem>>, vector<16xf32>,
      tpu.vector_store %arg6[%swap3A_429, %swap3A_430], %broadcast_in_dim3A_179 {strides = array<i32>} : memref<16x3200xf32, #tpu.memory_space<vmem>>, vector<16xf32>,
      %swap3A_432 = arith.index_cast %scan3A_335 : i32 to index
      %swap3A_433 = arith.constant 512 : index
      %swap3A_434 = tpu.vector_load %arg6[%swap3A_432, %swap3A_433] {strides = array<i32>} : memref<16x3200xf32, #tpu.memory_space<vmem>>, vector<16xf32>,
      tpu.vector_store %arg6[%swap3A_432, %swap3A_433], %broadcast_in_dim3A_179 {strides = array<i32>} : memref<16x3200xf32, #tpu.memory_space<vmem>>, vector<16xf32>,
      %swap3A_435 = arith.index_cast %scan3A_335 : i32 to index
      %swap3A_436 = arith.constant 528 : index
      %swap3A_437 = tpu.vector_load %arg6[%swap3A_435, %swap3A_436] {strides = array<i32>} : memref<16x3200xf32, #tpu.memory_space<vmem>>, vector<16xf32>,
      tpu.vector_store %arg6[%swap3A_435, %swap3A_436], %broadcast_in_dim3A_179 {strides = array<i32>} : memref<16x3200xf32, #tpu.memory_space<vmem>>, vector<16xf32>,
      %swap3A_438 = arith.index_cast %scan3A_335 : i32 to index
      %swap3A_439 = arith.constant 544 : index
      %swap3A_440 = tpu.vector_load %arg6[%swap3A_438, %swap3A_439] {strides = array<i32>} : memref<16x3200xf32, #tpu.memory_space<vmem>>, vector<16xf32>,
      tpu.vector_store %arg6[%swap3A_438, %swap3A_439], %broadcast_in_dim3A_179 {strides = array<i32>} : memref<16x3200xf32, #tpu.memory_space<vmem>>, vector<16xf32>,
      %swap3A_441 = arith.index_cast %scan3A_335 : i32 to index
      %swap3A_442 = arith.constant 560 : index
      %swap3A_443 = tpu.vector_load %arg6[%swap3A_441, %swap3A_442] {strides = array<i32>} : memref<16x3200xf32, #tpu.memory_space<vmem>>, vector<16xf32>,
      tpu.vector_store %arg6[%swap3A_441, %swap3A_442], %broadcast_in_dim3A_179 {strides = array<i32>} : memref<16x3200xf32, #tpu.memory_space<vmem>>, vector<16xf32>,
      %swap3A_444 = arith.index_cast %scan3A_335 : i32 to index
      %swap3A_445 = arith.constant 576 : index
      %swap3A_446 = tpu.vector_load %arg6[%swap3A_444, %swap3A_445] {strides = array<i32>} : memref<16x3200xf32, #tpu.memory_space<vmem>>, vector<16xf32>,
      tpu.vector_store %arg6[%swap3A_444, %swap3A_445], %broadcast_in_dim3A_179 {strides = array<i32>} : memref<16x3200xf32, #tpu.memory_space<vmem>>, vector<16xf32>,
      %swap3A_447 = arith.index_cast %scan3A_335 : i32 to index
      %swap3A_448 = arith.constant 592 : index
      %swap3A_449 = tpu.vector_load %arg6[%swap3A_447, %swap3A_448] {strides = array<i32>} : memref<16x3200xf32, #tpu.memory_space<vmem>>, vector<16xf32>,
      tpu.vector_store %arg6[%swap3A_447, %swap3A_448], %broadcast_in_dim3A_179 {strides = array<i32>} : memref<16x3200xf32, #tpu.memory_space<vmem>>, vector<16xf32>,
      %swap3A_450 = arith.index_cast %scan3A_335 : i32 to index
      %swap3A_451 = arith.constant 608 : index
      %swap3A_452 = tpu.vector_load %arg6[%swap3A_450, %swap3A_451] {strides = array<i32>} : memref<16x3200xf32, #tpu.memory_space<vmem>>, vector<16xf32>,
      tpu.vector_store %arg6[%swap3A_450, %swap3A_451], %broadcast_in_dim3A_179 {strides = array<i32>} : memref<16x3200xf32, #tpu.memory_space<vmem>>, vector<16xf32>,
      %swap3A_453 = arith.index_cast %scan3A_335 : i32 to index
      %swap3A_454 = arith.constant 624 : index
      %swap3A_455 = tpu.vector_load %arg6[%swap3A_453, %swap3A_454] {strides = array<i32>} : memref<16x3200xf32, #tpu.memory_space<vmem>>, vector<16xf32>,
      tpu.vector_store %arg6[%swap3A_453, %swap3A_454], %broadcast_in_dim3A_179 {strides = array<i32>} : memref<16x3200xf32, #tpu.memory_space<vmem>>, vector<16xf32>,
      %swap3A_456 = arith.index_cast %scan3A_335 : i32 to index
      %swap3A_457 = arith.constant 640 : index
      %swap3A_458 = tpu.vector_load %arg6[%swap3A_456, %swap3A_457] {strides = array<i32>} : memref<16x3200xf32, #tpu.memory_space<vmem>>, vector<16xf32>,
      tpu.vector_store %arg6[%swap3A_456, %swap3A_457], %broadcast_in_dim3A_179 {strides = array<i32>} : memref<16x3200xf32, #tpu.memory_space<vmem>>, vector<16xf32>,
      %swap3A_459 = arith.index_cast %scan3A_335 : i32 to index
      %swap3A_460 = arith.constant 656 : index
      %swap3A_461 = tpu.vector_load %arg6[%swap3A_459, %swap3A_460] {strides = array<i32>} : memref<16x3200xf32, #tpu.memory_space<vmem>>, vector<16xf32>,
      tpu.vector_store %arg6[%swap3A_459, %swap3A_460], %broadcast_in_dim3A_179 {strides = array<i32>} : memref<16x3200xf32, #tpu.memory_space<vmem>>, vector<16xf32>,
      %swap3A_462 = arith.index_cast %scan3A_335 : i32 to index
      %swap3A_463 = arith.constant 672 : index
      %swap3A_464 = tpu.vector_load %arg6[%swap3A_462, %swap3A_463] {strides = array<i32>} : memref<16x3200xf32, #tpu.memory_space<vmem>>, vector<16xf32>,
      tpu.vector_store %arg6[%swap3A_462, %swap3A_463], %broadcast_in_dim3A_179 {strides = array<i32>} : memref<16x3200xf32, #tpu.memory_space<vmem>>, vector<16xf32>,
      %swap3A_465 = arith.index_cast %scan3A_335 : i32 to index
      %swap3A_466 = arith.constant 688 : index
      %swap3A_467 = tpu.vector_load %arg6[%swap3A_465, %swap3A_466] {strides = array<i32>} : memref<16x3200xf32, #tpu.memory_space<vmem>>, vector<16xf32>,
      tpu.vector_store %arg6[%swap3A_465, %swap3A_466], %broadcast_in_dim3A_179 {strides = array<i32>} : memref<16x3200xf32, #tpu.memory_space<vmem>>, vector<16xf32>,
      %swap3A_468 = arith.index_cast %scan3A_335 : i32 to index
      %swap3A_469 = arith.constant 704 : index
      %swap3A_470 = tpu.vector_load %arg6[%swap3A_468, %swap3A_469] {strides = array<i32>} : memref<16x3200xf32, #tpu.memory_space<vmem>>, vector<16xf32>,
      tpu.vector_store %arg6[%swap3A_468, %swap3A_469], %broadcast_in_dim3A_179 {strides = array<i32>} : memref<16x3200xf32, #tpu.memory_space<vmem>>, vector<16xf32>,
      %swap3A_471 = arith.index_cast %scan3A_335 : i32 to index
      %swap3A_472 = arith.constant 720 : index
      %swap3A_473 = tpu.vector_load %arg6[%swap3A_471, %swap3A_472] {strides = array<i32>} : memref<16x3200xf32, #tpu.memory_space<vmem>>, vector<16xf32>,
      tpu.vector_store %arg6[%swap3A_471, %swap3A_472], %broadcast_in_dim3A_179 {strides = array<i32>} : memref<16x3200xf32, #tpu.memory_space<vmem>>, vector<16xf32>,
      %swap3A_474 = arith.index_cast %scan3A_335 : i32 to index
      %swap3A_475 = arith.constant 736 : index
      %swap3A_476 = tpu.vector_load %arg6[%swap3A_474, %swap3A_475] {strides = array<i32>} : memref<16x3200xf32, #tpu.memory_space<vmem>>, vector<16xf32>,
      tpu.vector_store %arg6[%swap3A_474, %swap3A_475], %broadcast_in_dim3A_179 {strides = array<i32>} : memref<16x3200xf32, #tpu.memory_space<vmem>>, vector<16xf32>,
      %swap3A_477 = arith.index_cast %scan3A_335 : i32 to index
      %swap3A_478 = arith.constant 752 : index
      %swap3A_479 = tpu.vector_load %arg6[%swap3A_477, %swap3A_478] {strides = array<i32>} : memref<16x3200xf32, #tpu.memory_space<vmem>>, vector<16xf32>,
      tpu.vector_store %arg6[%swap3A_477, %swap3A_478], %broadcast_in_dim3A_179 {strides = array<i32>} : memref<16x3200xf32, #tpu.memory_space<vmem>>, vector<16xf32>,
      %swap3A_480 = arith.index_cast %scan3A_335 : i32 to index
      %swap3A_481 = arith.constant 768 : index
      %swap3A_482 = tpu.vector_load %arg6[%swap3A_480, %swap3A_481] {strides = array<i32>} : memref<16x3200xf32, #tpu.memory_space<vmem>>, vector<16xf32>,
      tpu.vector_store %arg6[%swap3A_480, %swap3A_481], %broadcast_in_dim3A_179 {strides = array<i32>} : memref<16x3200xf32, #tpu.memory_space<vmem>>, vector<16xf32>,
      %swap3A_483 = arith.index_cast %scan3A_335 : i32 to index
      %swap3A_484 = arith.constant 784 : index
      %swap3A_485 = tpu.vector_load %arg6[%swap3A_483, %swap3A_484] {strides = array<i32>} : memref<16x3200xf32, #tpu.memory_space<vmem>>, vector<16xf32>,
      tpu.vector_store %arg6[%swap3A_483, %swap3A_484], %broadcast_in_dim3A_179 {strides = array<i32>} : memref<16x3200xf32, #tpu.memory_space<vmem>>, vector<16xf32>,
      %swap3A_486 = arith.index_cast %scan3A_335 : i32 to index
      %swap3A_487 = arith.constant 800 : index
      %swap3A_488 = tpu.vector_load %arg6[%swap3A_486, %swap3A_487] {strides = array<i32>} : memref<16x3200xf32, #tpu.memory_space<vmem>>, vector<16xf32>,
      tpu.vector_store %arg6[%swap3A_486, %swap3A_487], %broadcast_in_dim3A_179 {strides = array<i32>} : memref<16x3200xf32, #tpu.memory_space<vmem>>, vector<16xf32>,
      %swap3A_489 = arith.index_cast %scan3A_335 : i32 to index
      %swap3A_490 = arith.constant 816 : index
      %swap3A_491 = tpu.vector_load %arg6[%swap3A_489, %swap3A_490] {strides = array<i32>} : memref<16x3200xf32, #tpu.memory_space<vmem>>, vector<16xf32>,
      tpu.vector_store %arg6[%swap3A_489, %swap3A_490], %broadcast_in_dim3A_179 {strides = array<i32>} : memref<16x3200xf32, #tpu.memory_space<vmem>>, vector<16xf32>,
      %swap3A_492 = arith.index_cast %scan3A_335 : i32 to index
      %swap3A_493 = arith.constant 832 : index
      %swap3A_494 = tpu.vector_load %arg6[%swap3A_492, %swap3A_493] {strides = array<i32>} : memref<16x3200xf32, #tpu.memory_space<vmem>>, vector<16xf32>,
      tpu.vector_store %arg6[%swap3A_492, %swap3A_493], %broadcast_in_dim3A_179 {strides = array<i32>} : memref<16x3200xf32, #tpu.memory_space<vmem>>, vector<16xf32>,
      %swap3A_495 = arith.index_cast %scan3A_335 : i32 to index
      %swap3A_496 = arith.constant 848 : index
      %swap3A_497 = tpu.vector_load %arg6[%swap3A_495, %swap3A_496] {strides = array<i32>} : memref<16x3200xf32, #tpu.memory_space<vmem>>, vector<16xf32>,
      tpu.vector_store %arg6[%swap3A_495, %swap3A_496], %broadcast_in_dim3A_179 {strides = array<i32>} : memref<16x3200xf32, #tpu.memory_space<vmem>>, vector<16xf32>,
      %swap3A_498 = arith.index_cast %scan3A_335 : i32 to index
      %swap3A_499 = arith.constant 864 : index
      %swap3A_500 = tpu.vector_load %arg6[%swap3A_498, %swap3A_499] {strides = array<i32>} : memref<16x3200xf32, #tpu.memory_space<vmem>>, vector<16xf32>,
      tpu.vector_store %arg6[%swap3A_498, %swap3A_499], %broadcast_in_dim3A_179 {strides = array<i32>} : memref<16x3200xf32, #tpu.memory_space<vmem>>, vector<16xf32>,
      %swap3A_501 = arith.index_cast %scan3A_335 : i32 to index
      %swap3A_502 = arith.constant 880 : index
      %swap3A_503 = tpu.vector_load %arg6[%swap3A_501, %swap3A_502] {strides = array<i32>} : memref<16x3200xf32, #tpu.memory_space<vmem>>, vector<16xf32>,
      tpu.vector_store %arg6[%swap3A_501, %swap3A_502], %broadcast_in_dim3A_179 {strides = array<i32>} : memref<16x3200xf32, #tpu.memory_space<vmem>>, vector<16xf32>,
      %swap3A_504 = arith.index_cast %scan3A_335 : i32 to index
      %swap3A_505 = arith.constant 896 : index
      %swap3A_506 = tpu.vector_load %arg6[%swap3A_504, %swap3A_505] {strides = array<i32>} : memref<16x3200xf32, #tpu.memory_space<vmem>>, vector<16xf32>,
      tpu.vector_store %arg6[%swap3A_504, %swap3A_505], %broadcast_in_dim3A_179 {strides = array<i32>} : memref<16x3200xf32, #tpu.memory_space<vmem>>, vector<16xf32>,
      %swap3A_507 = arith.index_cast %scan3A_335 : i32 to index
      %swap3A_508 = arith.constant 912 : index
      %swap3A_509 = tpu.vector_load %arg6[%swap3A_507, %swap3A_508] {strides = array<i32>} : memref<16x3200xf32, #tpu.memory_space<vmem>>, vector<16xf32>,
      tpu.vector_store %arg6[%swap3A_507, %swap3A_508], %broadcast_in_dim3A_179 {strides = array<i32>} : memref<16x3200xf32, #tpu.memory_space<vmem>>, vector<16xf32>,
      %swap3A_510 = arith.index_cast %scan3A_335 : i32 to index
      %swap3A_511 = arith.constant 928 : index
      %swap3A_512 = tpu.vector_load %arg6[%swap3A_510, %swap3A_511] {strides = array<i32>} : memref<16x3200xf32, #tpu.memory_space<vmem>>, vector<16xf32>,
      tpu.vector_store %arg6[%swap3A_510, %swap3A_511], %broadcast_in_dim3A_179 {strides = array<i32>} : memref<16x3200xf32, #tpu.memory_space<vmem>>, vector<16xf32>,
      %swap3A_513 = arith.index_cast %scan3A_335 : i32 to index
      %swap3A_514 = arith.constant 944 : index
      %swap3A_515 = tpu.vector_load %arg6[%swap3A_513, %swap3A_514] {strides = array<i32>} : memref<16x3200xf32, #tpu.memory_space<vmem>>, vector<16xf32>,
      tpu.vector_store %arg6[%swap3A_513, %swap3A_514], %broadcast_in_dim3A_179 {strides = array<i32>} : memref<16x3200xf32, #tpu.memory_space<vmem>>, vector<16xf32>,
      %swap3A_516 = arith.index_cast %scan3A_335 : i32 to index
      %swap3A_517 = arith.constant 960 : index
      %swap3A_518 = tpu.vector_load %arg6[%swap3A_516, %swap3A_517] {strides = array<i32>} : memref<16x3200xf32, #tpu.memory_space<vmem>>, vector<16xf32>,
      tpu.vector_store %arg6[%swap3A_516, %swap3A_517], %broadcast_in_dim3A_179 {strides = array<i32>} : memref<16x3200xf32, #tpu.memory_space<vmem>>, vector<16xf32>,
      %swap3A_519 = arith.index_cast %scan3A_335 : i32 to index
      %swap3A_520 = arith.constant 976 : index
      %swap3A_521 = tpu.vector_load %arg6[%swap3A_519, %swap3A_520] {strides = array<i32>} : memref<16x3200xf32, #tpu.memory_space<vmem>>, vector<16xf32>,
      tpu.vector_store %arg6[%swap3A_519, %swap3A_520], %broadcast_in_dim3A_179 {strides = array<i32>} : memref<16x3200xf32, #tpu.memory_space<vmem>>, vector<16xf32>,
      %swap3A_522 = arith.index_cast %scan3A_335 : i32 to index
      %swap3A_523 = arith.constant 992 : index
      %swap3A_524 = tpu.vector_load %arg6[%swap3A_522, %swap3A_523] {strides = array<i32>} : memref<16x3200xf32, #tpu.memory_space<vmem>>, vector<16xf32>,
      tpu.vector_store %arg6[%swap3A_522, %swap3A_523], %broadcast_in_dim3A_179 {strides = array<i32>} : memref<16x3200xf32, #tpu.memory_space<vmem>>, vector<16xf32>,
      %swap3A_525 = arith.index_cast %scan3A_335 : i32 to index
      %swap3A_526 = arith.constant 1008 : index
      %swap3A_527 = tpu.vector_load %arg6[%swap3A_525, %swap3A_526] {strides = array<i32>} : memref<16x3200xf32, #tpu.memory_space<vmem>>, vector<16xf32>,
      tpu.vector_store %arg6[%swap3A_525, %swap3A_526], %broadcast_in_dim3A_179 {strides = array<i32>} : memref<16x3200xf32, #tpu.memory_space<vmem>>, vector<16xf32>,
      %swap3A_528 = arith.index_cast %scan3A_335 : i32 to index
      %swap3A_529 = arith.constant 1024 : index
      %swap3A_530 = tpu.vector_load %arg6[%swap3A_528, %swap3A_529] {strides = array<i32>} : memref<16x3200xf32, #tpu.memory_space<vmem>>, vector<16xf32>,
      tpu.vector_store %arg6[%swap3A_528, %swap3A_529], %broadcast_in_dim3A_179 {strides = array<i32>} : memref<16x3200xf32, #tpu.memory_space<vmem>>, vector<16xf32>,
      %swap3A_531 = arith.index_cast %scan3A_335 : i32 to index
      %swap3A_532 = arith.constant 1040 : index
      %swap3A_533 = tpu.vector_load %arg6[%swap3A_531, %swap3A_532] {strides = array<i32>} : memref<16x3200xf32, #tpu.memory_space<vmem>>, vector<16xf32>,
      tpu.vector_store %arg6[%swap3A_531, %swap3A_532], %broadcast_in_dim3A_179 {strides = array<i32>} : memref<16x3200xf32, #tpu.memory_space<vmem>>, vector<16xf32>,
      %swap3A_534 = arith.index_cast %scan3A_335 : i32 to index
      %swap3A_535 = arith.constant 1056 : index
      %swap3A_536 = tpu.vector_load %arg6[%swap3A_534, %swap3A_535] {strides = array<i32>} : memref<16x3200xf32, #tpu.memory_space<vmem>>, vector<16xf32>,
      tpu.vector_store %arg6[%swap3A_534, %swap3A_535], %broadcast_in_dim3A_179 {strides = array<i32>} : memref<16x3200xf32, #tpu.memory_space<vmem>>, vector<16xf32>,
      %swap3A_537 = arith.index_cast %scan3A_335 : i32 to index
      %swap3A_538 = arith.constant 1072 : index
      %swap3A_539 = tpu.vector_load %arg6[%swap3A_537, %swap3A_538] {strides = array<i32>} : memref<16x3200xf32, #tpu.memory_space<vmem>>, vector<16xf32>,
      tpu.vector_store %arg6[%swap3A_537, %swap3A_538], %broadcast_in_dim3A_179 {strides = array<i32>} : memref<16x3200xf32, #tpu.memory_space<vmem>>, vector<16xf32>,
      %swap3A_540 = arith.index_cast %scan3A_335 : i32 to index
      %swap3A_541 = arith.constant 1088 : index
      %swap3A_542 = tpu.vector_load %arg6[%swap3A_540, %swap3A_541] {strides = array<i32>} : memref<16x3200xf32, #tpu.memory_space<vmem>>, vector<16xf32>,
      tpu.vector_store %arg6[%swap3A_540, %swap3A_541], %broadcast_in_dim3A_179 {strides = array<i32>} : memref<16x3200xf32, #tpu.memory_space<vmem>>, vector<16xf32>,
      %swap3A_543 = arith.index_cast %scan3A_335 : i32 to index
      %swap3A_544 = arith.constant 1104 : index
      %swap3A_545 = tpu.vector_load %arg6[%swap3A_543, %swap3A_544] {strides = array<i32>} : memref<16x3200xf32, #tpu.memory_space<vmem>>, vector<16xf32>,
      tpu.vector_store %arg6[%swap3A_543, %swap3A_544], %broadcast_in_dim3A_179 {strides = array<i32>} : memref<16x3200xf32, #tpu.memory_space<vmem>>, vector<16xf32>,
      %swap3A_546 = arith.index_cast %scan3A_335 : i32 to index
      %swap3A_547 = arith.constant 1120 : index
      %swap3A_548 = tpu.vector_load %arg6[%swap3A_546, %swap3A_547] {strides = array<i32>} : memref<16x3200xf32, #tpu.memory_space<vmem>>, vector<16xf32>,
      tpu.vector_store %arg6[%swap3A_546, %swap3A_547], %broadcast_in_dim3A_179 {strides = array<i32>} : memref<16x3200xf32, #tpu.memory_space<vmem>>, vector<16xf32>,
      %swap3A_549 = arith.index_cast %scan3A_335 : i32 to index
      %swap3A_550 = arith.constant 1136 : index
      %swap3A_551 = tpu.vector_load %arg6[%swap3A_549, %swap3A_550] {strides = array<i32>} : memref<16x3200xf32, #tpu.memory_space<vmem>>, vector<16xf32>,
      tpu.vector_store %arg6[%swap3A_549, %swap3A_550], %broadcast_in_dim3A_179 {strides = array<i32>} : memref<16x3200xf32, #tpu.memory_space<vmem>>, vector<16xf32>,
      %swap3A_552 = arith.index_cast %scan3A_335 : i32 to index
      %swap3A_553 = arith.constant 1152 : index
      %swap3A_554 = tpu.vector_load %arg6[%swap3A_552, %swap3A_553] {strides = array<i32>} : memref<16x3200xf32, #tpu.memory_space<vmem>>, vector<16xf32>,
      tpu.vector_store %arg6[%swap3A_552, %swap3A_553], %broadcast_in_dim3A_179 {strides = array<i32>} : memref<16x3200xf32, #tpu.memory_space<vmem>>, vector<16xf32>,
      %swap3A_555 = arith.index_cast %scan3A_335 : i32 to index
      %swap3A_556 = arith.constant 1168 : index
      %swap3A_557 = tpu.vector_load %arg6[%swap3A_555, %swap3A_556] {strides = array<i32>} : memref<16x3200xf32, #tpu.memory_space<vmem>>, vector<16xf32>,
      tpu.vector_store %arg6[%swap3A_555, %swap3A_556], %broadcast_in_dim3A_179 {strides = array<i32>} : memref<16x3200xf32, #tpu.memory_space<vmem>>, vector<16xf32>,
      %swap3A_558 = arith.index_cast %scan3A_335 : i32 to index
      %swap3A_559 = arith.constant 1184 : index
      %swap3A_560 = tpu.vector_load %arg6[%swap3A_558, %swap3A_559] {strides = array<i32>} : memref<16x3200xf32, #tpu.memory_space<vmem>>, vector<16xf32>,
      tpu.vector_store %arg6[%swap3A_558, %swap3A_559], %broadcast_in_dim3A_179 {strides = array<i32>} : memref<16x3200xf32, #tpu.memory_space<vmem>>, vector<16xf32>,
      %swap3A_561 = arith.index_cast %scan3A_335 : i32 to index
      %swap3A_562 = arith.constant 1200 : index
      %swap3A_563 = tpu.vector_load %arg6[%swap3A_561, %swap3A_562] {strides = array<i32>} : memref<16x3200xf32, #tpu.memory_space<vmem>>, vector<16xf32>,
      tpu.vector_store %arg6[%swap3A_561, %swap3A_562], %broadcast_in_dim3A_179 {strides = array<i32>} : memref<16x3200xf32, #tpu.memory_space<vmem>>, vector<16xf32>,
      %swap3A_564 = arith.index_cast %scan3A_335 : i32 to index
      %swap3A_565 = arith.constant 1216 : index
      %swap3A_566 = tpu.vector_load %arg6[%swap3A_564, %swap3A_565] {strides = array<i32>} : memref<16x3200xf32, #tpu.memory_space<vmem>>, vector<16xf32>,
      tpu.vector_store %arg6[%swap3A_564, %swap3A_565], %broadcast_in_dim3A_179 {strides = array<i32>} : memref<16x3200xf32, #tpu.memory_space<vmem>>, vector<16xf32>,
      %swap3A_567 = arith.index_cast %scan3A_335 : i32 to index
      %swap3A_568 = arith.constant 1232 : index
      %swap3A_569 = tpu.vector_load %arg6[%swap3A_567, %swap3A_568] {strides = array<i32>} : memref<16x3200xf32, #tpu.memory_space<vmem>>, vector<16xf32>,
      tpu.vector_store %arg6[%swap3A_567, %swap3A_568], %broadcast_in_dim3A_179 {strides = array<i32>} : memref<16x3200xf32, #tpu.memory_space<vmem>>, vector<16xf32>,
      %swap3A_570 = arith.index_cast %scan3A_335 : i32 to index
      %swap3A_571 = arith.constant 1248 : index
      %swap3A_572 = tpu.vector_load %arg6[%swap3A_570, %swap3A_571] {strides = array<i32>} : memref<16x3200xf32, #tpu.memory_space<vmem>>, vector<16xf32>,
      tpu.vector_store %arg6[%swap3A_570, %swap3A_571], %broadcast_in_dim3A_179 {strides = array<i32>} : memref<16x3200xf32, #tpu.memory_space<vmem>>, vector<16xf32>,
      %swap3A_573 = arith.index_cast %scan3A_335 : i32 to index
      %swap3A_574 = arith.constant 1264 : index
      %swap3A_575 = tpu.vector_load %arg6[%swap3A_573, %swap3A_574] {strides = array<i32>} : memref<16x3200xf32, #tpu.memory_space<vmem>>, vector<16xf32>,
      tpu.vector_store %arg6[%swap3A_573, %swap3A_574], %broadcast_in_dim3A_179 {strides = array<i32>} : memref<16x3200xf32, #tpu.memory_space<vmem>>, vector<16xf32>,
      %swap3A_576 = arith.index_cast %scan3A_335 : i32 to index
      %swap3A_577 = arith.constant 1280 : index
      %swap3A_578 = tpu.vector_load %arg6[%swap3A_576, %swap3A_577] {strides = array<i32>} : memref<16x3200xf32, #tpu.memory_space<vmem>>, vector<16xf32>,
      tpu.vector_store %arg6[%swap3A_576, %swap3A_577], %broadcast_in_dim3A_179 {strides = array<i32>} : memref<16x3200xf32, #tpu.memory_space<vmem>>, vector<16xf32>,
      %swap3A_579 = arith.index_cast %scan3A_335 : i32 to index
      %swap3A_580 = arith.constant 1296 : index
      %swap3A_581 = tpu.vector_load %arg6[%swap3A_579, %swap3A_580] {strides = array<i32>} : memref<16x3200xf32, #tpu.memory_space<vmem>>, vector<16xf32>,
      tpu.vector_store %arg6[%swap3A_579, %swap3A_580], %broadcast_in_dim3A_179 {strides = array<i32>} : memref<16x3200xf32, #tpu.memory_space<vmem>>, vector<16xf32>,
      %swap3A_582 = arith.index_cast %scan3A_335 : i32 to index
      %swap3A_583 = arith.constant 1312 : index
      %swap3A_584 = tpu.vector_load %arg6[%swap3A_582, %swap3A_583] {strides = array<i32>} : memref<16x3200xf32, #tpu.memory_space<vmem>>, vector<16xf32>,
      tpu.vector_store %arg6[%swap3A_582, %swap3A_583], %broadcast_in_dim3A_179 {strides = array<i32>} : memref<16x3200xf32, #tpu.memory_space<vmem>>, vector<16xf32>,
      %swap3A_585 = arith.index_cast %scan3A_335 : i32 to index
      %swap3A_586 = arith.constant 1328 : index
      %swap3A_587 = tpu.vector_load %arg6[%swap3A_585, %swap3A_586] {strides = array<i32>} : memref<16x3200xf32, #tpu.memory_space<vmem>>, vector<16xf32>,
      tpu.vector_store %arg6[%swap3A_585, %swap3A_586], %broadcast_in_dim3A_179 {strides = array<i32>} : memref<16x3200xf32, #tpu.memory_space<vmem>>, vector<16xf32>,
      %swap3A_588 = arith.index_cast %scan3A_335 : i32 to index
      %swap3A_589 = arith.constant 1344 : index
      %swap3A_590 = tpu.vector_load %arg6[%swap3A_588, %swap3A_589] {strides = array<i32>} : memref<16x3200xf32, #tpu.memory_space<vmem>>, vector<16xf32>,
      tpu.vector_store %arg6[%swap3A_588, %swap3A_589], %broadcast_in_dim3A_179 {strides = array<i32>} : memref<16x3200xf32, #tpu.memory_space<vmem>>, vector<16xf32>,
      %swap3A_591 = arith.index_cast %scan3A_335 : i32 to index
      %swap3A_592 = arith.constant 1360 : index
      %swap3A_593 = tpu.vector_load %arg6[%swap3A_591, %swap3A_592] {strides = array<i32>} : memref<16x3200xf32, #tpu.memory_space<vmem>>, vector<16xf32>,
      tpu.vector_store %arg6[%swap3A_591, %swap3A_592], %broadcast_in_dim3A_179 {strides = array<i32>} : memref<16x3200xf32, #tpu.memory_space<vmem>>, vector<16xf32>,
      %swap3A_594 = arith.index_cast %scan3A_335 : i32 to index
      %swap3A_595 = arith.constant 1376 : index
      %swap3A_596 = tpu.vector_load %arg6[%swap3A_594, %swap3A_595] {strides = array<i32>} : memref<16x3200xf32, #tpu.memory_space<vmem>>, vector<16xf32>,
      tpu.vector_store %arg6[%swap3A_594, %swap3A_595], %broadcast_in_dim3A_179 {strides = array<i32>} : memref<16x3200xf32, #tpu.memory_space<vmem>>, vector<16xf32>,
      %swap3A_597 = arith.index_cast %scan3A_335 : i32 to index
      %swap3A_598 = arith.constant 1392 : index
      %swap3A_599 = tpu.vector_load %arg6[%swap3A_597, %swap3A_598] {strides = array<i32>} : memref<16x3200xf32, #tpu.memory_space<vmem>>, vector<16xf32>,
      tpu.vector_store %arg6[%swap3A_597, %swap3A_598], %broadcast_in_dim3A_179 {strides = array<i32>} : memref<16x3200xf32, #tpu.memory_space<vmem>>, vector<16xf32>,
      %swap3A_600 = arith.index_cast %scan3A_335 : i32 to index
      %swap3A_601 = arith.constant 1408 : index
      %swap3A_602 = tpu.vector_load %arg6[%swap3A_600, %swap3A_601] {strides = array<i32>} : memref<16x3200xf32, #tpu.memory_space<vmem>>, vector<16xf32>,
      tpu.vector_store %arg6[%swap3A_600, %swap3A_601], %broadcast_in_dim3A_179 {strides = array<i32>} : memref<16x3200xf32, #tpu.memory_space<vmem>>, vector<16xf32>,
      %swap3A_603 = arith.index_cast %scan3A_335 : i32 to index
      %swap3A_604 = arith.constant 1424 : index
      %swap3A_605 = tpu.vector_load %arg6[%swap3A_603, %swap3A_604] {strides = array<i32>} : memref<16x3200xf32, #tpu.memory_space<vmem>>, vector<16xf32>,
      tpu.vector_store %arg6[%swap3A_603, %swap3A_604], %broadcast_in_dim3A_179 {strides = array<i32>} : memref<16x3200xf32, #tpu.memory_space<vmem>>, vector<16xf32>,
      %swap3A_606 = arith.index_cast %scan3A_335 : i32 to index
      %swap3A_607 = arith.constant 1440 : index
      %swap3A_608 = tpu.vector_load %arg6[%swap3A_606, %swap3A_607] {strides = array<i32>} : memref<16x3200xf32, #tpu.memory_space<vmem>>, vector<16xf32>,
      tpu.vector_store %arg6[%swap3A_606, %swap3A_607], %broadcast_in_dim3A_179 {strides = array<i32>} : memref<16x3200xf32, #tpu.memory_space<vmem>>, vector<16xf32>,
      %swap3A_609 = arith.index_cast %scan3A_335 : i32 to index
      %swap3A_610 = arith.constant 1456 : index
      %swap3A_611 = tpu.vector_load %arg6[%swap3A_609, %swap3A_610] {strides = array<i32>} : memref<16x3200xf32, #tpu.memory_space<vmem>>, vector<16xf32>,
      tpu.vector_store %arg6[%swap3A_609, %swap3A_610], %broadcast_in_dim3A_179 {strides = array<i32>} : memref<16x3200xf32, #tpu.memory_space<vmem>>, vector<16xf32>,
      %swap3A_612 = arith.index_cast %scan3A_335 : i32 to index
      %swap3A_613 = arith.constant 1472 : index
      %swap3A_614 = tpu.vector_load %arg6[%swap3A_612, %swap3A_613] {strides = array<i32>} : memref<16x3200xf32, #tpu.memory_space<vmem>>, vector<16xf32>,
      tpu.vector_store %arg6[%swap3A_612, %swap3A_613], %broadcast_in_dim3A_179 {strides = array<i32>} : memref<16x3200xf32, #tpu.memory_space<vmem>>, vector<16xf32>,
      %swap3A_615 = arith.index_cast %scan3A_335 : i32 to index
      %swap3A_616 = arith.constant 1488 : index
      %swap3A_617 = tpu.vector_load %arg6[%swap3A_615, %swap3A_616] {strides = array<i32>} : memref<16x3200xf32, #tpu.memory_space<vmem>>, vector<16xf32>,
      tpu.vector_store %arg6[%swap3A_615, %swap3A_616], %broadcast_in_dim3A_179 {strides = array<i32>} : memref<16x3200xf32, #tpu.memory_space<vmem>>, vector<16xf32>,
      %swap3A_618 = arith.index_cast %scan3A_335 : i32 to index
      %swap3A_619 = arith.constant 1504 : index
      %swap3A_620 = tpu.vector_load %arg6[%swap3A_618, %swap3A_619] {strides = array<i32>} : memref<16x3200xf32, #tpu.memory_space<vmem>>, vector<16xf32>,
      tpu.vector_store %arg6[%swap3A_618, %swap3A_619], %broadcast_in_dim3A_179 {strides = array<i32>} : memref<16x3200xf32, #tpu.memory_space<vmem>>, vector<16xf32>,
      %swap3A_621 = arith.index_cast %scan3A_335 : i32 to index
      %swap3A_622 = arith.constant 1520 : index
      %swap3A_623 = tpu.vector_load %arg6[%swap3A_621, %swap3A_622] {strides = array<i32>} : memref<16x3200xf32, #tpu.memory_space<vmem>>, vector<16xf32>,
      tpu.vector_store %arg6[%swap3A_621, %swap3A_622], %broadcast_in_dim3A_179 {strides = array<i32>} : memref<16x3200xf32, #tpu.memory_space<vmem>>, vector<16xf32>,
      %swap3A_624 = arith.index_cast %scan3A_335 : i32 to index
      %swap3A_625 = arith.constant 1536 : index
      %swap3A_626 = tpu.vector_load %arg6[%swap3A_624, %swap3A_625] {strides = array<i32>} : memref<16x3200xf32, #tpu.memory_space<vmem>>, vector<16xf32>,
      tpu.vector_store %arg6[%swap3A_624, %swap3A_625], %broadcast_in_dim3A_179 {strides = array<i32>} : memref<16x3200xf32, #tpu.memory_space<vmem>>, vector<16xf32>,
      %swap3A_627 = arith.index_cast %scan3A_335 : i32 to index
      %swap3A_628 = arith.constant 1552 : index
      %swap3A_629 = tpu.vector_load %arg6[%swap3A_627, %swap3A_628] {strides = array<i32>} : memref<16x3200xf32, #tpu.memory_space<vmem>>, vector<16xf32>,
      tpu.vector_store %arg6[%swap3A_627, %swap3A_628], %broadcast_in_dim3A_179 {strides = array<i32>} : memref<16x3200xf32, #tpu.memory_space<vmem>>, vector<16xf32>,
      %swap3A_630 = arith.index_cast %scan3A_335 : i32 to index
      %swap3A_631 = arith.constant 1568 : index
      %swap3A_632 = tpu.vector_load %arg6[%swap3A_630, %swap3A_631] {strides = array<i32>} : memref<16x3200xf32, #tpu.memory_space<vmem>>, vector<16xf32>,
      tpu.vector_store %arg6[%swap3A_630, %swap3A_631], %broadcast_in_dim3A_179 {strides = array<i32>} : memref<16x3200xf32, #tpu.memory_space<vmem>>, vector<16xf32>,
      %swap3A_633 = arith.index_cast %scan3A_335 : i32 to index
      %swap3A_634 = arith.constant 1584 : index
      %swap3A_635 = tpu.vector_load %arg6[%swap3A_633, %swap3A_634] {strides = array<i32>} : memref<16x3200xf32, #tpu.memory_space<vmem>>, vector<16xf32>,
      tpu.vector_store %arg6[%swap3A_633, %swap3A_634], %broadcast_in_dim3A_179 {strides = array<i32>} : memref<16x3200xf32, #tpu.memory_space<vmem>>, vector<16xf32>,
      %swap3A_636 = arith.index_cast %scan3A_335 : i32 to index
      %swap3A_637 = arith.constant 1600 : index
      %swap3A_638 = tpu.vector_load %arg6[%swap3A_636, %swap3A_637] {strides = array<i32>} : memref<16x3200xf32, #tpu.memory_space<vmem>>, vector<16xf32>,
      tpu.vector_store %arg6[%swap3A_636, %swap3A_637], %broadcast_in_dim3A_179 {strides = array<i32>} : memref<16x3200xf32, #tpu.memory_space<vmem>>, vector<16xf32>,
      %swap3A_639 = arith.index_cast %scan3A_335 : i32 to index
      %swap3A_640 = arith.constant 1616 : index
      %swap3A_641 = tpu.vector_load %arg6[%swap3A_639, %swap3A_640] {strides = array<i32>} : memref<16x3200xf32, #tpu.memory_space<vmem>>, vector<16xf32>,
      tpu.vector_store %arg6[%swap3A_639, %swap3A_640], %broadcast_in_dim3A_179 {strides = array<i32>} : memref<16x3200xf32, #tpu.memory_space<vmem>>, vector<16xf32>,
      %swap3A_642 = arith.index_cast %scan3A_335 : i32 to index
      %swap3A_643 = arith.constant 1632 : index
      %swap3A_644 = tpu.vector_load %arg6[%swap3A_642, %swap3A_643] {strides = array<i32>} : memref<16x3200xf32, #tpu.memory_space<vmem>>, vector<16xf32>,
      tpu.vector_store %arg6[%swap3A_642, %swap3A_643], %broadcast_in_dim3A_179 {strides = array<i32>} : memref<16x3200xf32, #tpu.memory_space<vmem>>, vector<16xf32>,
      %swap3A_645 = arith.index_cast %scan3A_335 : i32 to index
      %swap3A_646 = arith.constant 1648 : index
      %swap3A_647 = tpu.vector_load %arg6[%swap3A_645, %swap3A_646] {strides = array<i32>} : memref<16x3200xf32, #tpu.memory_space<vmem>>, vector<16xf32>,
      tpu.vector_store %arg6[%swap3A_645, %swap3A_646], %broadcast_in_dim3A_179 {strides = array<i32>} : memref<16x3200xf32, #tpu.memory_space<vmem>>, vector<16xf32>,
      %swap3A_648 = arith.index_cast %scan3A_335 : i32 to index
      %swap3A_649 = arith.constant 1664 : index
      %swap3A_650 = tpu.vector_load %arg6[%swap3A_648, %swap3A_649] {strides = array<i32>} : memref<16x3200xf32, #tpu.memory_space<vmem>>, vector<16xf32>,
      tpu.vector_store %arg6[%swap3A_648, %swap3A_649], %broadcast_in_dim3A_179 {strides = array<i32>} : memref<16x3200xf32, #tpu.memory_space<vmem>>, vector<16xf32>,
      %swap3A_651 = arith.index_cast %scan3A_335 : i32 to index
      %swap3A_652 = arith.constant 1680 : index
      %swap3A_653 = tpu.vector_load %arg6[%swap3A_651, %swap3A_652] {strides = array<i32>} : memref<16x3200xf32, #tpu.memory_space<vmem>>, vector<16xf32>,
      tpu.vector_store %arg6[%swap3A_651, %swap3A_652], %broadcast_in_dim3A_179 {strides = array<i32>} : memref<16x3200xf32, #tpu.memory_space<vmem>>, vector<16xf32>,
      %swap3A_654 = arith.index_cast %scan3A_335 : i32 to index
      %swap3A_655 = arith.constant 1696 : index
      %swap3A_656 = tpu.vector_load %arg6[%swap3A_654, %swap3A_655] {strides = array<i32>} : memref<16x3200xf32, #tpu.memory_space<vmem>>, vector<16xf32>,
      tpu.vector_store %arg6[%swap3A_654, %swap3A_655], %broadcast_in_dim3A_179 {strides = array<i32>} : memref<16x3200xf32, #tpu.memory_space<vmem>>, vector<16xf32>,
      %swap3A_657 = arith.index_cast %scan3A_335 : i32 to index
      %swap3A_658 = arith.constant 1712 : index
      %swap3A_659 = tpu.vector_load %arg6[%swap3A_657, %swap3A_658] {strides = array<i32>} : memref<16x3200xf32, #tpu.memory_space<vmem>>, vector<16xf32>,
      tpu.vector_store %arg6[%swap3A_657, %swap3A_658], %broadcast_in_dim3A_179 {strides = array<i32>} : memref<16x3200xf32, #tpu.memory_space<vmem>>, vector<16xf32>,
      %swap3A_660 = arith.index_cast %scan3A_335 : i32 to index
      %swap3A_661 = arith.constant 1728 : index
      %swap3A_662 = tpu.vector_load %arg6[%swap3A_660, %swap3A_661] {strides = array<i32>} : memref<16x3200xf32, #tpu.memory_space<vmem>>, vector<16xf32>,
      tpu.vector_store %arg6[%swap3A_660, %swap3A_661], %broadcast_in_dim3A_179 {strides = array<i32>} : memref<16x3200xf32, #tpu.memory_space<vmem>>, vector<16xf32>,
      %swap3A_663 = arith.index_cast %scan3A_335 : i32 to index
      %swap3A_664 = arith.constant 1744 : index
      %swap3A_665 = tpu.vector_load %arg6[%swap3A_663, %swap3A_664] {strides = array<i32>} : memref<16x3200xf32, #tpu.memory_space<vmem>>, vector<16xf32>,
      tpu.vector_store %arg6[%swap3A_663, %swap3A_664], %broadcast_in_dim3A_179 {strides = array<i32>} : memref<16x3200xf32, #tpu.memory_space<vmem>>, vector<16xf32>,
      %swap3A_666 = arith.index_cast %scan3A_335 : i32 to index
      %swap3A_667 = arith.constant 1760 : index
      %swap3A_668 = tpu.vector_load %arg6[%swap3A_666, %swap3A_667] {strides = array<i32>} : memref<16x3200xf32, #tpu.memory_space<vmem>>, vector<16xf32>,
      tpu.vector_store %arg6[%swap3A_666, %swap3A_667], %broadcast_in_dim3A_179 {strides = array<i32>} : memref<16x3200xf32, #tpu.memory_space<vmem>>, vector<16xf32>,
      %swap3A_669 = arith.index_cast %scan3A_335 : i32 to index
      %swap3A_670 = arith.constant 1776 : index
      %swap3A_671 = tpu.vector_load %arg6[%swap3A_669, %swap3A_670] {strides = array<i32>} : memref<16x3200xf32, #tpu.memory_space<vmem>>, vector<16xf32>,
      tpu.vector_store %arg6[%swap3A_669, %swap3A_670], %broadcast_in_dim3A_179 {strides = array<i32>} : memref<16x3200xf32, #tpu.memory_space<vmem>>, vector<16xf32>,
      %swap3A_672 = arith.index_cast %scan3A_335 : i32 to index
      %swap3A_673 = arith.constant 1792 : index
      %swap3A_674 = tpu.vector_load %arg6[%swap3A_672, %swap3A_673] {strides = array<i32>} : memref<16x3200xf32, #tpu.memory_space<vmem>>, vector<16xf32>,
      tpu.vector_store %arg6[%swap3A_672, %swap3A_673], %broadcast_in_dim3A_179 {strides = array<i32>} : memref<16x3200xf32, #tpu.memory_space<vmem>>, vector<16xf32>,
      %swap3A_675 = arith.index_cast %scan3A_335 : i32 to index
      %swap3A_676 = arith.constant 1808 : index
      %swap3A_677 = tpu.vector_load %arg6[%swap3A_675, %swap3A_676] {strides = array<i32>} : memref<16x3200xf32, #tpu.memory_space<vmem>>, vector<16xf32>,
      tpu.vector_store %arg6[%swap3A_675, %swap3A_676], %broadcast_in_dim3A_179 {strides = array<i32>} : memref<16x3200xf32, #tpu.memory_space<vmem>>, vector<16xf32>,
      %swap3A_678 = arith.index_cast %scan3A_335 : i32 to index
      %swap3A_679 = arith.constant 1824 : index
      %swap3A_680 = tpu.vector_load %arg6[%swap3A_678, %swap3A_679] {strides = array<i32>} : memref<16x3200xf32, #tpu.memory_space<vmem>>, vector<16xf32>,
      tpu.vector_store %arg6[%swap3A_678, %swap3A_679], %broadcast_in_dim3A_179 {strides = array<i32>} : memref<16x3200xf32, #tpu.memory_space<vmem>>, vector<16xf32>,
      %swap3A_681 = arith.index_cast %scan3A_335 : i32 to index
      %swap3A_682 = arith.constant 1840 : index
      %swap3A_683 = tpu.vector_load %arg6[%swap3A_681, %swap3A_682] {strides = array<i32>} : memref<16x3200xf32, #tpu.memory_space<vmem>>, vector<16xf32>,
      tpu.vector_store %arg6[%swap3A_681, %swap3A_682], %broadcast_in_dim3A_179 {strides = array<i32>} : memref<16x3200xf32, #tpu.memory_space<vmem>>, vector<16xf32>,
      %swap3A_684 = arith.index_cast %scan3A_335 : i32 to index
      %swap3A_685 = arith.constant 1856 : index
      %swap3A_686 = tpu.vector_load %arg6[%swap3A_684, %swap3A_685] {strides = array<i32>} : memref<16x3200xf32, #tpu.memory_space<vmem>>, vector<16xf32>,
      tpu.vector_store %arg6[%swap3A_684, %swap3A_685], %broadcast_in_dim3A_179 {strides = array<i32>} : memref<16x3200xf32, #tpu.memory_space<vmem>>, vector<16xf32>,
      %swap3A_687 = arith.index_cast %scan3A_335 : i32 to index
      %swap3A_688 = arith.constant 1872 : index
      %swap3A_689 = tpu.vector_load %arg6[%swap3A_687, %swap3A_688] {strides = array<i32>} : memref<16x3200xf32, #tpu.memory_space<vmem>>, vector<16xf32>,
      tpu.vector_store %arg6[%swap3A_687, %swap3A_688], %broadcast_in_dim3A_179 {strides = array<i32>} : memref<16x3200xf32, #tpu.memory_space<vmem>>, vector<16xf32>,
      %swap3A_690 = arith.index_cast %scan3A_335 : i32 to index
      %swap3A_691 = arith.constant 1888 : index
      %swap3A_692 = tpu.vector_load %arg6[%swap3A_690, %swap3A_691] {strides = array<i32>} : memref<16x3200xf32, #tpu.memory_space<vmem>>, vector<16xf32>,
      tpu.vector_store %arg6[%swap3A_690, %swap3A_691], %broadcast_in_dim3A_179 {strides = array<i32>} : memref<16x3200xf32, #tpu.memory_space<vmem>>, vector<16xf32>,
      %swap3A_693 = arith.index_cast %scan3A_335 : i32 to index
      %swap3A_694 = arith.constant 1904 : index
      %swap3A_695 = tpu.vector_load %arg6[%swap3A_693, %swap3A_694] {strides = array<i32>} : memref<16x3200xf32, #tpu.memory_space<vmem>>, vector<16xf32>,
      tpu.vector_store %arg6[%swap3A_693, %swap3A_694], %broadcast_in_dim3A_179 {strides = array<i32>} : memref<16x3200xf32, #tpu.memory_space<vmem>>, vector<16xf32>,
      %swap3A_696 = arith.index_cast %scan3A_335 : i32 to index
      %swap3A_697 = arith.constant 1920 : index
      %swap3A_698 = tpu.vector_load %arg6[%swap3A_696, %swap3A_697] {strides = array<i32>} : memref<16x3200xf32, #tpu.memory_space<vmem>>, vector<16xf32>,
      tpu.vector_store %arg6[%swap3A_696, %swap3A_697], %broadcast_in_dim3A_179 {strides = array<i32>} : memref<16x3200xf32, #tpu.memory_space<vmem>>, vector<16xf32>,
      %swap3A_699 = arith.index_cast %scan3A_335 : i32 to index
      %swap3A_700 = arith.constant 1936 : index
      %swap3A_701 = tpu.vector_load %arg6[%swap3A_699, %swap3A_700] {strides = array<i32>} : memref<16x3200xf32, #tpu.memory_space<vmem>>, vector<16xf32>,
      tpu.vector_store %arg6[%swap3A_699, %swap3A_700], %broadcast_in_dim3A_179 {strides = array<i32>} : memref<16x3200xf32, #tpu.memory_space<vmem>>, vector<16xf32>,
      %swap3A_702 = arith.index_cast %scan3A_335 : i32 to index
      %swap3A_703 = arith.constant 1952 : index
      %swap3A_704 = tpu.vector_load %arg6[%swap3A_702, %swap3A_703] {strides = array<i32>} : memref<16x3200xf32, #tpu.memory_space<vmem>>, vector<16xf32>,
      tpu.vector_store %arg6[%swap3A_702, %swap3A_703], %broadcast_in_dim3A_179 {strides = array<i32>} : memref<16x3200xf32, #tpu.memory_space<vmem>>, vector<16xf32>,
      %swap3A_705 = arith.index_cast %scan3A_335 : i32 to index
      %swap3A_706 = arith.constant 1968 : index
      %swap3A_707 = tpu.vector_load %arg6[%swap3A_705, %swap3A_706] {strides = array<i32>} : memref<16x3200xf32, #tpu.memory_space<vmem>>, vector<16xf32>,
      tpu.vector_store %arg6[%swap3A_705, %swap3A_706], %broadcast_in_dim3A_179 {strides = array<i32>} : memref<16x3200xf32, #tpu.memory_space<vmem>>, vector<16xf32>,
      %swap3A_708 = arith.index_cast %scan3A_335 : i32 to index
      %swap3A_709 = arith.constant 1984 : index
      %swap3A_710 = tpu.vector_load %arg6[%swap3A_708, %swap3A_709] {strides = array<i32>} : memref<16x3200xf32, #tpu.memory_space<vmem>>, vector<16xf32>,
      tpu.vector_store %arg6[%swap3A_708, %swap3A_709], %broadcast_in_dim3A_179 {strides = array<i32>} : memref<16x3200xf32, #tpu.memory_space<vmem>>, vector<16xf32>,
      %swap3A_711 = arith.index_cast %scan3A_335 : i32 to index
      %swap3A_712 = arith.constant 2000 : index
      %swap3A_713 = tpu.vector_load %arg6[%swap3A_711, %swap3A_712] {strides = array<i32>} : memref<16x3200xf32, #tpu.memory_space<vmem>>, vector<16xf32>,
      tpu.vector_store %arg6[%swap3A_711, %swap3A_712], %broadcast_in_dim3A_179 {strides = array<i32>} : memref<16x3200xf32, #tpu.memory_space<vmem>>, vector<16xf32>,
      %swap3A_714 = arith.index_cast %scan3A_335 : i32 to index
      %swap3A_715 = arith.constant 2016 : index
      %swap3A_716 = tpu.vector_load %arg6[%swap3A_714, %swap3A_715] {strides = array<i32>} : memref<16x3200xf32, #tpu.memory_space<vmem>>, vector<16xf32>,
      tpu.vector_store %arg6[%swap3A_714, %swap3A_715], %broadcast_in_dim3A_179 {strides = array<i32>} : memref<16x3200xf32, #tpu.memory_space<vmem>>, vector<16xf32>,
      %swap3A_717 = arith.index_cast %scan3A_335 : i32 to index
      %swap3A_718 = arith.constant 2032 : index
      %swap3A_719 = tpu.vector_load %arg6[%swap3A_717, %swap3A_718] {strides = array<i32>} : memref<16x3200xf32, #tpu.memory_space<vmem>>, vector<16xf32>,
      tpu.vector_store %arg6[%swap3A_717, %swap3A_718], %broadcast_in_dim3A_179 {strides = array<i32>} : memref<16x3200xf32, #tpu.memory_space<vmem>>, vector<16xf32>,
      %swap3A_720 = arith.index_cast %scan3A_335 : i32 to index
      %swap3A_721 = arith.constant 2048 : index
      %swap3A_722 = tpu.vector_load %arg6[%swap3A_720, %swap3A_721] {strides = array<i32>} : memref<16x3200xf32, #tpu.memory_space<vmem>>, vector<16xf32>,
      tpu.vector_store %arg6[%swap3A_720, %swap3A_721], %broadcast_in_dim3A_179 {strides = array<i32>} : memref<16x3200xf32, #tpu.memory_space<vmem>>, vector<16xf32>,
      %swap3A_723 = arith.index_cast %scan3A_335 : i32 to index
      %swap3A_724 = arith.constant 2064 : index
      %swap3A_725 = tpu.vector_load %arg6[%swap3A_723, %swap3A_724] {strides = array<i32>} : memref<16x3200xf32, #tpu.memory_space<vmem>>, vector<16xf32>,
      tpu.vector_store %arg6[%swap3A_723, %swap3A_724], %broadcast_in_dim3A_179 {strides = array<i32>} : memref<16x3200xf32, #tpu.memory_space<vmem>>, vector<16xf32>,
      %swap3A_726 = arith.index_cast %scan3A_335 : i32 to index
      %swap3A_727 = arith.constant 2080 : index
      %swap3A_728 = tpu.vector_load %arg6[%swap3A_726, %swap3A_727] {strides = array<i32>} : memref<16x3200xf32, #tpu.memory_space<vmem>>, vector<16xf32>,
      tpu.vector_store %arg6[%swap3A_726, %swap3A_727], %broadcast_in_dim3A_179 {strides = array<i32>} : memref<16x3200xf32, #tpu.memory_space<vmem>>, vector<16xf32>,
      %swap3A_729 = arith.index_cast %scan3A_335 : i32 to index
      %swap3A_730 = arith.constant 2096 : index
      %swap3A_731 = tpu.vector_load %arg6[%swap3A_729, %swap3A_730] {strides = array<i32>} : memref<16x3200xf32, #tpu.memory_space<vmem>>, vector<16xf32>,
      tpu.vector_store %arg6[%swap3A_729, %swap3A_730], %broadcast_in_dim3A_179 {strides = array<i32>} : memref<16x3200xf32, #tpu.memory_space<vmem>>, vector<16xf32>,
      %swap3A_732 = arith.index_cast %scan3A_335 : i32 to index
      %swap3A_733 = arith.constant 2112 : index
      %swap3A_734 = tpu.vector_load %arg6[%swap3A_732, %swap3A_733] {strides = array<i32>} : memref<16x3200xf32, #tpu.memory_space<vmem>>, vector<16xf32>,
      tpu.vector_store %arg6[%swap3A_732, %swap3A_733], %broadcast_in_dim3A_179 {strides = array<i32>} : memref<16x3200xf32, #tpu.memory_space<vmem>>, vector<16xf32>,
      %swap3A_735 = arith.index_cast %scan3A_335 : i32 to index
      %swap3A_736 = arith.constant 2128 : index
      %swap3A_737 = tpu.vector_load %arg6[%swap3A_735, %swap3A_736] {strides = array<i32>} : memref<16x3200xf32, #tpu.memory_space<vmem>>, vector<16xf32>,
      tpu.vector_store %arg6[%swap3A_735, %swap3A_736], %broadcast_in_dim3A_179 {strides = array<i32>} : memref<16x3200xf32, #tpu.memory_space<vmem>>, vector<16xf32>,
      %swap3A_738 = arith.index_cast %scan3A_335 : i32 to index
      %swap3A_739 = arith.constant 2144 : index
      %swap3A_740 = tpu.vector_load %arg6[%swap3A_738, %swap3A_739] {strides = array<i32>} : memref<16x3200xf32, #tpu.memory_space<vmem>>, vector<16xf32>,
      tpu.vector_store %arg6[%swap3A_738, %swap3A_739], %broadcast_in_dim3A_179 {strides = array<i32>} : memref<16x3200xf32, #tpu.memory_space<vmem>>, vector<16xf32>,
      %swap3A_741 = arith.index_cast %scan3A_335 : i32 to index
      %swap3A_742 = arith.constant 2160 : index
      %swap3A_743 = tpu.vector_load %arg6[%swap3A_741, %swap3A_742] {strides = array<i32>} : memref<16x3200xf32, #tpu.memory_space<vmem>>, vector<16xf32>,
      tpu.vector_store %arg6[%swap3A_741, %swap3A_742], %broadcast_in_dim3A_179 {strides = array<i32>} : memref<16x3200xf32, #tpu.memory_space<vmem>>, vector<16xf32>,
      %swap3A_744 = arith.index_cast %scan3A_335 : i32 to index
      %swap3A_745 = arith.constant 2176 : index
      %swap3A_746 = tpu.vector_load %arg6[%swap3A_744, %swap3A_745] {strides = array<i32>} : memref<16x3200xf32, #tpu.memory_space<vmem>>, vector<16xf32>,
      tpu.vector_store %arg6[%swap3A_744, %swap3A_745], %broadcast_in_dim3A_179 {strides = array<i32>} : memref<16x3200xf32, #tpu.memory_space<vmem>>, vector<16xf32>,
      %swap3A_747 = arith.index_cast %scan3A_335 : i32 to index
      %swap3A_748 = arith.constant 2192 : index
      %swap3A_749 = tpu.vector_load %arg6[%swap3A_747, %swap3A_748] {strides = array<i32>} : memref<16x3200xf32, #tpu.memory_space<vmem>>, vector<16xf32>,
      tpu.vector_store %arg6[%swap3A_747, %swap3A_748], %broadcast_in_dim3A_179 {strides = array<i32>} : memref<16x3200xf32, #tpu.memory_space<vmem>>, vector<16xf32>,
      %swap3A_750 = arith.index_cast %scan3A_335 : i32 to index
      %swap3A_751 = arith.constant 2208 : index
      %swap3A_752 = tpu.vector_load %arg6[%swap3A_750, %swap3A_751] {strides = array<i32>} : memref<16x3200xf32, #tpu.memory_space<vmem>>, vector<16xf32>,
      tpu.vector_store %arg6[%swap3A_750, %swap3A_751], %broadcast_in_dim3A_179 {strides = array<i32>} : memref<16x3200xf32, #tpu.memory_space<vmem>>, vector<16xf32>,
      %swap3A_753 = arith.index_cast %scan3A_335 : i32 to index
      %swap3A_754 = arith.constant 2224 : index
      %swap3A_755 = tpu.vector_load %arg6[%swap3A_753, %swap3A_754] {strides = array<i32>} : memref<16x3200xf32, #tpu.memory_space<vmem>>, vector<16xf32>,
      tpu.vector_store %arg6[%swap3A_753, %swap3A_754], %broadcast_in_dim3A_179 {strides = array<i32>} : memref<16x3200xf32, #tpu.memory_space<vmem>>, vector<16xf32>,
      %swap3A_756 = arith.index_cast %scan3A_335 : i32 to index
      %swap3A_757 = arith.constant 2240 : index
      %swap3A_758 = tpu.vector_load %arg6[%swap3A_756, %swap3A_757] {strides = array<i32>} : memref<16x3200xf32, #tpu.memory_space<vmem>>, vector<16xf32>,
      tpu.vector_store %arg6[%swap3A_756, %swap3A_757], %broadcast_in_dim3A_179 {strides = array<i32>} : memref<16x3200xf32, #tpu.memory_space<vmem>>, vector<16xf32>,
      %swap3A_759 = arith.index_cast %scan3A_335 : i32 to index
      %swap3A_760 = arith.constant 2256 : index
      %swap3A_761 = tpu.vector_load %arg6[%swap3A_759, %swap3A_760] {strides = array<i32>} : memref<16x3200xf32, #tpu.memory_space<vmem>>, vector<16xf32>,
      tpu.vector_store %arg6[%swap3A_759, %swap3A_760], %broadcast_in_dim3A_179 {strides = array<i32>} : memref<16x3200xf32, #tpu.memory_space<vmem>>, vector<16xf32>,
      %swap3A_762 = arith.index_cast %scan3A_335 : i32 to index
      %swap3A_763 = arith.constant 2272 : index
      %swap3A_764 = tpu.vector_load %arg6[%swap3A_762, %swap3A_763] {strides = array<i32>} : memref<16x3200xf32, #tpu.memory_space<vmem>>, vector<16xf32>,
      tpu.vector_store %arg6[%swap3A_762, %swap3A_763], %broadcast_in_dim3A_179 {strides = array<i32>} : memref<16x3200xf32, #tpu.memory_space<vmem>>, vector<16xf32>,
      %swap3A_765 = arith.index_cast %scan3A_335 : i32 to index
      %swap3A_766 = arith.constant 2288 : index
      %swap3A_767 = tpu.vector_load %arg6[%swap3A_765, %swap3A_766] {strides = array<i32>} : memref<16x3200xf32, #tpu.memory_space<vmem>>, vector<16xf32>,
      tpu.vector_store %arg6[%swap3A_765, %swap3A_766], %broadcast_in_dim3A_179 {strides = array<i32>} : memref<16x3200xf32, #tpu.memory_space<vmem>>, vector<16xf32>,
      %swap3A_768 = arith.index_cast %scan3A_335 : i32 to index
      %swap3A_769 = arith.constant 2304 : index
      %swap3A_770 = tpu.vector_load %arg6[%swap3A_768, %swap3A_769] {strides = array<i32>} : memref<16x3200xf32, #tpu.memory_space<vmem>>, vector<16xf32>,
      tpu.vector_store %arg6[%swap3A_768, %swap3A_769], %broadcast_in_dim3A_179 {strides = array<i32>} : memref<16x3200xf32, #tpu.memory_space<vmem>>, vector<16xf32>,
      %swap3A_771 = arith.index_cast %scan3A_335 : i32 to index
      %swap3A_772 = arith.constant 2320 : index
      %swap3A_773 = tpu.vector_load %arg6[%swap3A_771, %swap3A_772] {strides = array<i32>} : memref<16x3200xf32, #tpu.memory_space<vmem>>, vector<16xf32>,
      tpu.vector_store %arg6[%swap3A_771, %swap3A_772], %broadcast_in_dim3A_179 {strides = array<i32>} : memref<16x3200xf32, #tpu.memory_space<vmem>>, vector<16xf32>,
      %swap3A_774 = arith.index_cast %scan3A_335 : i32 to index
      %swap3A_775 = arith.constant 2336 : index
      %swap3A_776 = tpu.vector_load %arg6[%swap3A_774, %swap3A_775] {strides = array<i32>} : memref<16x3200xf32, #tpu.memory_space<vmem>>, vector<16xf32>,
      tpu.vector_store %arg6[%swap3A_774, %swap3A_775], %broadcast_in_dim3A_179 {strides = array<i32>} : memref<16x3200xf32, #tpu.memory_space<vmem>>, vector<16xf32>,
      %swap3A_777 = arith.index_cast %scan3A_335 : i32 to index
      %swap3A_778 = arith.constant 2352 : index
      %swap3A_779 = tpu.vector_load %arg6[%swap3A_777, %swap3A_778] {strides = array<i32>} : memref<16x3200xf32, #tpu.memory_space<vmem>>, vector<16xf32>,
      tpu.vector_store %arg6[%swap3A_777, %swap3A_778], %broadcast_in_dim3A_179 {strides = array<i32>} : memref<16x3200xf32, #tpu.memory_space<vmem>>, vector<16xf32>,
      %swap3A_780 = arith.index_cast %scan3A_335 : i32 to index
      %swap3A_781 = arith.constant 2368 : index
      %swap3A_782 = tpu.vector_load %arg6[%swap3A_780, %swap3A_781] {strides = array<i32>} : memref<16x3200xf32, #tpu.memory_space<vmem>>, vector<16xf32>,
      tpu.vector_store %arg6[%swap3A_780, %swap3A_781], %broadcast_in_dim3A_179 {strides = array<i32>} : memref<16x3200xf32, #tpu.memory_space<vmem>>, vector<16xf32>,
      %swap3A_783 = arith.index_cast %scan3A_335 : i32 to index
      %swap3A_784 = arith.constant 2384 : index
      %swap3A_785 = tpu.vector_load %arg6[%swap3A_783, %swap3A_784] {strides = array<i32>} : memref<16x3200xf32, #tpu.memory_space<vmem>>, vector<16xf32>,
      tpu.vector_store %arg6[%swap3A_783, %swap3A_784], %broadcast_in_dim3A_179 {strides = array<i32>} : memref<16x3200xf32, #tpu.memory_space<vmem>>, vector<16xf32>,
      %swap3A_786 = arith.index_cast %scan3A_335 : i32 to index
      %swap3A_787 = arith.constant 2400 : index
      %swap3A_788 = tpu.vector_load %arg6[%swap3A_786, %swap3A_787] {strides = array<i32>} : memref<16x3200xf32, #tpu.memory_space<vmem>>, vector<16xf32>,
      tpu.vector_store %arg6[%swap3A_786, %swap3A_787], %broadcast_in_dim3A_179 {strides = array<i32>} : memref<16x3200xf32, #tpu.memory_space<vmem>>, vector<16xf32>,
      %swap3A_789 = arith.index_cast %scan3A_335 : i32 to index
      %swap3A_790 = arith.constant 2416 : index
      %swap3A_791 = tpu.vector_load %arg6[%swap3A_789, %swap3A_790] {strides = array<i32>} : memref<16x3200xf32, #tpu.memory_space<vmem>>, vector<16xf32>,
      tpu.vector_store %arg6[%swap3A_789, %swap3A_790], %broadcast_in_dim3A_179 {strides = array<i32>} : memref<16x3200xf32, #tpu.memory_space<vmem>>, vector<16xf32>,
      %swap3A_792 = arith.index_cast %scan3A_335 : i32 to index
      %swap3A_793 = arith.constant 2432 : index
      %swap3A_794 = tpu.vector_load %arg6[%swap3A_792, %swap3A_793] {strides = array<i32>} : memref<16x3200xf32, #tpu.memory_space<vmem>>, vector<16xf32>,
      tpu.vector_store %arg6[%swap3A_792, %swap3A_793], %broadcast_in_dim3A_179 {strides = array<i32>} : memref<16x3200xf32, #tpu.memory_space<vmem>>, vector<16xf32>,
      %swap3A_795 = arith.index_cast %scan3A_335 : i32 to index
      %swap3A_796 = arith.constant 2448 : index
      %swap3A_797 = tpu.vector_load %arg6[%swap3A_795, %swap3A_796] {strides = array<i32>} : memref<16x3200xf32, #tpu.memory_space<vmem>>, vector<16xf32>,
      tpu.vector_store %arg6[%swap3A_795, %swap3A_796], %broadcast_in_dim3A_179 {strides = array<i32>} : memref<16x3200xf32, #tpu.memory_space<vmem>>, vector<16xf32>,
      %swap3A_798 = arith.index_cast %scan3A_335 : i32 to index
      %swap3A_799 = arith.constant 2464 : index
      %swap3A_800 = tpu.vector_load %arg6[%swap3A_798, %swap3A_799] {strides = array<i32>} : memref<16x3200xf32, #tpu.memory_space<vmem>>, vector<16xf32>,
      tpu.vector_store %arg6[%swap3A_798, %swap3A_799], %broadcast_in_dim3A_179 {strides = array<i32>} : memref<16x3200xf32, #tpu.memory_space<vmem>>, vector<16xf32>,
      %swap3A_801 = arith.index_cast %scan3A_335 : i32 to index
      %swap3A_802 = arith.constant 2480 : index
      %swap3A_803 = tpu.vector_load %arg6[%swap3A_801, %swap3A_802] {strides = array<i32>} : memref<16x3200xf32, #tpu.memory_space<vmem>>, vector<16xf32>,
      tpu.vector_store %arg6[%swap3A_801, %swap3A_802], %broadcast_in_dim3A_179 {strides = array<i32>} : memref<16x3200xf32, #tpu.memory_space<vmem>>, vector<16xf32>,
      %swap3A_804 = arith.index_cast %scan3A_335 : i32 to index
      %swap3A_805 = arith.constant 2496 : index
      %swap3A_806 = tpu.vector_load %arg6[%swap3A_804, %swap3A_805] {strides = array<i32>} : memref<16x3200xf32, #tpu.memory_space<vmem>>, vector<16xf32>,
      tpu.vector_store %arg6[%swap3A_804, %swap3A_805], %broadcast_in_dim3A_179 {strides = array<i32>} : memref<16x3200xf32, #tpu.memory_space<vmem>>, vector<16xf32>,
      %swap3A_807 = arith.index_cast %scan3A_335 : i32 to index
      %swap3A_808 = arith.constant 2512 : index
      %swap3A_809 = tpu.vector_load %arg6[%swap3A_807, %swap3A_808] {strides = array<i32>} : memref<16x3200xf32, #tpu.memory_space<vmem>>, vector<16xf32>,
      tpu.vector_store %arg6[%swap3A_807, %swap3A_808], %broadcast_in_dim3A_179 {strides = array<i32>} : memref<16x3200xf32, #tpu.memory_space<vmem>>, vector<16xf32>,
      %swap3A_810 = arith.index_cast %scan3A_335 : i32 to index
      %swap3A_811 = arith.constant 2528 : index
      %swap3A_812 = tpu.vector_load %arg6[%swap3A_810, %swap3A_811] {strides = array<i32>} : memref<16x3200xf32, #tpu.memory_space<vmem>>, vector<16xf32>,
      tpu.vector_store %arg6[%swap3A_810, %swap3A_811], %broadcast_in_dim3A_179 {strides = array<i32>} : memref<16x3200xf32, #tpu.memory_space<vmem>>, vector<16xf32>,
      %swap3A_813 = arith.index_cast %scan3A_335 : i32 to index
      %swap3A_814 = arith.constant 2544 : index
      %swap3A_815 = tpu.vector_load %arg6[%swap3A_813, %swap3A_814] {strides = array<i32>} : memref<16x3200xf32, #tpu.memory_space<vmem>>, vector<16xf32>,
      tpu.vector_store %arg6[%swap3A_813, %swap3A_814], %broadcast_in_dim3A_179 {strides = array<i32>} : memref<16x3200xf32, #tpu.memory_space<vmem>>, vector<16xf32>,
      %swap3A_816 = arith.index_cast %scan3A_335 : i32 to index
      %swap3A_817 = arith.constant 2560 : index
      %swap3A_818 = tpu.vector_load %arg6[%swap3A_816, %swap3A_817] {strides = array<i32>} : memref<16x3200xf32, #tpu.memory_space<vmem>>, vector<16xf32>,
      tpu.vector_store %arg6[%swap3A_816, %swap3A_817], %broadcast_in_dim3A_179 {strides = array<i32>} : memref<16x3200xf32, #tpu.memory_space<vmem>>, vector<16xf32>,
      %swap3A_819 = arith.index_cast %scan3A_335 : i32 to index
      %swap3A_820 = arith.constant 2576 : index
      %swap3A_821 = tpu.vector_load %arg6[%swap3A_819, %swap3A_820] {strides = array<i32>} : memref<16x3200xf32, #tpu.memory_space<vmem>>, vector<16xf32>,
      tpu.vector_store %arg6[%swap3A_819, %swap3A_820], %broadcast_in_dim3A_179 {strides = array<i32>} : memref<16x3200xf32, #tpu.memory_space<vmem>>, vector<16xf32>,
      %swap3A_822 = arith.index_cast %scan3A_335 : i32 to index
      %swap3A_823 = arith.constant 2592 : index
      %swap3A_824 = tpu.vector_load %arg6[%swap3A_822, %swap3A_823] {strides = array<i32>} : memref<16x3200xf32, #tpu.memory_space<vmem>>, vector<16xf32>,
      tpu.vector_store %arg6[%swap3A_822, %swap3A_823], %broadcast_in_dim3A_179 {strides = array<i32>} : memref<16x3200xf32, #tpu.memory_space<vmem>>, vector<16xf32>,
      %swap3A_825 = arith.index_cast %scan3A_335 : i32 to index
      %swap3A_826 = arith.constant 2608 : index
      %swap3A_827 = tpu.vector_load %arg6[%swap3A_825, %swap3A_826] {strides = array<i32>} : memref<16x3200xf32, #tpu.memory_space<vmem>>, vector<16xf32>,
      tpu.vector_store %arg6[%swap3A_825, %swap3A_826], %broadcast_in_dim3A_179 {strides = array<i32>} : memref<16x3200xf32, #tpu.memory_space<vmem>>, vector<16xf32>,
      %swap3A_828 = arith.index_cast %scan3A_335 : i32 to index
      %swap3A_829 = arith.constant 2624 : index
      %swap3A_830 = tpu.vector_load %arg6[%swap3A_828, %swap3A_829] {strides = array<i32>} : memref<16x3200xf32, #tpu.memory_space<vmem>>, vector<16xf32>,
      tpu.vector_store %arg6[%swap3A_828, %swap3A_829], %broadcast_in_dim3A_179 {strides = array<i32>} : memref<16x3200xf32, #tpu.memory_space<vmem>>, vector<16xf32>,
      %swap3A_831 = arith.index_cast %scan3A_335 : i32 to index
      %swap3A_832 = arith.constant 2640 : index
      %swap3A_833 = tpu.vector_load %arg6[%swap3A_831, %swap3A_832] {strides = array<i32>} : memref<16x3200xf32, #tpu.memory_space<vmem>>, vector<16xf32>,
      tpu.vector_store %arg6[%swap3A_831, %swap3A_832], %broadcast_in_dim3A_179 {strides = array<i32>} : memref<16x3200xf32, #tpu.memory_space<vmem>>, vector<16xf32>,
      %swap3A_834 = arith.index_cast %scan3A_335 : i32 to index
      %swap3A_835 = arith.constant 2656 : index
      %swap3A_836 = tpu.vector_load %arg6[%swap3A_834, %swap3A_835] {strides = array<i32>} : memref<16x3200xf32, #tpu.memory_space<vmem>>, vector<16xf32>,
      tpu.vector_store %arg6[%swap3A_834, %swap3A_835], %broadcast_in_dim3A_179 {strides = array<i32>} : memref<16x3200xf32, #tpu.memory_space<vmem>>, vector<16xf32>,
      %swap3A_837 = arith.index_cast %scan3A_335 : i32 to index
      %swap3A_838 = arith.constant 2672 : index
      %swap3A_839 = tpu.vector_load %arg6[%swap3A_837, %swap3A_838] {strides = array<i32>} : memref<16x3200xf32, #tpu.memory_space<vmem>>, vector<16xf32>,
      tpu.vector_store %arg6[%swap3A_837, %swap3A_838], %broadcast_in_dim3A_179 {strides = array<i32>} : memref<16x3200xf32, #tpu.memory_space<vmem>>, vector<16xf32>,
      %swap3A_840 = arith.index_cast %scan3A_335 : i32 to index
      %swap3A_841 = arith.constant 2688 : index
      %swap3A_842 = tpu.vector_load %arg6[%swap3A_840, %swap3A_841] {strides = array<i32>} : memref<16x3200xf32, #tpu.memory_space<vmem>>, vector<16xf32>,
      tpu.vector_store %arg6[%swap3A_840, %swap3A_841], %broadcast_in_dim3A_179 {strides = array<i32>} : memref<16x3200xf32, #tpu.memory_space<vmem>>, vector<16xf32>,
      %swap3A_843 = arith.index_cast %scan3A_335 : i32 to index
      %swap3A_844 = arith.constant 2704 : index
      %swap3A_845 = tpu.vector_load %arg6[%swap3A_843, %swap3A_844] {strides = array<i32>} : memref<16x3200xf32, #tpu.memory_space<vmem>>, vector<16xf32>,
      tpu.vector_store %arg6[%swap3A_843, %swap3A_844], %broadcast_in_dim3A_179 {strides = array<i32>} : memref<16x3200xf32, #tpu.memory_space<vmem>>, vector<16xf32>,
      %swap3A_846 = arith.index_cast %scan3A_335 : i32 to index
      %swap3A_847 = arith.constant 2720 : index
      %swap3A_848 = tpu.vector_load %arg6[%swap3A_846, %swap3A_847] {strides = array<i32>} : memref<16x3200xf32, #tpu.memory_space<vmem>>, vector<16xf32>,
      tpu.vector_store %arg6[%swap3A_846, %swap3A_847], %broadcast_in_dim3A_179 {strides = array<i32>} : memref<16x3200xf32, #tpu.memory_space<vmem>>, vector<16xf32>,
      %swap3A_849 = arith.index_cast %scan3A_335 : i32 to index
      %swap3A_850 = arith.constant 2736 : index
      %swap3A_851 = tpu.vector_load %arg6[%swap3A_849, %swap3A_850] {strides = array<i32>} : memref<16x3200xf32, #tpu.memory_space<vmem>>, vector<16xf32>,
      tpu.vector_store %arg6[%swap3A_849, %swap3A_850], %broadcast_in_dim3A_179 {strides = array<i32>} : memref<16x3200xf32, #tpu.memory_space<vmem>>, vector<16xf32>,
      %swap3A_852 = arith.index_cast %scan3A_335 : i32 to index
      %swap3A_853 = arith.constant 2752 : index
      %swap3A_854 = tpu.vector_load %arg6[%swap3A_852, %swap3A_853] {strides = array<i32>} : memref<16x3200xf32, #tpu.memory_space<vmem>>, vector<16xf32>,
      tpu.vector_store %arg6[%swap3A_852, %swap3A_853], %broadcast_in_dim3A_179 {strides = array<i32>} : memref<16x3200xf32, #tpu.memory_space<vmem>>, vector<16xf32>,
      %swap3A_855 = arith.index_cast %scan3A_335 : i32 to index
      %swap3A_856 = arith.constant 2768 : index
      %swap3A_857 = tpu.vector_load %arg6[%swap3A_855, %swap3A_856] {strides = array<i32>} : memref<16x3200xf32, #tpu.memory_space<vmem>>, vector<16xf32>,
      tpu.vector_store %arg6[%swap3A_855, %swap3A_856], %broadcast_in_dim3A_179 {strides = array<i32>} : memref<16x3200xf32, #tpu.memory_space<vmem>>, vector<16xf32>,
      %swap3A_858 = arith.index_cast %scan3A_335 : i32 to index
      %swap3A_859 = arith.constant 2784 : index
      %swap3A_860 = tpu.vector_load %arg6[%swap3A_858, %swap3A_859] {strides = array<i32>} : memref<16x3200xf32, #tpu.memory_space<vmem>>, vector<16xf32>,
      tpu.vector_store %arg6[%swap3A_858, %swap3A_859], %broadcast_in_dim3A_179 {strides = array<i32>} : memref<16x3200xf32, #tpu.memory_space<vmem>>, vector<16xf32>,
      %swap3A_861 = arith.index_cast %scan3A_335 : i32 to index
      %swap3A_862 = arith.constant 2800 : index
      %swap3A_863 = tpu.vector_load %arg6[%swap3A_861, %swap3A_862] {strides = array<i32>} : memref<16x3200xf32, #tpu.memory_space<vmem>>, vector<16xf32>,
      tpu.vector_store %arg6[%swap3A_861, %swap3A_862], %broadcast_in_dim3A_179 {strides = array<i32>} : memref<16x3200xf32, #tpu.memory_space<vmem>>, vector<16xf32>,
      %swap3A_864 = arith.index_cast %scan3A_335 : i32 to index
      %swap3A_865 = arith.constant 2816 : index
      %swap3A_866 = tpu.vector_load %arg6[%swap3A_864, %swap3A_865] {strides = array<i32>} : memref<16x3200xf32, #tpu.memory_space<vmem>>, vector<16xf32>,
      tpu.vector_store %arg6[%swap3A_864, %swap3A_865], %broadcast_in_dim3A_179 {strides = array<i32>} : memref<16x3200xf32, #tpu.memory_space<vmem>>, vector<16xf32>,
      %swap3A_867 = arith.index_cast %scan3A_335 : i32 to index
      %swap3A_868 = arith.constant 2832 : index
      %swap3A_869 = tpu.vector_load %arg6[%swap3A_867, %swap3A_868] {strides = array<i32>} : memref<16x3200xf32, #tpu.memory_space<vmem>>, vector<16xf32>,
      tpu.vector_store %arg6[%swap3A_867, %swap3A_868], %broadcast_in_dim3A_179 {strides = array<i32>} : memref<16x3200xf32, #tpu.memory_space<vmem>>, vector<16xf32>,
      %swap3A_870 = arith.index_cast %scan3A_335 : i32 to index
      %swap3A_871 = arith.constant 2848 : index
      %swap3A_872 = tpu.vector_load %arg6[%swap3A_870, %swap3A_871] {strides = array<i32>} : memref<16x3200xf32, #tpu.memory_space<vmem>>, vector<16xf32>,
      tpu.vector_store %arg6[%swap3A_870, %swap3A_871], %broadcast_in_dim3A_179 {strides = array<i32>} : memref<16x3200xf32, #tpu.memory_space<vmem>>, vector<16xf32>,
      %swap3A_873 = arith.index_cast %scan3A_335 : i32 to index
      %swap3A_874 = arith.constant 2864 : index
      %swap3A_875 = tpu.vector_load %arg6[%swap3A_873, %swap3A_874] {strides = array<i32>} : memref<16x3200xf32, #tpu.memory_space<vmem>>, vector<16xf32>,
      tpu.vector_store %arg6[%swap3A_873, %swap3A_874], %broadcast_in_dim3A_179 {strides = array<i32>} : memref<16x3200xf32, #tpu.memory_space<vmem>>, vector<16xf32>,
      %swap3A_876 = arith.index_cast %scan3A_335 : i32 to index
      %swap3A_877 = arith.constant 2880 : index
      %swap3A_878 = tpu.vector_load %arg6[%swap3A_876, %swap3A_877] {strides = array<i32>} : memref<16x3200xf32, #tpu.memory_space<vmem>>, vector<16xf32>,
      tpu.vector_store %arg6[%swap3A_876, %swap3A_877], %broadcast_in_dim3A_179 {strides = array<i32>} : memref<16x3200xf32, #tpu.memory_space<vmem>>, vector<16xf32>,
      %swap3A_879 = arith.index_cast %scan3A_335 : i32 to index
      %swap3A_880 = arith.constant 2896 : index
      %swap3A_881 = tpu.vector_load %arg6[%swap3A_879, %swap3A_880] {strides = array<i32>} : memref<16x3200xf32, #tpu.memory_space<vmem>>, vector<16xf32>,
      tpu.vector_store %arg6[%swap3A_879, %swap3A_880], %broadcast_in_dim3A_179 {strides = array<i32>} : memref<16x3200xf32, #tpu.memory_space<vmem>>, vector<16xf32>,
      %swap3A_882 = arith.index_cast %scan3A_335 : i32 to index
      %swap3A_883 = arith.constant 2912 : index
      %swap3A_884 = tpu.vector_load %arg6[%swap3A_882, %swap3A_883] {strides = array<i32>} : memref<16x3200xf32, #tpu.memory_space<vmem>>, vector<16xf32>,
      tpu.vector_store %arg6[%swap3A_882, %swap3A_883], %broadcast_in_dim3A_179 {strides = array<i32>} : memref<16x3200xf32, #tpu.memory_space<vmem>>, vector<16xf32>,
      %swap3A_885 = arith.index_cast %scan3A_335 : i32 to index
      %swap3A_886 = arith.constant 2928 : index
      %swap3A_887 = tpu.vector_load %arg6[%swap3A_885, %swap3A_886] {strides = array<i32>} : memref<16x3200xf32, #tpu.memory_space<vmem>>, vector<16xf32>,
      tpu.vector_store %arg6[%swap3A_885, %swap3A_886], %broadcast_in_dim3A_179 {strides = array<i32>} : memref<16x3200xf32, #tpu.memory_space<vmem>>, vector<16xf32>,
      %swap3A_888 = arith.index_cast %scan3A_335 : i32 to index
      %swap3A_889 = arith.constant 2944 : index
      %swap3A_890 = tpu.vector_load %arg6[%swap3A_888, %swap3A_889] {strides = array<i32>} : memref<16x3200xf32, #tpu.memory_space<vmem>>, vector<16xf32>,
      tpu.vector_store %arg6[%swap3A_888, %swap3A_889], %broadcast_in_dim3A_179 {strides = array<i32>} : memref<16x3200xf32, #tpu.memory_space<vmem>>, vector<16xf32>,
      %swap3A_891 = arith.index_cast %scan3A_335 : i32 to index
      %swap3A_892 = arith.constant 2960 : index
      %swap3A_893 = tpu.vector_load %arg6[%swap3A_891, %swap3A_892] {strides = array<i32>} : memref<16x3200xf32, #tpu.memory_space<vmem>>, vector<16xf32>,
      tpu.vector_store %arg6[%swap3A_891, %swap3A_892], %broadcast_in_dim3A_179 {strides = array<i32>} : memref<16x3200xf32, #tpu.memory_space<vmem>>, vector<16xf32>,
      %swap3A_894 = arith.index_cast %scan3A_335 : i32 to index
      %swap3A_895 = arith.constant 2976 : index
      %swap3A_896 = tpu.vector_load %arg6[%swap3A_894, %swap3A_895] {strides = array<i32>} : memref<16x3200xf32, #tpu.memory_space<vmem>>, vector<16xf32>,
      tpu.vector_store %arg6[%swap3A_894, %swap3A_895], %broadcast_in_dim3A_179 {strides = array<i32>} : memref<16x3200xf32, #tpu.memory_space<vmem>>, vector<16xf32>,
      %swap3A_897 = arith.index_cast %scan3A_335 : i32 to index
      %swap3A_898 = arith.constant 2992 : index
      %swap3A_899 = tpu.vector_load %arg6[%swap3A_897, %swap3A_898] {strides = array<i32>} : memref<16x3200xf32, #tpu.memory_space<vmem>>, vector<16xf32>,
      tpu.vector_store %arg6[%swap3A_897, %swap3A_898], %broadcast_in_dim3A_179 {strides = array<i32>} : memref<16x3200xf32, #tpu.memory_space<vmem>>, vector<16xf32>,
      %swap3A_900 = arith.index_cast %scan3A_335 : i32 to index
      %swap3A_901 = arith.constant 3008 : index
      %swap3A_902 = tpu.vector_load %arg6[%swap3A_900, %swap3A_901] {strides = array<i32>} : memref<16x3200xf32, #tpu.memory_space<vmem>>, vector<16xf32>,
      tpu.vector_store %arg6[%swap3A_900, %swap3A_901], %broadcast_in_dim3A_179 {strides = array<i32>} : memref<16x3200xf32, #tpu.memory_space<vmem>>, vector<16xf32>,
      %swap3A_903 = arith.index_cast %scan3A_335 : i32 to index
      %swap3A_904 = arith.constant 3024 : index
      %swap3A_905 = tpu.vector_load %arg6[%swap3A_903, %swap3A_904] {strides = array<i32>} : memref<16x3200xf32, #tpu.memory_space<vmem>>, vector<16xf32>,
      tpu.vector_store %arg6[%swap3A_903, %swap3A_904], %broadcast_in_dim3A_179 {strides = array<i32>} : memref<16x3200xf32, #tpu.memory_space<vmem>>, vector<16xf32>,
      %swap3A_906 = arith.index_cast %scan3A_335 : i32 to index
      %swap3A_907 = arith.constant 3040 : index
      %swap3A_908 = tpu.vector_load %arg6[%swap3A_906, %swap3A_907] {strides = array<i32>} : memref<16x3200xf32, #tpu.memory_space<vmem>>, vector<16xf32>,
      tpu.vector_store %arg6[%swap3A_906, %swap3A_907], %broadcast_in_dim3A_179 {strides = array<i32>} : memref<16x3200xf32, #tpu.memory_space<vmem>>, vector<16xf32>,
      %swap3A_909 = arith.index_cast %scan3A_335 : i32 to index
      %swap3A_910 = arith.constant 3056 : index
      %swap3A_911 = tpu.vector_load %arg6[%swap3A_909, %swap3A_910] {strides = array<i32>} : memref<16x3200xf32, #tpu.memory_space<vmem>>, vector<16xf32>,
      tpu.vector_store %arg6[%swap3A_909, %swap3A_910], %broadcast_in_dim3A_179 {strides = array<i32>} : memref<16x3200xf32, #tpu.memory_space<vmem>>, vector<16xf32>,
      %swap3A_912 = arith.index_cast %scan3A_335 : i32 to index
      %swap3A_913 = arith.constant 3072 : index
      %swap3A_914 = tpu.vector_load %arg6[%swap3A_912, %swap3A_913] {strides = array<i32>} : memref<16x3200xf32, #tpu.memory_space<vmem>>, vector<16xf32>,
      tpu.vector_store %arg6[%swap3A_912, %swap3A_913], %broadcast_in_dim3A_179 {strides = array<i32>} : memref<16x3200xf32, #tpu.memory_space<vmem>>, vector<16xf32>,
      %swap3A_915 = arith.index_cast %scan3A_335 : i32 to index
      %swap3A_916 = arith.constant 3088 : index
      %swap3A_917 = tpu.vector_load %arg6[%swap3A_915, %swap3A_916] {strides = array<i32>} : memref<16x3200xf32, #tpu.memory_space<vmem>>, vector<16xf32>,
      tpu.vector_store %arg6[%swap3A_915, %swap3A_916], %broadcast_in_dim3A_179 {strides = array<i32>} : memref<16x3200xf32, #tpu.memory_space<vmem>>, vector<16xf32>,
      %swap3A_918 = arith.index_cast %scan3A_335 : i32 to index
      %swap3A_919 = arith.constant 3104 : index
      %swap3A_920 = tpu.vector_load %arg6[%swap3A_918, %swap3A_919] {strides = array<i32>} : memref<16x3200xf32, #tpu.memory_space<vmem>>, vector<16xf32>,
      tpu.vector_store %arg6[%swap3A_918, %swap3A_919], %broadcast_in_dim3A_179 {strides = array<i32>} : memref<16x3200xf32, #tpu.memory_space<vmem>>, vector<16xf32>,
      %swap3A_921 = arith.index_cast %scan3A_335 : i32 to index
      %swap3A_922 = arith.constant 3120 : index
      %swap3A_923 = tpu.vector_load %arg6[%swap3A_921, %swap3A_922] {strides = array<i32>} : memref<16x3200xf32, #tpu.memory_space<vmem>>, vector<16xf32>,
      tpu.vector_store %arg6[%swap3A_921, %swap3A_922], %broadcast_in_dim3A_179 {strides = array<i32>} : memref<16x3200xf32, #tpu.memory_space<vmem>>, vector<16xf32>,
      %swap3A_924 = arith.index_cast %scan3A_335 : i32 to index
      %swap3A_925 = arith.constant 3136 : index
      %swap3A_926 = tpu.vector_load %arg6[%swap3A_924, %swap3A_925] {strides = array<i32>} : memref<16x3200xf32, #tpu.memory_space<vmem>>, vector<16xf32>,
      tpu.vector_store %arg6[%swap3A_924, %swap3A_925], %broadcast_in_dim3A_179 {strides = array<i32>} : memref<16x3200xf32, #tpu.memory_space<vmem>>, vector<16xf32>,
      %swap3A_927 = arith.index_cast %scan3A_335 : i32 to index
      %swap3A_928 = arith.constant 3152 : index
      %swap3A_929 = tpu.vector_load %arg6[%swap3A_927, %swap3A_928] {strides = array<i32>} : memref<16x3200xf32, #tpu.memory_space<vmem>>, vector<16xf32>,
      tpu.vector_store %arg6[%swap3A_927, %swap3A_928], %broadcast_in_dim3A_179 {strides = array<i32>} : memref<16x3200xf32, #tpu.memory_space<vmem>>, vector<16xf32>,
      %swap3A_930 = arith.index_cast %scan3A_335 : i32 to index
      %swap3A_931 = arith.constant 3168 : index
      %swap3A_932 = tpu.vector_load %arg6[%swap3A_930, %swap3A_931] {strides = array<i32>} : memref<16x3200xf32, #tpu.memory_space<vmem>>, vector<16xf32>,
      tpu.vector_store %arg6[%swap3A_930, %swap3A_931], %broadcast_in_dim3A_179 {strides = array<i32>} : memref<16x3200xf32, #tpu.memory_space<vmem>>, vector<16xf32>,
      %swap3A_933 = arith.index_cast %scan3A_335 : i32 to index
      %swap3A_934 = arith.constant 3184 : index
      %swap3A_935 = tpu.vector_load %arg6[%swap3A_933, %swap3A_934] {strides = array<i32>} : memref<16x3200xf32, #tpu.memory_space<vmem>>, vector<16xf32>,
      tpu.vector_store %arg6[%swap3A_933, %swap3A_934], %broadcast_in_dim3A_179 {strides = array<i32>} : memref<16x3200xf32, #tpu.memory_space<vmem>>, vector<16xf32>,
    }
    %scan3A_186 = arith.constant 16 : i32
    %get3A_187 = arith.constant 0 : index
    %get3A_188 = tpu.vector_load %arg5[%get3A_187] {strides = array<i32>} : memref<128xf32, #tpu.memory_space<vmem>>, vector<16xf32>,
    tpu.vector_store_idx %arg6[%iota3A, %broadcast_in_dim3A_181], %get3A_188 : memref<16x3200xf32, #tpu.memory_space<vmem>>[vector<16xi32>, vector<16xi32>], vector<16xf32>,
    %add3A_189 = arith.constant 0 : i32
    %add3A_190 = arith.addi %mul3A_2, %add3A_189 : i32
    %add3A_191 = arith.constant 1 : i32
    %add3A_192 = arith.addi %add3A_190, %add3A_191 : i32
    %add3A_193 = vector.broadcast %add3A_192 : i32 to vector<16xi32>
    %add3A_194 = arith.addi %iota3A, %add3A_193 : vector<16xi32>
    %get3A_195 = arith.constant 0 : index
    %get3A_196 = tpu.vector_load %arg4[%get3A_195] {strides = array<i32>} : memref<128xf32, #tpu.memory_space<vmem>>, vector<16xf32>,
    tpu.vector_store_idx %arg6[%iota3A, %add3A_194], %get3A_196 : memref<16x3200xf32, #tpu.memory_space<vmem>>[vector<16xi32>, vector<16xi32>], vector<16xf32>,
    %add3A_197 = arith.constant 0 : i32
    %add3A_198 = arith.addi %mul3A_2, %add3A_197 : i32
    %dma_start3A = arith.constant 0 : i32
    %dma_start3A_199 = tpu.memref_slice %arg3[%add3A_198, %dma_start3A] : memref<3072x3200xf32, #tpu.memory_space<hbm>> -> memref<16x3200xf32, #tpu.memory_space<hbm>>
    %dma_start3A_200 = arith.constant 0 : i32
    %dma_start3A_201 = tpu.memref_slice %arg3[%add3A_198, %dma_start3A_200] : memref<3072x3200xf32, #tpu.memory_space<hbm>> -> memref<16x3200xf32, #tpu.memory_space<hbm>>
    tpu.enqueue_dma source(%arg6 : memref<16x3200xf32, #tpu.memory_space<vmem>>) target(%dma_start3A_201 : memref<16x3200xf32, #tpu.memory_space<hbm>>) target_semaphore(%arg8 : memref<!tpu.dma_semaphore, #tpu.memory_space<semaphore_mem>>)
    %scan3A_202 = arith.constant 0 : i32
    %scan3A_203 = arith.constant 0 : i32
    %scan3A_204 = arith.constant 16 : i32
    %scan3A_205 = arith.addi %scan3A_203, %scan3A_204 : i32
    %scan3A_206 = arith.constant 1 : i32
    scf.for %scan3A_335 = %scan3A_203 to %scan3A_205 step %scan3A_206  : i32 {
      %swap3A_336 = arith.index_cast %scan3A_335 : i32 to index
      %swap3A_337 = arith.constant 0 : index
      %swap3A_338 = tpu.vector_load %arg7[%swap3A_336, %swap3A_337] {strides = array<i32>} : memref<16x3200xf32, #tpu.memory_space<vmem>>, vector<16xf32>,
      tpu.vector_store %arg7[%swap3A_336, %swap3A_337], %broadcast_in_dim3A_179 {strides = array<i32>} : memref<16x3200xf32, #tpu.memory_space<vmem>>, vector<16xf32>,
      %swap3A_339 = arith.index_cast %scan3A_335 : i32 to index
      %swap3A_340 = arith.constant 16 : index
      %swap3A_341 = tpu.vector_load %arg7[%swap3A_339, %swap3A_340] {strides = array<i32>} : memref<16x3200xf32, #tpu.memory_space<vmem>>, vector<16xf32>,
      tpu.vector_store %arg7[%swap3A_339, %swap3A_340], %broadcast_in_dim3A_179 {strides = array<i32>} : memref<16x3200xf32, #tpu.memory_space<vmem>>, vector<16xf32>,
      %swap3A_342 = arith.index_cast %scan3A_335 : i32 to index
      %swap3A_343 = arith.constant 32 : index
      %swap3A_344 = tpu.vector_load %arg7[%swap3A_342, %swap3A_343] {strides = array<i32>} : memref<16x3200xf32, #tpu.memory_space<vmem>>, vector<16xf32>,
      tpu.vector_store %arg7[%swap3A_342, %swap3A_343], %broadcast_in_dim3A_179 {strides = array<i32>} : memref<16x3200xf32, #tpu.memory_space<vmem>>, vector<16xf32>,
      %swap3A_345 = arith.index_cast %scan3A_335 : i32 to index
      %swap3A_346 = arith.constant 48 : index
      %swap3A_347 = tpu.vector_load %arg7[%swap3A_345, %swap3A_346] {strides = array<i32>} : memref<16x3200xf32, #tpu.memory_space<vmem>>, vector<16xf32>,
      tpu.vector_store %arg7[%swap3A_345, %swap3A_346], %broadcast_in_dim3A_179 {strides = array<i32>} : memref<16x3200xf32, #tpu.memory_space<vmem>>, vector<16xf32>,
      %swap3A_348 = arith.index_cast %scan3A_335 : i32 to index
      %swap3A_349 = arith.constant 64 : index
      %swap3A_350 = tpu.vector_load %arg7[%swap3A_348, %swap3A_349] {strides = array<i32>} : memref<16x3200xf32, #tpu.memory_space<vmem>>, vector<16xf32>,
      tpu.vector_store %arg7[%swap3A_348, %swap3A_349], %broadcast_in_dim3A_179 {strides = array<i32>} : memref<16x3200xf32, #tpu.memory_space<vmem>>, vector<16xf32>,
      %swap3A_351 = arith.index_cast %scan3A_335 : i32 to index
      %swap3A_352 = arith.constant 80 : index
      %swap3A_353 = tpu.vector_load %arg7[%swap3A_351, %swap3A_352] {strides = array<i32>} : memref<16x3200xf32, #tpu.memory_space<vmem>>, vector<16xf32>,
      tpu.vector_store %arg7[%swap3A_351, %swap3A_352], %broadcast_in_dim3A_179 {strides = array<i32>} : memref<16x3200xf32, #tpu.memory_space<vmem>>, vector<16xf32>,
      %swap3A_354 = arith.index_cast %scan3A_335 : i32 to index
      %swap3A_355 = arith.constant 96 : index
      %swap3A_356 = tpu.vector_load %arg7[%swap3A_354, %swap3A_355] {strides = array<i32>} : memref<16x3200xf32, #tpu.memory_space<vmem>>, vector<16xf32>,
      tpu.vector_store %arg7[%swap3A_354, %swap3A_355], %broadcast_in_dim3A_179 {strides = array<i32>} : memref<16x3200xf32, #tpu.memory_space<vmem>>, vector<16xf32>,
      %swap3A_357 = arith.index_cast %scan3A_335 : i32 to index
      %swap3A_358 = arith.constant 112 : index
      %swap3A_359 = tpu.vector_load %arg7[%swap3A_357, %swap3A_358] {strides = array<i32>} : memref<16x3200xf32, #tpu.memory_space<vmem>>, vector<16xf32>,
      tpu.vector_store %arg7[%swap3A_357, %swap3A_358], %broadcast_in_dim3A_179 {strides = array<i32>} : memref<16x3200xf32, #tpu.memory_space<vmem>>, vector<16xf32>,
      %swap3A_360 = arith.index_cast %scan3A_335 : i32 to index
      %swap3A_361 = arith.constant 128 : index
      %swap3A_362 = tpu.vector_load %arg7[%swap3A_360, %swap3A_361] {strides = array<i32>} : memref<16x3200xf32, #tpu.memory_space<vmem>>, vector<16xf32>,
      tpu.vector_store %arg7[%swap3A_360, %swap3A_361], %broadcast_in_dim3A_179 {strides = array<i32>} : memref<16x3200xf32, #tpu.memory_space<vmem>>, vector<16xf32>,
      %swap3A_363 = arith.index_cast %scan3A_335 : i32 to index
      %swap3A_364 = arith.constant 144 : index
      %swap3A_365 = tpu.vector_load %arg7[%swap3A_363, %swap3A_364] {strides = array<i32>} : memref<16x3200xf32, #tpu.memory_space<vmem>>, vector<16xf32>,
      tpu.vector_store %arg7[%swap3A_363, %swap3A_364], %broadcast_in_dim3A_179 {strides = array<i32>} : memref<16x3200xf32, #tpu.memory_space<vmem>>, vector<16xf32>,
      %swap3A_366 = arith.index_cast %scan3A_335 : i32 to index
      %swap3A_367 = arith.constant 160 : index
      %swap3A_368 = tpu.vector_load %arg7[%swap3A_366, %swap3A_367] {strides = array<i32>} : memref<16x3200xf32, #tpu.memory_space<vmem>>, vector<16xf32>,
      tpu.vector_store %arg7[%swap3A_366, %swap3A_367], %broadcast_in_dim3A_179 {strides = array<i32>} : memref<16x3200xf32, #tpu.memory_space<vmem>>, vector<16xf32>,
      %swap3A_369 = arith.index_cast %scan3A_335 : i32 to index
      %swap3A_370 = arith.constant 176 : index
      %swap3A_371 = tpu.vector_load %arg7[%swap3A_369, %swap3A_370] {strides = array<i32>} : memref<16x3200xf32, #tpu.memory_space<vmem>>, vector<16xf32>,
      tpu.vector_store %arg7[%swap3A_369, %swap3A_370], %broadcast_in_dim3A_179 {strides = array<i32>} : memref<16x3200xf32, #tpu.memory_space<vmem>>, vector<16xf32>,
      %swap3A_372 = arith.index_cast %scan3A_335 : i32 to index
      %swap3A_373 = arith.constant 192 : index
      %swap3A_374 = tpu.vector_load %arg7[%swap3A_372, %swap3A_373] {strides = array<i32>} : memref<16x3200xf32, #tpu.memory_space<vmem>>, vector<16xf32>,
      tpu.vector_store %arg7[%swap3A_372, %swap3A_373], %broadcast_in_dim3A_179 {strides = array<i32>} : memref<16x3200xf32, #tpu.memory_space<vmem>>, vector<16xf32>,
      %swap3A_375 = arith.index_cast %scan3A_335 : i32 to index
      %swap3A_376 = arith.constant 208 : index
      %swap3A_377 = tpu.vector_load %arg7[%swap3A_375, %swap3A_376] {strides = array<i32>} : memref<16x3200xf32, #tpu.memory_space<vmem>>, vector<16xf32>,
      tpu.vector_store %arg7[%swap3A_375, %swap3A_376], %broadcast_in_dim3A_179 {strides = array<i32>} : memref<16x3200xf32, #tpu.memory_space<vmem>>, vector<16xf32>,
      %swap3A_378 = arith.index_cast %scan3A_335 : i32 to index
      %swap3A_379 = arith.constant 224 : index
      %swap3A_380 = tpu.vector_load %arg7[%swap3A_378, %swap3A_379] {strides = array<i32>} : memref<16x3200xf32, #tpu.memory_space<vmem>>, vector<16xf32>,
      tpu.vector_store %arg7[%swap3A_378, %swap3A_379], %broadcast_in_dim3A_179 {strides = array<i32>} : memref<16x3200xf32, #tpu.memory_space<vmem>>, vector<16xf32>,
      %swap3A_381 = arith.index_cast %scan3A_335 : i32 to index
      %swap3A_382 = arith.constant 240 : index
      %swap3A_383 = tpu.vector_load %arg7[%swap3A_381, %swap3A_382] {strides = array<i32>} : memref<16x3200xf32, #tpu.memory_space<vmem>>, vector<16xf32>,
      tpu.vector_store %arg7[%swap3A_381, %swap3A_382], %broadcast_in_dim3A_179 {strides = array<i32>} : memref<16x3200xf32, #tpu.memory_space<vmem>>, vector<16xf32>,
      %swap3A_384 = arith.index_cast %scan3A_335 : i32 to index
      %swap3A_385 = arith.constant 256 : index
      %swap3A_386 = tpu.vector_load %arg7[%swap3A_384, %swap3A_385] {strides = array<i32>} : memref<16x3200xf32, #tpu.memory_space<vmem>>, vector<16xf32>,
      tpu.vector_store %arg7[%swap3A_384, %swap3A_385], %broadcast_in_dim3A_179 {strides = array<i32>} : memref<16x3200xf32, #tpu.memory_space<vmem>>, vector<16xf32>,
      %swap3A_387 = arith.index_cast %scan3A_335 : i32 to index
      %swap3A_388 = arith.constant 272 : index
      %swap3A_389 = tpu.vector_load %arg7[%swap3A_387, %swap3A_388] {strides = array<i32>} : memref<16x3200xf32, #tpu.memory_space<vmem>>, vector<16xf32>,
      tpu.vector_store %arg7[%swap3A_387, %swap3A_388], %broadcast_in_dim3A_179 {strides = array<i32>} : memref<16x3200xf32, #tpu.memory_space<vmem>>, vector<16xf32>,
      %swap3A_390 = arith.index_cast %scan3A_335 : i32 to index
      %swap3A_391 = arith.constant 288 : index
      %swap3A_392 = tpu.vector_load %arg7[%swap3A_390, %swap3A_391] {strides = array<i32>} : memref<16x3200xf32, #tpu.memory_space<vmem>>, vector<16xf32>,
      tpu.vector_store %arg7[%swap3A_390, %swap3A_391], %broadcast_in_dim3A_179 {strides = array<i32>} : memref<16x3200xf32, #tpu.memory_space<vmem>>, vector<16xf32>,
      %swap3A_393 = arith.index_cast %scan3A_335 : i32 to index
      %swap3A_394 = arith.constant 304 : index
      %swap3A_395 = tpu.vector_load %arg7[%swap3A_393, %swap3A_394] {strides = array<i32>} : memref<16x3200xf32, #tpu.memory_space<vmem>>, vector<16xf32>,
      tpu.vector_store %arg7[%swap3A_393, %swap3A_394], %broadcast_in_dim3A_179 {strides = array<i32>} : memref<16x3200xf32, #tpu.memory_space<vmem>>, vector<16xf32>,
      %swap3A_396 = arith.index_cast %scan3A_335 : i32 to index
      %swap3A_397 = arith.constant 320 : index
      %swap3A_398 = tpu.vector_load %arg7[%swap3A_396, %swap3A_397] {strides = array<i32>} : memref<16x3200xf32, #tpu.memory_space<vmem>>, vector<16xf32>,
      tpu.vector_store %arg7[%swap3A_396, %swap3A_397], %broadcast_in_dim3A_179 {strides = array<i32>} : memref<16x3200xf32, #tpu.memory_space<vmem>>, vector<16xf32>,
      %swap3A_399 = arith.index_cast %scan3A_335 : i32 to index
      %swap3A_400 = arith.constant 336 : index
      %swap3A_401 = tpu.vector_load %arg7[%swap3A_399, %swap3A_400] {strides = array<i32>} : memref<16x3200xf32, #tpu.memory_space<vmem>>, vector<16xf32>,
      tpu.vector_store %arg7[%swap3A_399, %swap3A_400], %broadcast_in_dim3A_179 {strides = array<i32>} : memref<16x3200xf32, #tpu.memory_space<vmem>>, vector<16xf32>,
      %swap3A_402 = arith.index_cast %scan3A_335 : i32 to index
      %swap3A_403 = arith.constant 352 : index
      %swap3A_404 = tpu.vector_load %arg7[%swap3A_402, %swap3A_403] {strides = array<i32>} : memref<16x3200xf32, #tpu.memory_space<vmem>>, vector<16xf32>,
      tpu.vector_store %arg7[%swap3A_402, %swap3A_403], %broadcast_in_dim3A_179 {strides = array<i32>} : memref<16x3200xf32, #tpu.memory_space<vmem>>, vector<16xf32>,
      %swap3A_405 = arith.index_cast %scan3A_335 : i32 to index
      %swap3A_406 = arith.constant 368 : index
      %swap3A_407 = tpu.vector_load %arg7[%swap3A_405, %swap3A_406] {strides = array<i32>} : memref<16x3200xf32, #tpu.memory_space<vmem>>, vector<16xf32>,
      tpu.vector_store %arg7[%swap3A_405, %swap3A_406], %broadcast_in_dim3A_179 {strides = array<i32>} : memref<16x3200xf32, #tpu.memory_space<vmem>>, vector<16xf32>,
      %swap3A_408 = arith.index_cast %scan3A_335 : i32 to index
      %swap3A_409 = arith.constant 384 : index
      %swap3A_410 = tpu.vector_load %arg7[%swap3A_408, %swap3A_409] {strides = array<i32>} : memref<16x3200xf32, #tpu.memory_space<vmem>>, vector<16xf32>,
      tpu.vector_store %arg7[%swap3A_408, %swap3A_409], %broadcast_in_dim3A_179 {strides = array<i32>} : memref<16x3200xf32, #tpu.memory_space<vmem>>, vector<16xf32>,
      %swap3A_411 = arith.index_cast %scan3A_335 : i32 to index
      %swap3A_412 = arith.constant 400 : index
      %swap3A_413 = tpu.vector_load %arg7[%swap3A_411, %swap3A_412] {strides = array<i32>} : memref<16x3200xf32, #tpu.memory_space<vmem>>, vector<16xf32>,
      tpu.vector_store %arg7[%swap3A_411, %swap3A_412], %broadcast_in_dim3A_179 {strides = array<i32>} : memref<16x3200xf32, #tpu.memory_space<vmem>>, vector<16xf32>,
      %swap3A_414 = arith.index_cast %scan3A_335 : i32 to index
      %swap3A_415 = arith.constant 416 : index
      %swap3A_416 = tpu.vector_load %arg7[%swap3A_414, %swap3A_415] {strides = array<i32>} : memref<16x3200xf32, #tpu.memory_space<vmem>>, vector<16xf32>,
      tpu.vector_store %arg7[%swap3A_414, %swap3A_415], %broadcast_in_dim3A_179 {strides = array<i32>} : memref<16x3200xf32, #tpu.memory_space<vmem>>, vector<16xf32>,
      %swap3A_417 = arith.index_cast %scan3A_335 : i32 to index
      %swap3A_418 = arith.constant 432 : index
      %swap3A_419 = tpu.vector_load %arg7[%swap3A_417, %swap3A_418] {strides = array<i32>} : memref<16x3200xf32, #tpu.memory_space<vmem>>, vector<16xf32>,
      tpu.vector_store %arg7[%swap3A_417, %swap3A_418], %broadcast_in_dim3A_179 {strides = array<i32>} : memref<16x3200xf32, #tpu.memory_space<vmem>>, vector<16xf32>,
      %swap3A_420 = arith.index_cast %scan3A_335 : i32 to index
      %swap3A_421 = arith.constant 448 : index
      %swap3A_422 = tpu.vector_load %arg7[%swap3A_420, %swap3A_421] {strides = array<i32>} : memref<16x3200xf32, #tpu.memory_space<vmem>>, vector<16xf32>,
      tpu.vector_store %arg7[%swap3A_420, %swap3A_421], %broadcast_in_dim3A_179 {strides = array<i32>} : memref<16x3200xf32, #tpu.memory_space<vmem>>, vector<16xf32>,
      %swap3A_423 = arith.index_cast %scan3A_335 : i32 to index
      %swap3A_424 = arith.constant 464 : index
      %swap3A_425 = tpu.vector_load %arg7[%swap3A_423, %swap3A_424] {strides = array<i32>} : memref<16x3200xf32, #tpu.memory_space<vmem>>, vector<16xf32>,
      tpu.vector_store %arg7[%swap3A_423, %swap3A_424], %broadcast_in_dim3A_179 {strides = array<i32>} : memref<16x3200xf32, #tpu.memory_space<vmem>>, vector<16xf32>,
      %swap3A_426 = arith.index_cast %scan3A_335 : i32 to index
      %swap3A_427 = arith.constant 480 : index
      %swap3A_428 = tpu.vector_load %arg7[%swap3A_426, %swap3A_427] {strides = array<i32>} : memref<16x3200xf32, #tpu.memory_space<vmem>>, vector<16xf32>,
      tpu.vector_store %arg7[%swap3A_426, %swap3A_427], %broadcast_in_dim3A_179 {strides = array<i32>} : memref<16x3200xf32, #tpu.memory_space<vmem>>, vector<16xf32>,
      %swap3A_429 = arith.index_cast %scan3A_335 : i32 to index
      %swap3A_430 = arith.constant 496 : index
      %swap3A_431 = tpu.vector_load %arg7[%swap3A_429, %swap3A_430] {strides = array<i32>} : memref<16x3200xf32, #tpu.memory_space<vmem>>, vector<16xf32>,
      tpu.vector_store %arg7[%swap3A_429, %swap3A_430], %broadcast_in_dim3A_179 {strides = array<i32>} : memref<16x3200xf32, #tpu.memory_space<vmem>>, vector<16xf32>,
      %swap3A_432 = arith.index_cast %scan3A_335 : i32 to index
      %swap3A_433 = arith.constant 512 : index
      %swap3A_434 = tpu.vector_load %arg7[%swap3A_432, %swap3A_433] {strides = array<i32>} : memref<16x3200xf32, #tpu.memory_space<vmem>>, vector<16xf32>,
      tpu.vector_store %arg7[%swap3A_432, %swap3A_433], %broadcast_in_dim3A_179 {strides = array<i32>} : memref<16x3200xf32, #tpu.memory_space<vmem>>, vector<16xf32>,
      %swap3A_435 = arith.index_cast %scan3A_335 : i32 to index
      %swap3A_436 = arith.constant 528 : index
      %swap3A_437 = tpu.vector_load %arg7[%swap3A_435, %swap3A_436] {strides = array<i32>} : memref<16x3200xf32, #tpu.memory_space<vmem>>, vector<16xf32>,
      tpu.vector_store %arg7[%swap3A_435, %swap3A_436], %broadcast_in_dim3A_179 {strides = array<i32>} : memref<16x3200xf32, #tpu.memory_space<vmem>>, vector<16xf32>,
      %swap3A_438 = arith.index_cast %scan3A_335 : i32 to index
      %swap3A_439 = arith.constant 544 : index
      %swap3A_440 = tpu.vector_load %arg7[%swap3A_438, %swap3A_439] {strides = array<i32>} : memref<16x3200xf32, #tpu.memory_space<vmem>>, vector<16xf32>,
      tpu.vector_store %arg7[%swap3A_438, %swap3A_439], %broadcast_in_dim3A_179 {strides = array<i32>} : memref<16x3200xf32, #tpu.memory_space<vmem>>, vector<16xf32>,
      %swap3A_441 = arith.index_cast %scan3A_335 : i32 to index
      %swap3A_442 = arith.constant 560 : index
      %swap3A_443 = tpu.vector_load %arg7[%swap3A_441, %swap3A_442] {strides = array<i32>} : memref<16x3200xf32, #tpu.memory_space<vmem>>, vector<16xf32>,
      tpu.vector_store %arg7[%swap3A_441, %swap3A_442], %broadcast_in_dim3A_179 {strides = array<i32>} : memref<16x3200xf32, #tpu.memory_space<vmem>>, vector<16xf32>,
      %swap3A_444 = arith.index_cast %scan3A_335 : i32 to index
      %swap3A_445 = arith.constant 576 : index
      %swap3A_446 = tpu.vector_load %arg7[%swap3A_444, %swap3A_445] {strides = array<i32>} : memref<16x3200xf32, #tpu.memory_space<vmem>>, vector<16xf32>,
      tpu.vector_store %arg7[%swap3A_444, %swap3A_445], %broadcast_in_dim3A_179 {strides = array<i32>} : memref<16x3200xf32, #tpu.memory_space<vmem>>, vector<16xf32>,
      %swap3A_447 = arith.index_cast %scan3A_335 : i32 to index
      %swap3A_448 = arith.constant 592 : index
      %swap3A_449 = tpu.vector_load %arg7[%swap3A_447, %swap3A_448] {strides = array<i32>} : memref<16x3200xf32, #tpu.memory_space<vmem>>, vector<16xf32>,
      tpu.vector_store %arg7[%swap3A_447, %swap3A_448], %broadcast_in_dim3A_179 {strides = array<i32>} : memref<16x3200xf32, #tpu.memory_space<vmem>>, vector<16xf32>,
      %swap3A_450 = arith.index_cast %scan3A_335 : i32 to index
      %swap3A_451 = arith.constant 608 : index
      %swap3A_452 = tpu.vector_load %arg7[%swap3A_450, %swap3A_451] {strides = array<i32>} : memref<16x3200xf32, #tpu.memory_space<vmem>>, vector<16xf32>,
      tpu.vector_store %arg7[%swap3A_450, %swap3A_451], %broadcast_in_dim3A_179 {strides = array<i32>} : memref<16x3200xf32, #tpu.memory_space<vmem>>, vector<16xf32>,
      %swap3A_453 = arith.index_cast %scan3A_335 : i32 to index
      %swap3A_454 = arith.constant 624 : index
      %swap3A_455 = tpu.vector_load %arg7[%swap3A_453, %swap3A_454] {strides = array<i32>} : memref<16x3200xf32, #tpu.memory_space<vmem>>, vector<16xf32>,
      tpu.vector_store %arg7[%swap3A_453, %swap3A_454], %broadcast_in_dim3A_179 {strides = array<i32>} : memref<16x3200xf32, #tpu.memory_space<vmem>>, vector<16xf32>,
      %swap3A_456 = arith.index_cast %scan3A_335 : i32 to index
      %swap3A_457 = arith.constant 640 : index
      %swap3A_458 = tpu.vector_load %arg7[%swap3A_456, %swap3A_457] {strides = array<i32>} : memref<16x3200xf32, #tpu.memory_space<vmem>>, vector<16xf32>,
      tpu.vector_store %arg7[%swap3A_456, %swap3A_457], %broadcast_in_dim3A_179 {strides = array<i32>} : memref<16x3200xf32, #tpu.memory_space<vmem>>, vector<16xf32>,
      %swap3A_459 = arith.index_cast %scan3A_335 : i32 to index
      %swap3A_460 = arith.constant 656 : index
      %swap3A_461 = tpu.vector_load %arg7[%swap3A_459, %swap3A_460] {strides = array<i32>} : memref<16x3200xf32, #tpu.memory_space<vmem>>, vector<16xf32>,
      tpu.vector_store %arg7[%swap3A_459, %swap3A_460], %broadcast_in_dim3A_179 {strides = array<i32>} : memref<16x3200xf32, #tpu.memory_space<vmem>>, vector<16xf32>,
      %swap3A_462 = arith.index_cast %scan3A_335 : i32 to index
      %swap3A_463 = arith.constant 672 : index
      %swap3A_464 = tpu.vector_load %arg7[%swap3A_462, %swap3A_463] {strides = array<i32>} : memref<16x3200xf32, #tpu.memory_space<vmem>>, vector<16xf32>,
      tpu.vector_store %arg7[%swap3A_462, %swap3A_463], %broadcast_in_dim3A_179 {strides = array<i32>} : memref<16x3200xf32, #tpu.memory_space<vmem>>, vector<16xf32>,
      %swap3A_465 = arith.index_cast %scan3A_335 : i32 to index
      %swap3A_466 = arith.constant 688 : index
      %swap3A_467 = tpu.vector_load %arg7[%swap3A_465, %swap3A_466] {strides = array<i32>} : memref<16x3200xf32, #tpu.memory_space<vmem>>, vector<16xf32>,
      tpu.vector_store %arg7[%swap3A_465, %swap3A_466], %broadcast_in_dim3A_179 {strides = array<i32>} : memref<16x3200xf32, #tpu.memory_space<vmem>>, vector<16xf32>,
      %swap3A_468 = arith.index_cast %scan3A_335 : i32 to index
      %swap3A_469 = arith.constant 704 : index
      %swap3A_470 = tpu.vector_load %arg7[%swap3A_468, %swap3A_469] {strides = array<i32>} : memref<16x3200xf32, #tpu.memory_space<vmem>>, vector<16xf32>,
      tpu.vector_store %arg7[%swap3A_468, %swap3A_469], %broadcast_in_dim3A_179 {strides = array<i32>} : memref<16x3200xf32, #tpu.memory_space<vmem>>, vector<16xf32>,
      %swap3A_471 = arith.index_cast %scan3A_335 : i32 to index
      %swap3A_472 = arith.constant 720 : index
      %swap3A_473 = tpu.vector_load %arg7[%swap3A_471, %swap3A_472] {strides = array<i32>} : memref<16x3200xf32, #tpu.memory_space<vmem>>, vector<16xf32>,
      tpu.vector_store %arg7[%swap3A_471, %swap3A_472], %broadcast_in_dim3A_179 {strides = array<i32>} : memref<16x3200xf32, #tpu.memory_space<vmem>>, vector<16xf32>,
      %swap3A_474 = arith.index_cast %scan3A_335 : i32 to index
      %swap3A_475 = arith.constant 736 : index
      %swap3A_476 = tpu.vector_load %arg7[%swap3A_474, %swap3A_475] {strides = array<i32>} : memref<16x3200xf32, #tpu.memory_space<vmem>>, vector<16xf32>,
      tpu.vector_store %arg7[%swap3A_474, %swap3A_475], %broadcast_in_dim3A_179 {strides = array<i32>} : memref<16x3200xf32, #tpu.memory_space<vmem>>, vector<16xf32>,
      %swap3A_477 = arith.index_cast %scan3A_335 : i32 to index
      %swap3A_478 = arith.constant 752 : index
      %swap3A_479 = tpu.vector_load %arg7[%swap3A_477, %swap3A_478] {strides = array<i32>} : memref<16x3200xf32, #tpu.memory_space<vmem>>, vector<16xf32>,
      tpu.vector_store %arg7[%swap3A_477, %swap3A_478], %broadcast_in_dim3A_179 {strides = array<i32>} : memref<16x3200xf32, #tpu.memory_space<vmem>>, vector<16xf32>,
      %swap3A_480 = arith.index_cast %scan3A_335 : i32 to index
      %swap3A_481 = arith.constant 768 : index
      %swap3A_482 = tpu.vector_load %arg7[%swap3A_480, %swap3A_481] {strides = array<i32>} : memref<16x3200xf32, #tpu.memory_space<vmem>>, vector<16xf32>,
      tpu.vector_store %arg7[%swap3A_480, %swap3A_481], %broadcast_in_dim3A_179 {strides = array<i32>} : memref<16x3200xf32, #tpu.memory_space<vmem>>, vector<16xf32>,
      %swap3A_483 = arith.index_cast %scan3A_335 : i32 to index
      %swap3A_484 = arith.constant 784 : index
      %swap3A_485 = tpu.vector_load %arg7[%swap3A_483, %swap3A_484] {strides = array<i32>} : memref<16x3200xf32, #tpu.memory_space<vmem>>, vector<16xf32>,
      tpu.vector_store %arg7[%swap3A_483, %swap3A_484], %broadcast_in_dim3A_179 {strides = array<i32>} : memref<16x3200xf32, #tpu.memory_space<vmem>>, vector<16xf32>,
      %swap3A_486 = arith.index_cast %scan3A_335 : i32 to index
      %swap3A_487 = arith.constant 800 : index
      %swap3A_488 = tpu.vector_load %arg7[%swap3A_486, %swap3A_487] {strides = array<i32>} : memref<16x3200xf32, #tpu.memory_space<vmem>>, vector<16xf32>,
      tpu.vector_store %arg7[%swap3A_486, %swap3A_487], %broadcast_in_dim3A_179 {strides = array<i32>} : memref<16x3200xf32, #tpu.memory_space<vmem>>, vector<16xf32>,
      %swap3A_489 = arith.index_cast %scan3A_335 : i32 to index
      %swap3A_490 = arith.constant 816 : index
      %swap3A_491 = tpu.vector_load %arg7[%swap3A_489, %swap3A_490] {strides = array<i32>} : memref<16x3200xf32, #tpu.memory_space<vmem>>, vector<16xf32>,
      tpu.vector_store %arg7[%swap3A_489, %swap3A_490], %broadcast_in_dim3A_179 {strides = array<i32>} : memref<16x3200xf32, #tpu.memory_space<vmem>>, vector<16xf32>,
      %swap3A_492 = arith.index_cast %scan3A_335 : i32 to index
      %swap3A_493 = arith.constant 832 : index
      %swap3A_494 = tpu.vector_load %arg7[%swap3A_492, %swap3A_493] {strides = array<i32>} : memref<16x3200xf32, #tpu.memory_space<vmem>>, vector<16xf32>,
      tpu.vector_store %arg7[%swap3A_492, %swap3A_493], %broadcast_in_dim3A_179 {strides = array<i32>} : memref<16x3200xf32, #tpu.memory_space<vmem>>, vector<16xf32>,
      %swap3A_495 = arith.index_cast %scan3A_335 : i32 to index
      %swap3A_496 = arith.constant 848 : index
      %swap3A_497 = tpu.vector_load %arg7[%swap3A_495, %swap3A_496] {strides = array<i32>} : memref<16x3200xf32, #tpu.memory_space<vmem>>, vector<16xf32>,
      tpu.vector_store %arg7[%swap3A_495, %swap3A_496], %broadcast_in_dim3A_179 {strides = array<i32>} : memref<16x3200xf32, #tpu.memory_space<vmem>>, vector<16xf32>,
      %swap3A_498 = arith.index_cast %scan3A_335 : i32 to index
      %swap3A_499 = arith.constant 864 : index
      %swap3A_500 = tpu.vector_load %arg7[%swap3A_498, %swap3A_499] {strides = array<i32>} : memref<16x3200xf32, #tpu.memory_space<vmem>>, vector<16xf32>,
      tpu.vector_store %arg7[%swap3A_498, %swap3A_499], %broadcast_in_dim3A_179 {strides = array<i32>} : memref<16x3200xf32, #tpu.memory_space<vmem>>, vector<16xf32>,
      %swap3A_501 = arith.index_cast %scan3A_335 : i32 to index
      %swap3A_502 = arith.constant 880 : index
      %swap3A_503 = tpu.vector_load %arg7[%swap3A_501, %swap3A_502] {strides = array<i32>} : memref<16x3200xf32, #tpu.memory_space<vmem>>, vector<16xf32>,
      tpu.vector_store %arg7[%swap3A_501, %swap3A_502], %broadcast_in_dim3A_179 {strides = array<i32>} : memref<16x3200xf32, #tpu.memory_space<vmem>>, vector<16xf32>,
      %swap3A_504 = arith.index_cast %scan3A_335 : i32 to index
      %swap3A_505 = arith.constant 896 : index
      %swap3A_506 = tpu.vector_load %arg7[%swap3A_504, %swap3A_505] {strides = array<i32>} : memref<16x3200xf32, #tpu.memory_space<vmem>>, vector<16xf32>,
      tpu.vector_store %arg7[%swap3A_504, %swap3A_505], %broadcast_in_dim3A_179 {strides = array<i32>} : memref<16x3200xf32, #tpu.memory_space<vmem>>, vector<16xf32>,
      %swap3A_507 = arith.index_cast %scan3A_335 : i32 to index
      %swap3A_508 = arith.constant 912 : index
      %swap3A_509 = tpu.vector_load %arg7[%swap3A_507, %swap3A_508] {strides = array<i32>} : memref<16x3200xf32, #tpu.memory_space<vmem>>, vector<16xf32>,
      tpu.vector_store %arg7[%swap3A_507, %swap3A_508], %broadcast_in_dim3A_179 {strides = array<i32>} : memref<16x3200xf32, #tpu.memory_space<vmem>>, vector<16xf32>,
      %swap3A_510 = arith.index_cast %scan3A_335 : i32 to index
      %swap3A_511 = arith.constant 928 : index
      %swap3A_512 = tpu.vector_load %arg7[%swap3A_510, %swap3A_511] {strides = array<i32>} : memref<16x3200xf32, #tpu.memory_space<vmem>>, vector<16xf32>,
      tpu.vector_store %arg7[%swap3A_510, %swap3A_511], %broadcast_in_dim3A_179 {strides = array<i32>} : memref<16x3200xf32, #tpu.memory_space<vmem>>, vector<16xf32>,
      %swap3A_513 = arith.index_cast %scan3A_335 : i32 to index
      %swap3A_514 = arith.constant 944 : index
      %swap3A_515 = tpu.vector_load %arg7[%swap3A_513, %swap3A_514] {strides = array<i32>} : memref<16x3200xf32, #tpu.memory_space<vmem>>, vector<16xf32>,
      tpu.vector_store %arg7[%swap3A_513, %swap3A_514], %broadcast_in_dim3A_179 {strides = array<i32>} : memref<16x3200xf32, #tpu.memory_space<vmem>>, vector<16xf32>,
      %swap3A_516 = arith.index_cast %scan3A_335 : i32 to index
      %swap3A_517 = arith.constant 960 : index
      %swap3A_518 = tpu.vector_load %arg7[%swap3A_516, %swap3A_517] {strides = array<i32>} : memref<16x3200xf32, #tpu.memory_space<vmem>>, vector<16xf32>,
      tpu.vector_store %arg7[%swap3A_516, %swap3A_517], %broadcast_in_dim3A_179 {strides = array<i32>} : memref<16x3200xf32, #tpu.memory_space<vmem>>, vector<16xf32>,
      %swap3A_519 = arith.index_cast %scan3A_335 : i32 to index
      %swap3A_520 = arith.constant 976 : index
      %swap3A_521 = tpu.vector_load %arg7[%swap3A_519, %swap3A_520] {strides = array<i32>} : memref<16x3200xf32, #tpu.memory_space<vmem>>, vector<16xf32>,
      tpu.vector_store %arg7[%swap3A_519, %swap3A_520], %broadcast_in_dim3A_179 {strides = array<i32>} : memref<16x3200xf32, #tpu.memory_space<vmem>>, vector<16xf32>,
      %swap3A_522 = arith.index_cast %scan3A_335 : i32 to index
      %swap3A_523 = arith.constant 992 : index
      %swap3A_524 = tpu.vector_load %arg7[%swap3A_522, %swap3A_523] {strides = array<i32>} : memref<16x3200xf32, #tpu.memory_space<vmem>>, vector<16xf32>,
      tpu.vector_store %arg7[%swap3A_522, %swap3A_523], %broadcast_in_dim3A_179 {strides = array<i32>} : memref<16x3200xf32, #tpu.memory_space<vmem>>, vector<16xf32>,
      %swap3A_525 = arith.index_cast %scan3A_335 : i32 to index
      %swap3A_526 = arith.constant 1008 : index
      %swap3A_527 = tpu.vector_load %arg7[%swap3A_525, %swap3A_526] {strides = array<i32>} : memref<16x3200xf32, #tpu.memory_space<vmem>>, vector<16xf32>,
      tpu.vector_store %arg7[%swap3A_525, %swap3A_526], %broadcast_in_dim3A_179 {strides = array<i32>} : memref<16x3200xf32, #tpu.memory_space<vmem>>, vector<16xf32>,
      %swap3A_528 = arith.index_cast %scan3A_335 : i32 to index
      %swap3A_529 = arith.constant 1024 : index
      %swap3A_530 = tpu.vector_load %arg7[%swap3A_528, %swap3A_529] {strides = array<i32>} : memref<16x3200xf32, #tpu.memory_space<vmem>>, vector<16xf32>,
      tpu.vector_store %arg7[%swap3A_528, %swap3A_529], %broadcast_in_dim3A_179 {strides = array<i32>} : memref<16x3200xf32, #tpu.memory_space<vmem>>, vector<16xf32>,
      %swap3A_531 = arith.index_cast %scan3A_335 : i32 to index
      %swap3A_532 = arith.constant 1040 : index
      %swap3A_533 = tpu.vector_load %arg7[%swap3A_531, %swap3A_532] {strides = array<i32>} : memref<16x3200xf32, #tpu.memory_space<vmem>>, vector<16xf32>,
      tpu.vector_store %arg7[%swap3A_531, %swap3A_532], %broadcast_in_dim3A_179 {strides = array<i32>} : memref<16x3200xf32, #tpu.memory_space<vmem>>, vector<16xf32>,
      %swap3A_534 = arith.index_cast %scan3A_335 : i32 to index
      %swap3A_535 = arith.constant 1056 : index
      %swap3A_536 = tpu.vector_load %arg7[%swap3A_534, %swap3A_535] {strides = array<i32>} : memref<16x3200xf32, #tpu.memory_space<vmem>>, vector<16xf32>,
      tpu.vector_store %arg7[%swap3A_534, %swap3A_535], %broadcast_in_dim3A_179 {strides = array<i32>} : memref<16x3200xf32, #tpu.memory_space<vmem>>, vector<16xf32>,
      %swap3A_537 = arith.index_cast %scan3A_335 : i32 to index
      %swap3A_538 = arith.constant 1072 : index
      %swap3A_539 = tpu.vector_load %arg7[%swap3A_537, %swap3A_538] {strides = array<i32>} : memref<16x3200xf32, #tpu.memory_space<vmem>>, vector<16xf32>,
      tpu.vector_store %arg7[%swap3A_537, %swap3A_538], %broadcast_in_dim3A_179 {strides = array<i32>} : memref<16x3200xf32, #tpu.memory_space<vmem>>, vector<16xf32>,
      %swap3A_540 = arith.index_cast %scan3A_335 : i32 to index
      %swap3A_541 = arith.constant 1088 : index
      %swap3A_542 = tpu.vector_load %arg7[%swap3A_540, %swap3A_541] {strides = array<i32>} : memref<16x3200xf32, #tpu.memory_space<vmem>>, vector<16xf32>,
      tpu.vector_store %arg7[%swap3A_540, %swap3A_541], %broadcast_in_dim3A_179 {strides = array<i32>} : memref<16x3200xf32, #tpu.memory_space<vmem>>, vector<16xf32>,
      %swap3A_543 = arith.index_cast %scan3A_335 : i32 to index
      %swap3A_544 = arith.constant 1104 : index
      %swap3A_545 = tpu.vector_load %arg7[%swap3A_543, %swap3A_544] {strides = array<i32>} : memref<16x3200xf32, #tpu.memory_space<vmem>>, vector<16xf32>,
      tpu.vector_store %arg7[%swap3A_543, %swap3A_544], %broadcast_in_dim3A_179 {strides = array<i32>} : memref<16x3200xf32, #tpu.memory_space<vmem>>, vector<16xf32>,
      %swap3A_546 = arith.index_cast %scan3A_335 : i32 to index
      %swap3A_547 = arith.constant 1120 : index
      %swap3A_548 = tpu.vector_load %arg7[%swap3A_546, %swap3A_547] {strides = array<i32>} : memref<16x3200xf32, #tpu.memory_space<vmem>>, vector<16xf32>,
      tpu.vector_store %arg7[%swap3A_546, %swap3A_547], %broadcast_in_dim3A_179 {strides = array<i32>} : memref<16x3200xf32, #tpu.memory_space<vmem>>, vector<16xf32>,
      %swap3A_549 = arith.index_cast %scan3A_335 : i32 to index
      %swap3A_550 = arith.constant 1136 : index
      %swap3A_551 = tpu.vector_load %arg7[%swap3A_549, %swap3A_550] {strides = array<i32>} : memref<16x3200xf32, #tpu.memory_space<vmem>>, vector<16xf32>,
      tpu.vector_store %arg7[%swap3A_549, %swap3A_550], %broadcast_in_dim3A_179 {strides = array<i32>} : memref<16x3200xf32, #tpu.memory_space<vmem>>, vector<16xf32>,
      %swap3A_552 = arith.index_cast %scan3A_335 : i32 to index
      %swap3A_553 = arith.constant 1152 : index
      %swap3A_554 = tpu.vector_load %arg7[%swap3A_552, %swap3A_553] {strides = array<i32>} : memref<16x3200xf32, #tpu.memory_space<vmem>>, vector<16xf32>,
      tpu.vector_store %arg7[%swap3A_552, %swap3A_553], %broadcast_in_dim3A_179 {strides = array<i32>} : memref<16x3200xf32, #tpu.memory_space<vmem>>, vector<16xf32>,
      %swap3A_555 = arith.index_cast %scan3A_335 : i32 to index
      %swap3A_556 = arith.constant 1168 : index
      %swap3A_557 = tpu.vector_load %arg7[%swap3A_555, %swap3A_556] {strides = array<i32>} : memref<16x3200xf32, #tpu.memory_space<vmem>>, vector<16xf32>,
      tpu.vector_store %arg7[%swap3A_555, %swap3A_556], %broadcast_in_dim3A_179 {strides = array<i32>} : memref<16x3200xf32, #tpu.memory_space<vmem>>, vector<16xf32>,
      %swap3A_558 = arith.index_cast %scan3A_335 : i32 to index
      %swap3A_559 = arith.constant 1184 : index
      %swap3A_560 = tpu.vector_load %arg7[%swap3A_558, %swap3A_559] {strides = array<i32>} : memref<16x3200xf32, #tpu.memory_space<vmem>>, vector<16xf32>,
      tpu.vector_store %arg7[%swap3A_558, %swap3A_559], %broadcast_in_dim3A_179 {strides = array<i32>} : memref<16x3200xf32, #tpu.memory_space<vmem>>, vector<16xf32>,
      %swap3A_561 = arith.index_cast %scan3A_335 : i32 to index
      %swap3A_562 = arith.constant 1200 : index
      %swap3A_563 = tpu.vector_load %arg7[%swap3A_561, %swap3A_562] {strides = array<i32>} : memref<16x3200xf32, #tpu.memory_space<vmem>>, vector<16xf32>,
      tpu.vector_store %arg7[%swap3A_561, %swap3A_562], %broadcast_in_dim3A_179 {strides = array<i32>} : memref<16x3200xf32, #tpu.memory_space<vmem>>, vector<16xf32>,
      %swap3A_564 = arith.index_cast %scan3A_335 : i32 to index
      %swap3A_565 = arith.constant 1216 : index
      %swap3A_566 = tpu.vector_load %arg7[%swap3A_564, %swap3A_565] {strides = array<i32>} : memref<16x3200xf32, #tpu.memory_space<vmem>>, vector<16xf32>,
      tpu.vector_store %arg7[%swap3A_564, %swap3A_565], %broadcast_in_dim3A_179 {strides = array<i32>} : memref<16x3200xf32, #tpu.memory_space<vmem>>, vector<16xf32>,
      %swap3A_567 = arith.index_cast %scan3A_335 : i32 to index
      %swap3A_568 = arith.constant 1232 : index
      %swap3A_569 = tpu.vector_load %arg7[%swap3A_567, %swap3A_568] {strides = array<i32>} : memref<16x3200xf32, #tpu.memory_space<vmem>>, vector<16xf32>,
      tpu.vector_store %arg7[%swap3A_567, %swap3A_568], %broadcast_in_dim3A_179 {strides = array<i32>} : memref<16x3200xf32, #tpu.memory_space<vmem>>, vector<16xf32>,
      %swap3A_570 = arith.index_cast %scan3A_335 : i32 to index
      %swap3A_571 = arith.constant 1248 : index
      %swap3A_572 = tpu.vector_load %arg7[%swap3A_570, %swap3A_571] {strides = array<i32>} : memref<16x3200xf32, #tpu.memory_space<vmem>>, vector<16xf32>,
      tpu.vector_store %arg7[%swap3A_570, %swap3A_571], %broadcast_in_dim3A_179 {strides = array<i32>} : memref<16x3200xf32, #tpu.memory_space<vmem>>, vector<16xf32>,
      %swap3A_573 = arith.index_cast %scan3A_335 : i32 to index
      %swap3A_574 = arith.constant 1264 : index
      %swap3A_575 = tpu.vector_load %arg7[%swap3A_573, %swap3A_574] {strides = array<i32>} : memref<16x3200xf32, #tpu.memory_space<vmem>>, vector<16xf32>,
      tpu.vector_store %arg7[%swap3A_573, %swap3A_574], %broadcast_in_dim3A_179 {strides = array<i32>} : memref<16x3200xf32, #tpu.memory_space<vmem>>, vector<16xf32>,
      %swap3A_576 = arith.index_cast %scan3A_335 : i32 to index
      %swap3A_577 = arith.constant 1280 : index
      %swap3A_578 = tpu.vector_load %arg7[%swap3A_576, %swap3A_577] {strides = array<i32>} : memref<16x3200xf32, #tpu.memory_space<vmem>>, vector<16xf32>,
      tpu.vector_store %arg7[%swap3A_576, %swap3A_577], %broadcast_in_dim3A_179 {strides = array<i32>} : memref<16x3200xf32, #tpu.memory_space<vmem>>, vector<16xf32>,
      %swap3A_579 = arith.index_cast %scan3A_335 : i32 to index
      %swap3A_580 = arith.constant 1296 : index
      %swap3A_581 = tpu.vector_load %arg7[%swap3A_579, %swap3A_580] {strides = array<i32>} : memref<16x3200xf32, #tpu.memory_space<vmem>>, vector<16xf32>,
      tpu.vector_store %arg7[%swap3A_579, %swap3A_580], %broadcast_in_dim3A_179 {strides = array<i32>} : memref<16x3200xf32, #tpu.memory_space<vmem>>, vector<16xf32>,
      %swap3A_582 = arith.index_cast %scan3A_335 : i32 to index
      %swap3A_583 = arith.constant 1312 : index
      %swap3A_584 = tpu.vector_load %arg7[%swap3A_582, %swap3A_583] {strides = array<i32>} : memref<16x3200xf32, #tpu.memory_space<vmem>>, vector<16xf32>,
      tpu.vector_store %arg7[%swap3A_582, %swap3A_583], %broadcast_in_dim3A_179 {strides = array<i32>} : memref<16x3200xf32, #tpu.memory_space<vmem>>, vector<16xf32>,
      %swap3A_585 = arith.index_cast %scan3A_335 : i32 to index
      %swap3A_586 = arith.constant 1328 : index
      %swap3A_587 = tpu.vector_load %arg7[%swap3A_585, %swap3A_586] {strides = array<i32>} : memref<16x3200xf32, #tpu.memory_space<vmem>>, vector<16xf32>,
      tpu.vector_store %arg7[%swap3A_585, %swap3A_586], %broadcast_in_dim3A_179 {strides = array<i32>} : memref<16x3200xf32, #tpu.memory_space<vmem>>, vector<16xf32>,
      %swap3A_588 = arith.index_cast %scan3A_335 : i32 to index
      %swap3A_589 = arith.constant 1344 : index
      %swap3A_590 = tpu.vector_load %arg7[%swap3A_588, %swap3A_589] {strides = array<i32>} : memref<16x3200xf32, #tpu.memory_space<vmem>>, vector<16xf32>,
      tpu.vector_store %arg7[%swap3A_588, %swap3A_589], %broadcast_in_dim3A_179 {strides = array<i32>} : memref<16x3200xf32, #tpu.memory_space<vmem>>, vector<16xf32>,
      %swap3A_591 = arith.index_cast %scan3A_335 : i32 to index
      %swap3A_592 = arith.constant 1360 : index
      %swap3A_593 = tpu.vector_load %arg7[%swap3A_591, %swap3A_592] {strides = array<i32>} : memref<16x3200xf32, #tpu.memory_space<vmem>>, vector<16xf32>,
      tpu.vector_store %arg7[%swap3A_591, %swap3A_592], %broadcast_in_dim3A_179 {strides = array<i32>} : memref<16x3200xf32, #tpu.memory_space<vmem>>, vector<16xf32>,
      %swap3A_594 = arith.index_cast %scan3A_335 : i32 to index
      %swap3A_595 = arith.constant 1376 : index
      %swap3A_596 = tpu.vector_load %arg7[%swap3A_594, %swap3A_595] {strides = array<i32>} : memref<16x3200xf32, #tpu.memory_space<vmem>>, vector<16xf32>,
      tpu.vector_store %arg7[%swap3A_594, %swap3A_595], %broadcast_in_dim3A_179 {strides = array<i32>} : memref<16x3200xf32, #tpu.memory_space<vmem>>, vector<16xf32>,
      %swap3A_597 = arith.index_cast %scan3A_335 : i32 to index
      %swap3A_598 = arith.constant 1392 : index
      %swap3A_599 = tpu.vector_load %arg7[%swap3A_597, %swap3A_598] {strides = array<i32>} : memref<16x3200xf32, #tpu.memory_space<vmem>>, vector<16xf32>,
      tpu.vector_store %arg7[%swap3A_597, %swap3A_598], %broadcast_in_dim3A_179 {strides = array<i32>} : memref<16x3200xf32, #tpu.memory_space<vmem>>, vector<16xf32>,
      %swap3A_600 = arith.index_cast %scan3A_335 : i32 to index
      %swap3A_601 = arith.constant 1408 : index
      %swap3A_602 = tpu.vector_load %arg7[%swap3A_600, %swap3A_601] {strides = array<i32>} : memref<16x3200xf32, #tpu.memory_space<vmem>>, vector<16xf32>,
      tpu.vector_store %arg7[%swap3A_600, %swap3A_601], %broadcast_in_dim3A_179 {strides = array<i32>} : memref<16x3200xf32, #tpu.memory_space<vmem>>, vector<16xf32>,
      %swap3A_603 = arith.index_cast %scan3A_335 : i32 to index
      %swap3A_604 = arith.constant 1424 : index
      %swap3A_605 = tpu.vector_load %arg7[%swap3A_603, %swap3A_604] {strides = array<i32>} : memref<16x3200xf32, #tpu.memory_space<vmem>>, vector<16xf32>,
      tpu.vector_store %arg7[%swap3A_603, %swap3A_604], %broadcast_in_dim3A_179 {strides = array<i32>} : memref<16x3200xf32, #tpu.memory_space<vmem>>, vector<16xf32>,
      %swap3A_606 = arith.index_cast %scan3A_335 : i32 to index
      %swap3A_607 = arith.constant 1440 : index
      %swap3A_608 = tpu.vector_load %arg7[%swap3A_606, %swap3A_607] {strides = array<i32>} : memref<16x3200xf32, #tpu.memory_space<vmem>>, vector<16xf32>,
      tpu.vector_store %arg7[%swap3A_606, %swap3A_607], %broadcast_in_dim3A_179 {strides = array<i32>} : memref<16x3200xf32, #tpu.memory_space<vmem>>, vector<16xf32>,
      %swap3A_609 = arith.index_cast %scan3A_335 : i32 to index
      %swap3A_610 = arith.constant 1456 : index
      %swap3A_611 = tpu.vector_load %arg7[%swap3A_609, %swap3A_610] {strides = array<i32>} : memref<16x3200xf32, #tpu.memory_space<vmem>>, vector<16xf32>,
      tpu.vector_store %arg7[%swap3A_609, %swap3A_610], %broadcast_in_dim3A_179 {strides = array<i32>} : memref<16x3200xf32, #tpu.memory_space<vmem>>, vector<16xf32>,
      %swap3A_612 = arith.index_cast %scan3A_335 : i32 to index
      %swap3A_613 = arith.constant 1472 : index
      %swap3A_614 = tpu.vector_load %arg7[%swap3A_612, %swap3A_613] {strides = array<i32>} : memref<16x3200xf32, #tpu.memory_space<vmem>>, vector<16xf32>,
      tpu.vector_store %arg7[%swap3A_612, %swap3A_613], %broadcast_in_dim3A_179 {strides = array<i32>} : memref<16x3200xf32, #tpu.memory_space<vmem>>, vector<16xf32>,
      %swap3A_615 = arith.index_cast %scan3A_335 : i32 to index
      %swap3A_616 = arith.constant 1488 : index
      %swap3A_617 = tpu.vector_load %arg7[%swap3A_615, %swap3A_616] {strides = array<i32>} : memref<16x3200xf32, #tpu.memory_space<vmem>>, vector<16xf32>,
      tpu.vector_store %arg7[%swap3A_615, %swap3A_616], %broadcast_in_dim3A_179 {strides = array<i32>} : memref<16x3200xf32, #tpu.memory_space<vmem>>, vector<16xf32>,
      %swap3A_618 = arith.index_cast %scan3A_335 : i32 to index
      %swap3A_619 = arith.constant 1504 : index
      %swap3A_620 = tpu.vector_load %arg7[%swap3A_618, %swap3A_619] {strides = array<i32>} : memref<16x3200xf32, #tpu.memory_space<vmem>>, vector<16xf32>,
      tpu.vector_store %arg7[%swap3A_618, %swap3A_619], %broadcast_in_dim3A_179 {strides = array<i32>} : memref<16x3200xf32, #tpu.memory_space<vmem>>, vector<16xf32>,
      %swap3A_621 = arith.index_cast %scan3A_335 : i32 to index
      %swap3A_622 = arith.constant 1520 : index
      %swap3A_623 = tpu.vector_load %arg7[%swap3A_621, %swap3A_622] {strides = array<i32>} : memref<16x3200xf32, #tpu.memory_space<vmem>>, vector<16xf32>,
      tpu.vector_store %arg7[%swap3A_621, %swap3A_622], %broadcast_in_dim3A_179 {strides = array<i32>} : memref<16x3200xf32, #tpu.memory_space<vmem>>, vector<16xf32>,
      %swap3A_624 = arith.index_cast %scan3A_335 : i32 to index
      %swap3A_625 = arith.constant 1536 : index
      %swap3A_626 = tpu.vector_load %arg7[%swap3A_624, %swap3A_625] {strides = array<i32>} : memref<16x3200xf32, #tpu.memory_space<vmem>>, vector<16xf32>,
      tpu.vector_store %arg7[%swap3A_624, %swap3A_625], %broadcast_in_dim3A_179 {strides = array<i32>} : memref<16x3200xf32, #tpu.memory_space<vmem>>, vector<16xf32>,
      %swap3A_627 = arith.index_cast %scan3A_335 : i32 to index
      %swap3A_628 = arith.constant 1552 : index
      %swap3A_629 = tpu.vector_load %arg7[%swap3A_627, %swap3A_628] {strides = array<i32>} : memref<16x3200xf32, #tpu.memory_space<vmem>>, vector<16xf32>,
      tpu.vector_store %arg7[%swap3A_627, %swap3A_628], %broadcast_in_dim3A_179 {strides = array<i32>} : memref<16x3200xf32, #tpu.memory_space<vmem>>, vector<16xf32>,
      %swap3A_630 = arith.index_cast %scan3A_335 : i32 to index
      %swap3A_631 = arith.constant 1568 : index
      %swap3A_632 = tpu.vector_load %arg7[%swap3A_630, %swap3A_631] {strides = array<i32>} : memref<16x3200xf32, #tpu.memory_space<vmem>>, vector<16xf32>,
      tpu.vector_store %arg7[%swap3A_630, %swap3A_631], %broadcast_in_dim3A_179 {strides = array<i32>} : memref<16x3200xf32, #tpu.memory_space<vmem>>, vector<16xf32>,
      %swap3A_633 = arith.index_cast %scan3A_335 : i32 to index
      %swap3A_634 = arith.constant 1584 : index
      %swap3A_635 = tpu.vector_load %arg7[%swap3A_633, %swap3A_634] {strides = array<i32>} : memref<16x3200xf32, #tpu.memory_space<vmem>>, vector<16xf32>,
      tpu.vector_store %arg7[%swap3A_633, %swap3A_634], %broadcast_in_dim3A_179 {strides = array<i32>} : memref<16x3200xf32, #tpu.memory_space<vmem>>, vector<16xf32>,
      %swap3A_636 = arith.index_cast %scan3A_335 : i32 to index
      %swap3A_637 = arith.constant 1600 : index
      %swap3A_638 = tpu.vector_load %arg7[%swap3A_636, %swap3A_637] {strides = array<i32>} : memref<16x3200xf32, #tpu.memory_space<vmem>>, vector<16xf32>,
      tpu.vector_store %arg7[%swap3A_636, %swap3A_637], %broadcast_in_dim3A_179 {strides = array<i32>} : memref<16x3200xf32, #tpu.memory_space<vmem>>, vector<16xf32>,
      %swap3A_639 = arith.index_cast %scan3A_335 : i32 to index
      %swap3A_640 = arith.constant 1616 : index
      %swap3A_641 = tpu.vector_load %arg7[%swap3A_639, %swap3A_640] {strides = array<i32>} : memref<16x3200xf32, #tpu.memory_space<vmem>>, vector<16xf32>,
      tpu.vector_store %arg7[%swap3A_639, %swap3A_640], %broadcast_in_dim3A_179 {strides = array<i32>} : memref<16x3200xf32, #tpu.memory_space<vmem>>, vector<16xf32>,
      %swap3A_642 = arith.index_cast %scan3A_335 : i32 to index
      %swap3A_643 = arith.constant 1632 : index
      %swap3A_644 = tpu.vector_load %arg7[%swap3A_642, %swap3A_643] {strides = array<i32>} : memref<16x3200xf32, #tpu.memory_space<vmem>>, vector<16xf32>,
      tpu.vector_store %arg7[%swap3A_642, %swap3A_643], %broadcast_in_dim3A_179 {strides = array<i32>} : memref<16x3200xf32, #tpu.memory_space<vmem>>, vector<16xf32>,
      %swap3A_645 = arith.index_cast %scan3A_335 : i32 to index
      %swap3A_646 = arith.constant 1648 : index
      %swap3A_647 = tpu.vector_load %arg7[%swap3A_645, %swap3A_646] {strides = array<i32>} : memref<16x3200xf32, #tpu.memory_space<vmem>>, vector<16xf32>,
      tpu.vector_store %arg7[%swap3A_645, %swap3A_646], %broadcast_in_dim3A_179 {strides = array<i32>} : memref<16x3200xf32, #tpu.memory_space<vmem>>, vector<16xf32>,
      %swap3A_648 = arith.index_cast %scan3A_335 : i32 to index
      %swap3A_649 = arith.constant 1664 : index
      %swap3A_650 = tpu.vector_load %arg7[%swap3A_648, %swap3A_649] {strides = array<i32>} : memref<16x3200xf32, #tpu.memory_space<vmem>>, vector<16xf32>,
      tpu.vector_store %arg7[%swap3A_648, %swap3A_649], %broadcast_in_dim3A_179 {strides = array<i32>} : memref<16x3200xf32, #tpu.memory_space<vmem>>, vector<16xf32>,
      %swap3A_651 = arith.index_cast %scan3A_335 : i32 to index
      %swap3A_652 = arith.constant 1680 : index
      %swap3A_653 = tpu.vector_load %arg7[%swap3A_651, %swap3A_652] {strides = array<i32>} : memref<16x3200xf32, #tpu.memory_space<vmem>>, vector<16xf32>,
      tpu.vector_store %arg7[%swap3A_651, %swap3A_652], %broadcast_in_dim3A_179 {strides = array<i32>} : memref<16x3200xf32, #tpu.memory_space<vmem>>, vector<16xf32>,
      %swap3A_654 = arith.index_cast %scan3A_335 : i32 to index
      %swap3A_655 = arith.constant 1696 : index
      %swap3A_656 = tpu.vector_load %arg7[%swap3A_654, %swap3A_655] {strides = array<i32>} : memref<16x3200xf32, #tpu.memory_space<vmem>>, vector<16xf32>,
      tpu.vector_store %arg7[%swap3A_654, %swap3A_655], %broadcast_in_dim3A_179 {strides = array<i32>} : memref<16x3200xf32, #tpu.memory_space<vmem>>, vector<16xf32>,
      %swap3A_657 = arith.index_cast %scan3A_335 : i32 to index
      %swap3A_658 = arith.constant 1712 : index
      %swap3A_659 = tpu.vector_load %arg7[%swap3A_657, %swap3A_658] {strides = array<i32>} : memref<16x3200xf32, #tpu.memory_space<vmem>>, vector<16xf32>,
      tpu.vector_store %arg7[%swap3A_657, %swap3A_658], %broadcast_in_dim3A_179 {strides = array<i32>} : memref<16x3200xf32, #tpu.memory_space<vmem>>, vector<16xf32>,
      %swap3A_660 = arith.index_cast %scan3A_335 : i32 to index
      %swap3A_661 = arith.constant 1728 : index
      %swap3A_662 = tpu.vector_load %arg7[%swap3A_660, %swap3A_661] {strides = array<i32>} : memref<16x3200xf32, #tpu.memory_space<vmem>>, vector<16xf32>,
      tpu.vector_store %arg7[%swap3A_660, %swap3A_661], %broadcast_in_dim3A_179 {strides = array<i32>} : memref<16x3200xf32, #tpu.memory_space<vmem>>, vector<16xf32>,
      %swap3A_663 = arith.index_cast %scan3A_335 : i32 to index
      %swap3A_664 = arith.constant 1744 : index
      %swap3A_665 = tpu.vector_load %arg7[%swap3A_663, %swap3A_664] {strides = array<i32>} : memref<16x3200xf32, #tpu.memory_space<vmem>>, vector<16xf32>,
      tpu.vector_store %arg7[%swap3A_663, %swap3A_664], %broadcast_in_dim3A_179 {strides = array<i32>} : memref<16x3200xf32, #tpu.memory_space<vmem>>, vector<16xf32>,
      %swap3A_666 = arith.index_cast %scan3A_335 : i32 to index
      %swap3A_667 = arith.constant 1760 : index
      %swap3A_668 = tpu.vector_load %arg7[%swap3A_666, %swap3A_667] {strides = array<i32>} : memref<16x3200xf32, #tpu.memory_space<vmem>>, vector<16xf32>,
      tpu.vector_store %arg7[%swap3A_666, %swap3A_667], %broadcast_in_dim3A_179 {strides = array<i32>} : memref<16x3200xf32, #tpu.memory_space<vmem>>, vector<16xf32>,
      %swap3A_669 = arith.index_cast %scan3A_335 : i32 to index
      %swap3A_670 = arith.constant 1776 : index
      %swap3A_671 = tpu.vector_load %arg7[%swap3A_669, %swap3A_670] {strides = array<i32>} : memref<16x3200xf32, #tpu.memory_space<vmem>>, vector<16xf32>,
      tpu.vector_store %arg7[%swap3A_669, %swap3A_670], %broadcast_in_dim3A_179 {strides = array<i32>} : memref<16x3200xf32, #tpu.memory_space<vmem>>, vector<16xf32>,
      %swap3A_672 = arith.index_cast %scan3A_335 : i32 to index
      %swap3A_673 = arith.constant 1792 : index
      %swap3A_674 = tpu.vector_load %arg7[%swap3A_672, %swap3A_673] {strides = array<i32>} : memref<16x3200xf32, #tpu.memory_space<vmem>>, vector<16xf32>,
      tpu.vector_store %arg7[%swap3A_672, %swap3A_673], %broadcast_in_dim3A_179 {strides = array<i32>} : memref<16x3200xf32, #tpu.memory_space<vmem>>, vector<16xf32>,
      %swap3A_675 = arith.index_cast %scan3A_335 : i32 to index
      %swap3A_676 = arith.constant 1808 : index
      %swap3A_677 = tpu.vector_load %arg7[%swap3A_675, %swap3A_676] {strides = array<i32>} : memref<16x3200xf32, #tpu.memory_space<vmem>>, vector<16xf32>,
      tpu.vector_store %arg7[%swap3A_675, %swap3A_676], %broadcast_in_dim3A_179 {strides = array<i32>} : memref<16x3200xf32, #tpu.memory_space<vmem>>, vector<16xf32>,
      %swap3A_678 = arith.index_cast %scan3A_335 : i32 to index
      %swap3A_679 = arith.constant 1824 : index
      %swap3A_680 = tpu.vector_load %arg7[%swap3A_678, %swap3A_679] {strides = array<i32>} : memref<16x3200xf32, #tpu.memory_space<vmem>>, vector<16xf32>,
      tpu.vector_store %arg7[%swap3A_678, %swap3A_679], %broadcast_in_dim3A_179 {strides = array<i32>} : memref<16x3200xf32, #tpu.memory_space<vmem>>, vector<16xf32>,
      %swap3A_681 = arith.index_cast %scan3A_335 : i32 to index
      %swap3A_682 = arith.constant 1840 : index
      %swap3A_683 = tpu.vector_load %arg7[%swap3A_681, %swap3A_682] {strides = array<i32>} : memref<16x3200xf32, #tpu.memory_space<vmem>>, vector<16xf32>,
      tpu.vector_store %arg7[%swap3A_681, %swap3A_682], %broadcast_in_dim3A_179 {strides = array<i32>} : memref<16x3200xf32, #tpu.memory_space<vmem>>, vector<16xf32>,
      %swap3A_684 = arith.index_cast %scan3A_335 : i32 to index
      %swap3A_685 = arith.constant 1856 : index
      %swap3A_686 = tpu.vector_load %arg7[%swap3A_684, %swap3A_685] {strides = array<i32>} : memref<16x3200xf32, #tpu.memory_space<vmem>>, vector<16xf32>,
      tpu.vector_store %arg7[%swap3A_684, %swap3A_685], %broadcast_in_dim3A_179 {strides = array<i32>} : memref<16x3200xf32, #tpu.memory_space<vmem>>, vector<16xf32>,
      %swap3A_687 = arith.index_cast %scan3A_335 : i32 to index
      %swap3A_688 = arith.constant 1872 : index
      %swap3A_689 = tpu.vector_load %arg7[%swap3A_687, %swap3A_688] {strides = array<i32>} : memref<16x3200xf32, #tpu.memory_space<vmem>>, vector<16xf32>,
      tpu.vector_store %arg7[%swap3A_687, %swap3A_688], %broadcast_in_dim3A_179 {strides = array<i32>} : memref<16x3200xf32, #tpu.memory_space<vmem>>, vector<16xf32>,
      %swap3A_690 = arith.index_cast %scan3A_335 : i32 to index
      %swap3A_691 = arith.constant 1888 : index
      %swap3A_692 = tpu.vector_load %arg7[%swap3A_690, %swap3A_691] {strides = array<i32>} : memref<16x3200xf32, #tpu.memory_space<vmem>>, vector<16xf32>,
      tpu.vector_store %arg7[%swap3A_690, %swap3A_691], %broadcast_in_dim3A_179 {strides = array<i32>} : memref<16x3200xf32, #tpu.memory_space<vmem>>, vector<16xf32>,
      %swap3A_693 = arith.index_cast %scan3A_335 : i32 to index
      %swap3A_694 = arith.constant 1904 : index
      %swap3A_695 = tpu.vector_load %arg7[%swap3A_693, %swap3A_694] {strides = array<i32>} : memref<16x3200xf32, #tpu.memory_space<vmem>>, vector<16xf32>,
      tpu.vector_store %arg7[%swap3A_693, %swap3A_694], %broadcast_in_dim3A_179 {strides = array<i32>} : memref<16x3200xf32, #tpu.memory_space<vmem>>, vector<16xf32>,
      %swap3A_696 = arith.index_cast %scan3A_335 : i32 to index
      %swap3A_697 = arith.constant 1920 : index
      %swap3A_698 = tpu.vector_load %arg7[%swap3A_696, %swap3A_697] {strides = array<i32>} : memref<16x3200xf32, #tpu.memory_space<vmem>>, vector<16xf32>,
      tpu.vector_store %arg7[%swap3A_696, %swap3A_697], %broadcast_in_dim3A_179 {strides = array<i32>} : memref<16x3200xf32, #tpu.memory_space<vmem>>, vector<16xf32>,
      %swap3A_699 = arith.index_cast %scan3A_335 : i32 to index
      %swap3A_700 = arith.constant 1936 : index
      %swap3A_701 = tpu.vector_load %arg7[%swap3A_699, %swap3A_700] {strides = array<i32>} : memref<16x3200xf32, #tpu.memory_space<vmem>>, vector<16xf32>,
      tpu.vector_store %arg7[%swap3A_699, %swap3A_700], %broadcast_in_dim3A_179 {strides = array<i32>} : memref<16x3200xf32, #tpu.memory_space<vmem>>, vector<16xf32>,
      %swap3A_702 = arith.index_cast %scan3A_335 : i32 to index
      %swap3A_703 = arith.constant 1952 : index
      %swap3A_704 = tpu.vector_load %arg7[%swap3A_702, %swap3A_703] {strides = array<i32>} : memref<16x3200xf32, #tpu.memory_space<vmem>>, vector<16xf32>,
      tpu.vector_store %arg7[%swap3A_702, %swap3A_703], %broadcast_in_dim3A_179 {strides = array<i32>} : memref<16x3200xf32, #tpu.memory_space<vmem>>, vector<16xf32>,
      %swap3A_705 = arith.index_cast %scan3A_335 : i32 to index
      %swap3A_706 = arith.constant 1968 : index
      %swap3A_707 = tpu.vector_load %arg7[%swap3A_705, %swap3A_706] {strides = array<i32>} : memref<16x3200xf32, #tpu.memory_space<vmem>>, vector<16xf32>,
      tpu.vector_store %arg7[%swap3A_705, %swap3A_706], %broadcast_in_dim3A_179 {strides = array<i32>} : memref<16x3200xf32, #tpu.memory_space<vmem>>, vector<16xf32>,
      %swap3A_708 = arith.index_cast %scan3A_335 : i32 to index
      %swap3A_709 = arith.constant 1984 : index
      %swap3A_710 = tpu.vector_load %arg7[%swap3A_708, %swap3A_709] {strides = array<i32>} : memref<16x3200xf32, #tpu.memory_space<vmem>>, vector<16xf32>,
      tpu.vector_store %arg7[%swap3A_708, %swap3A_709], %broadcast_in_dim3A_179 {strides = array<i32>} : memref<16x3200xf32, #tpu.memory_space<vmem>>, vector<16xf32>,
      %swap3A_711 = arith.index_cast %scan3A_335 : i32 to index
      %swap3A_712 = arith.constant 2000 : index
      %swap3A_713 = tpu.vector_load %arg7[%swap3A_711, %swap3A_712] {strides = array<i32>} : memref<16x3200xf32, #tpu.memory_space<vmem>>, vector<16xf32>,
      tpu.vector_store %arg7[%swap3A_711, %swap3A_712], %broadcast_in_dim3A_179 {strides = array<i32>} : memref<16x3200xf32, #tpu.memory_space<vmem>>, vector<16xf32>,
      %swap3A_714 = arith.index_cast %scan3A_335 : i32 to index
      %swap3A_715 = arith.constant 2016 : index
      %swap3A_716 = tpu.vector_load %arg7[%swap3A_714, %swap3A_715] {strides = array<i32>} : memref<16x3200xf32, #tpu.memory_space<vmem>>, vector<16xf32>,
      tpu.vector_store %arg7[%swap3A_714, %swap3A_715], %broadcast_in_dim3A_179 {strides = array<i32>} : memref<16x3200xf32, #tpu.memory_space<vmem>>, vector<16xf32>,
      %swap3A_717 = arith.index_cast %scan3A_335 : i32 to index
      %swap3A_718 = arith.constant 2032 : index
      %swap3A_719 = tpu.vector_load %arg7[%swap3A_717, %swap3A_718] {strides = array<i32>} : memref<16x3200xf32, #tpu.memory_space<vmem>>, vector<16xf32>,
      tpu.vector_store %arg7[%swap3A_717, %swap3A_718], %broadcast_in_dim3A_179 {strides = array<i32>} : memref<16x3200xf32, #tpu.memory_space<vmem>>, vector<16xf32>,
      %swap3A_720 = arith.index_cast %scan3A_335 : i32 to index
      %swap3A_721 = arith.constant 2048 : index
      %swap3A_722 = tpu.vector_load %arg7[%swap3A_720, %swap3A_721] {strides = array<i32>} : memref<16x3200xf32, #tpu.memory_space<vmem>>, vector<16xf32>,
      tpu.vector_store %arg7[%swap3A_720, %swap3A_721], %broadcast_in_dim3A_179 {strides = array<i32>} : memref<16x3200xf32, #tpu.memory_space<vmem>>, vector<16xf32>,
      %swap3A_723 = arith.index_cast %scan3A_335 : i32 to index
      %swap3A_724 = arith.constant 2064 : index
      %swap3A_725 = tpu.vector_load %arg7[%swap3A_723, %swap3A_724] {strides = array<i32>} : memref<16x3200xf32, #tpu.memory_space<vmem>>, vector<16xf32>,
      tpu.vector_store %arg7[%swap3A_723, %swap3A_724], %broadcast_in_dim3A_179 {strides = array<i32>} : memref<16x3200xf32, #tpu.memory_space<vmem>>, vector<16xf32>,
      %swap3A_726 = arith.index_cast %scan3A_335 : i32 to index
      %swap3A_727 = arith.constant 2080 : index
      %swap3A_728 = tpu.vector_load %arg7[%swap3A_726, %swap3A_727] {strides = array<i32>} : memref<16x3200xf32, #tpu.memory_space<vmem>>, vector<16xf32>,
      tpu.vector_store %arg7[%swap3A_726, %swap3A_727], %broadcast_in_dim3A_179 {strides = array<i32>} : memref<16x3200xf32, #tpu.memory_space<vmem>>, vector<16xf32>,
      %swap3A_729 = arith.index_cast %scan3A_335 : i32 to index
      %swap3A_730 = arith.constant 2096 : index
      %swap3A_731 = tpu.vector_load %arg7[%swap3A_729, %swap3A_730] {strides = array<i32>} : memref<16x3200xf32, #tpu.memory_space<vmem>>, vector<16xf32>,
      tpu.vector_store %arg7[%swap3A_729, %swap3A_730], %broadcast_in_dim3A_179 {strides = array<i32>} : memref<16x3200xf32, #tpu.memory_space<vmem>>, vector<16xf32>,
      %swap3A_732 = arith.index_cast %scan3A_335 : i32 to index
      %swap3A_733 = arith.constant 2112 : index
      %swap3A_734 = tpu.vector_load %arg7[%swap3A_732, %swap3A_733] {strides = array<i32>} : memref<16x3200xf32, #tpu.memory_space<vmem>>, vector<16xf32>,
      tpu.vector_store %arg7[%swap3A_732, %swap3A_733], %broadcast_in_dim3A_179 {strides = array<i32>} : memref<16x3200xf32, #tpu.memory_space<vmem>>, vector<16xf32>,
      %swap3A_735 = arith.index_cast %scan3A_335 : i32 to index
      %swap3A_736 = arith.constant 2128 : index
      %swap3A_737 = tpu.vector_load %arg7[%swap3A_735, %swap3A_736] {strides = array<i32>} : memref<16x3200xf32, #tpu.memory_space<vmem>>, vector<16xf32>,
      tpu.vector_store %arg7[%swap3A_735, %swap3A_736], %broadcast_in_dim3A_179 {strides = array<i32>} : memref<16x3200xf32, #tpu.memory_space<vmem>>, vector<16xf32>,
      %swap3A_738 = arith.index_cast %scan3A_335 : i32 to index
      %swap3A_739 = arith.constant 2144 : index
      %swap3A_740 = tpu.vector_load %arg7[%swap3A_738, %swap3A_739] {strides = array<i32>} : memref<16x3200xf32, #tpu.memory_space<vmem>>, vector<16xf32>,
      tpu.vector_store %arg7[%swap3A_738, %swap3A_739], %broadcast_in_dim3A_179 {strides = array<i32>} : memref<16x3200xf32, #tpu.memory_space<vmem>>, vector<16xf32>,
      %swap3A_741 = arith.index_cast %scan3A_335 : i32 to index
      %swap3A_742 = arith.constant 2160 : index
      %swap3A_743 = tpu.vector_load %arg7[%swap3A_741, %swap3A_742] {strides = array<i32>} : memref<16x3200xf32, #tpu.memory_space<vmem>>, vector<16xf32>,
      tpu.vector_store %arg7[%swap3A_741, %swap3A_742], %broadcast_in_dim3A_179 {strides = array<i32>} : memref<16x3200xf32, #tpu.memory_space<vmem>>, vector<16xf32>,
      %swap3A_744 = arith.index_cast %scan3A_335 : i32 to index
      %swap3A_745 = arith.constant 2176 : index
      %swap3A_746 = tpu.vector_load %arg7[%swap3A_744, %swap3A_745] {strides = array<i32>} : memref<16x3200xf32, #tpu.memory_space<vmem>>, vector<16xf32>,
      tpu.vector_store %arg7[%swap3A_744, %swap3A_745], %broadcast_in_dim3A_179 {strides = array<i32>} : memref<16x3200xf32, #tpu.memory_space<vmem>>, vector<16xf32>,
      %swap3A_747 = arith.index_cast %scan3A_335 : i32 to index
      %swap3A_748 = arith.constant 2192 : index
      %swap3A_749 = tpu.vector_load %arg7[%swap3A_747, %swap3A_748] {strides = array<i32>} : memref<16x3200xf32, #tpu.memory_space<vmem>>, vector<16xf32>,
      tpu.vector_store %arg7[%swap3A_747, %swap3A_748], %broadcast_in_dim3A_179 {strides = array<i32>} : memref<16x3200xf32, #tpu.memory_space<vmem>>, vector<16xf32>,
      %swap3A_750 = arith.index_cast %scan3A_335 : i32 to index
      %swap3A_751 = arith.constant 2208 : index
      %swap3A_752 = tpu.vector_load %arg7[%swap3A_750, %swap3A_751] {strides = array<i32>} : memref<16x3200xf32, #tpu.memory_space<vmem>>, vector<16xf32>,
      tpu.vector_store %arg7[%swap3A_750, %swap3A_751], %broadcast_in_dim3A_179 {strides = array<i32>} : memref<16x3200xf32, #tpu.memory_space<vmem>>, vector<16xf32>,
      %swap3A_753 = arith.index_cast %scan3A_335 : i32 to index
      %swap3A_754 = arith.constant 2224 : index
      %swap3A_755 = tpu.vector_load %arg7[%swap3A_753, %swap3A_754] {strides = array<i32>} : memref<16x3200xf32, #tpu.memory_space<vmem>>, vector<16xf32>,
      tpu.vector_store %arg7[%swap3A_753, %swap3A_754], %broadcast_in_dim3A_179 {strides = array<i32>} : memref<16x3200xf32, #tpu.memory_space<vmem>>, vector<16xf32>,
      %swap3A_756 = arith.index_cast %scan3A_335 : i32 to index
      %swap3A_757 = arith.constant 2240 : index
      %swap3A_758 = tpu.vector_load %arg7[%swap3A_756, %swap3A_757] {strides = array<i32>} : memref<16x3200xf32, #tpu.memory_space<vmem>>, vector<16xf32>,
      tpu.vector_store %arg7[%swap3A_756, %swap3A_757], %broadcast_in_dim3A_179 {strides = array<i32>} : memref<16x3200xf32, #tpu.memory_space<vmem>>, vector<16xf32>,
      %swap3A_759 = arith.index_cast %scan3A_335 : i32 to index
      %swap3A_760 = arith.constant 2256 : index
      %swap3A_761 = tpu.vector_load %arg7[%swap3A_759, %swap3A_760] {strides = array<i32>} : memref<16x3200xf32, #tpu.memory_space<vmem>>, vector<16xf32>,
      tpu.vector_store %arg7[%swap3A_759, %swap3A_760], %broadcast_in_dim3A_179 {strides = array<i32>} : memref<16x3200xf32, #tpu.memory_space<vmem>>, vector<16xf32>,
      %swap3A_762 = arith.index_cast %scan3A_335 : i32 to index
      %swap3A_763 = arith.constant 2272 : index
      %swap3A_764 = tpu.vector_load %arg7[%swap3A_762, %swap3A_763] {strides = array<i32>} : memref<16x3200xf32, #tpu.memory_space<vmem>>, vector<16xf32>,
      tpu.vector_store %arg7[%swap3A_762, %swap3A_763], %broadcast_in_dim3A_179 {strides = array<i32>} : memref<16x3200xf32, #tpu.memory_space<vmem>>, vector<16xf32>,
      %swap3A_765 = arith.index_cast %scan3A_335 : i32 to index
      %swap3A_766 = arith.constant 2288 : index
      %swap3A_767 = tpu.vector_load %arg7[%swap3A_765, %swap3A_766] {strides = array<i32>} : memref<16x3200xf32, #tpu.memory_space<vmem>>, vector<16xf32>,
      tpu.vector_store %arg7[%swap3A_765, %swap3A_766], %broadcast_in_dim3A_179 {strides = array<i32>} : memref<16x3200xf32, #tpu.memory_space<vmem>>, vector<16xf32>,
      %swap3A_768 = arith.index_cast %scan3A_335 : i32 to index
      %swap3A_769 = arith.constant 2304 : index
      %swap3A_770 = tpu.vector_load %arg7[%swap3A_768, %swap3A_769] {strides = array<i32>} : memref<16x3200xf32, #tpu.memory_space<vmem>>, vector<16xf32>,
      tpu.vector_store %arg7[%swap3A_768, %swap3A_769], %broadcast_in_dim3A_179 {strides = array<i32>} : memref<16x3200xf32, #tpu.memory_space<vmem>>, vector<16xf32>,
      %swap3A_771 = arith.index_cast %scan3A_335 : i32 to index
      %swap3A_772 = arith.constant 2320 : index
      %swap3A_773 = tpu.vector_load %arg7[%swap3A_771, %swap3A_772] {strides = array<i32>} : memref<16x3200xf32, #tpu.memory_space<vmem>>, vector<16xf32>,
      tpu.vector_store %arg7[%swap3A_771, %swap3A_772], %broadcast_in_dim3A_179 {strides = array<i32>} : memref<16x3200xf32, #tpu.memory_space<vmem>>, vector<16xf32>,
      %swap3A_774 = arith.index_cast %scan3A_335 : i32 to index
      %swap3A_775 = arith.constant 2336 : index
      %swap3A_776 = tpu.vector_load %arg7[%swap3A_774, %swap3A_775] {strides = array<i32>} : memref<16x3200xf32, #tpu.memory_space<vmem>>, vector<16xf32>,
      tpu.vector_store %arg7[%swap3A_774, %swap3A_775], %broadcast_in_dim3A_179 {strides = array<i32>} : memref<16x3200xf32, #tpu.memory_space<vmem>>, vector<16xf32>,
      %swap3A_777 = arith.index_cast %scan3A_335 : i32 to index
      %swap3A_778 = arith.constant 2352 : index
      %swap3A_779 = tpu.vector_load %arg7[%swap3A_777, %swap3A_778] {strides = array<i32>} : memref<16x3200xf32, #tpu.memory_space<vmem>>, vector<16xf32>,
      tpu.vector_store %arg7[%swap3A_777, %swap3A_778], %broadcast_in_dim3A_179 {strides = array<i32>} : memref<16x3200xf32, #tpu.memory_space<vmem>>, vector<16xf32>,
      %swap3A_780 = arith.index_cast %scan3A_335 : i32 to index
      %swap3A_781 = arith.constant 2368 : index
      %swap3A_782 = tpu.vector_load %arg7[%swap3A_780, %swap3A_781] {strides = array<i32>} : memref<16x3200xf32, #tpu.memory_space<vmem>>, vector<16xf32>,
      tpu.vector_store %arg7[%swap3A_780, %swap3A_781], %broadcast_in_dim3A_179 {strides = array<i32>} : memref<16x3200xf32, #tpu.memory_space<vmem>>, vector<16xf32>,
      %swap3A_783 = arith.index_cast %scan3A_335 : i32 to index
      %swap3A_784 = arith.constant 2384 : index
      %swap3A_785 = tpu.vector_load %arg7[%swap3A_783, %swap3A_784] {strides = array<i32>} : memref<16x3200xf32, #tpu.memory_space<vmem>>, vector<16xf32>,
      tpu.vector_store %arg7[%swap3A_783, %swap3A_784], %broadcast_in_dim3A_179 {strides = array<i32>} : memref<16x3200xf32, #tpu.memory_space<vmem>>, vector<16xf32>,
      %swap3A_786 = arith.index_cast %scan3A_335 : i32 to index
      %swap3A_787 = arith.constant 2400 : index
      %swap3A_788 = tpu.vector_load %arg7[%swap3A_786, %swap3A_787] {strides = array<i32>} : memref<16x3200xf32, #tpu.memory_space<vmem>>, vector<16xf32>,
      tpu.vector_store %arg7[%swap3A_786, %swap3A_787], %broadcast_in_dim3A_179 {strides = array<i32>} : memref<16x3200xf32, #tpu.memory_space<vmem>>, vector<16xf32>,
      %swap3A_789 = arith.index_cast %scan3A_335 : i32 to index
      %swap3A_790 = arith.constant 2416 : index
      %swap3A_791 = tpu.vector_load %arg7[%swap3A_789, %swap3A_790] {strides = array<i32>} : memref<16x3200xf32, #tpu.memory_space<vmem>>, vector<16xf32>,
      tpu.vector_store %arg7[%swap3A_789, %swap3A_790], %broadcast_in_dim3A_179 {strides = array<i32>} : memref<16x3200xf32, #tpu.memory_space<vmem>>, vector<16xf32>,
      %swap3A_792 = arith.index_cast %scan3A_335 : i32 to index
      %swap3A_793 = arith.constant 2432 : index
      %swap3A_794 = tpu.vector_load %arg7[%swap3A_792, %swap3A_793] {strides = array<i32>} : memref<16x3200xf32, #tpu.memory_space<vmem>>, vector<16xf32>,
      tpu.vector_store %arg7[%swap3A_792, %swap3A_793], %broadcast_in_dim3A_179 {strides = array<i32>} : memref<16x3200xf32, #tpu.memory_space<vmem>>, vector<16xf32>,
      %swap3A_795 = arith.index_cast %scan3A_335 : i32 to index
      %swap3A_796 = arith.constant 2448 : index
      %swap3A_797 = tpu.vector_load %arg7[%swap3A_795, %swap3A_796] {strides = array<i32>} : memref<16x3200xf32, #tpu.memory_space<vmem>>, vector<16xf32>,
      tpu.vector_store %arg7[%swap3A_795, %swap3A_796], %broadcast_in_dim3A_179 {strides = array<i32>} : memref<16x3200xf32, #tpu.memory_space<vmem>>, vector<16xf32>,
      %swap3A_798 = arith.index_cast %scan3A_335 : i32 to index
      %swap3A_799 = arith.constant 2464 : index
      %swap3A_800 = tpu.vector_load %arg7[%swap3A_798, %swap3A_799] {strides = array<i32>} : memref<16x3200xf32, #tpu.memory_space<vmem>>, vector<16xf32>,
      tpu.vector_store %arg7[%swap3A_798, %swap3A_799], %broadcast_in_dim3A_179 {strides = array<i32>} : memref<16x3200xf32, #tpu.memory_space<vmem>>, vector<16xf32>,
      %swap3A_801 = arith.index_cast %scan3A_335 : i32 to index
      %swap3A_802 = arith.constant 2480 : index
      %swap3A_803 = tpu.vector_load %arg7[%swap3A_801, %swap3A_802] {strides = array<i32>} : memref<16x3200xf32, #tpu.memory_space<vmem>>, vector<16xf32>,
      tpu.vector_store %arg7[%swap3A_801, %swap3A_802], %broadcast_in_dim3A_179 {strides = array<i32>} : memref<16x3200xf32, #tpu.memory_space<vmem>>, vector<16xf32>,
      %swap3A_804 = arith.index_cast %scan3A_335 : i32 to index
      %swap3A_805 = arith.constant 2496 : index
      %swap3A_806 = tpu.vector_load %arg7[%swap3A_804, %swap3A_805] {strides = array<i32>} : memref<16x3200xf32, #tpu.memory_space<vmem>>, vector<16xf32>,
      tpu.vector_store %arg7[%swap3A_804, %swap3A_805], %broadcast_in_dim3A_179 {strides = array<i32>} : memref<16x3200xf32, #tpu.memory_space<vmem>>, vector<16xf32>,
      %swap3A_807 = arith.index_cast %scan3A_335 : i32 to index
      %swap3A_808 = arith.constant 2512 : index
      %swap3A_809 = tpu.vector_load %arg7[%swap3A_807, %swap3A_808] {strides = array<i32>} : memref<16x3200xf32, #tpu.memory_space<vmem>>, vector<16xf32>,
      tpu.vector_store %arg7[%swap3A_807, %swap3A_808], %broadcast_in_dim3A_179 {strides = array<i32>} : memref<16x3200xf32, #tpu.memory_space<vmem>>, vector<16xf32>,
      %swap3A_810 = arith.index_cast %scan3A_335 : i32 to index
      %swap3A_811 = arith.constant 2528 : index
      %swap3A_812 = tpu.vector_load %arg7[%swap3A_810, %swap3A_811] {strides = array<i32>} : memref<16x3200xf32, #tpu.memory_space<vmem>>, vector<16xf32>,
      tpu.vector_store %arg7[%swap3A_810, %swap3A_811], %broadcast_in_dim3A_179 {strides = array<i32>} : memref<16x3200xf32, #tpu.memory_space<vmem>>, vector<16xf32>,
      %swap3A_813 = arith.index_cast %scan3A_335 : i32 to index
      %swap3A_814 = arith.constant 2544 : index
      %swap3A_815 = tpu.vector_load %arg7[%swap3A_813, %swap3A_814] {strides = array<i32>} : memref<16x3200xf32, #tpu.memory_space<vmem>>, vector<16xf32>,
      tpu.vector_store %arg7[%swap3A_813, %swap3A_814], %broadcast_in_dim3A_179 {strides = array<i32>} : memref<16x3200xf32, #tpu.memory_space<vmem>>, vector<16xf32>,
      %swap3A_816 = arith.index_cast %scan3A_335 : i32 to index
      %swap3A_817 = arith.constant 2560 : index
      %swap3A_818 = tpu.vector_load %arg7[%swap3A_816, %swap3A_817] {strides = array<i32>} : memref<16x3200xf32, #tpu.memory_space<vmem>>, vector<16xf32>,
      tpu.vector_store %arg7[%swap3A_816, %swap3A_817], %broadcast_in_dim3A_179 {strides = array<i32>} : memref<16x3200xf32, #tpu.memory_space<vmem>>, vector<16xf32>,
      %swap3A_819 = arith.index_cast %scan3A_335 : i32 to index
      %swap3A_820 = arith.constant 2576 : index
      %swap3A_821 = tpu.vector_load %arg7[%swap3A_819, %swap3A_820] {strides = array<i32>} : memref<16x3200xf32, #tpu.memory_space<vmem>>, vector<16xf32>,
      tpu.vector_store %arg7[%swap3A_819, %swap3A_820], %broadcast_in_dim3A_179 {strides = array<i32>} : memref<16x3200xf32, #tpu.memory_space<vmem>>, vector<16xf32>,
      %swap3A_822 = arith.index_cast %scan3A_335 : i32 to index
      %swap3A_823 = arith.constant 2592 : index
      %swap3A_824 = tpu.vector_load %arg7[%swap3A_822, %swap3A_823] {strides = array<i32>} : memref<16x3200xf32, #tpu.memory_space<vmem>>, vector<16xf32>,
      tpu.vector_store %arg7[%swap3A_822, %swap3A_823], %broadcast_in_dim3A_179 {strides = array<i32>} : memref<16x3200xf32, #tpu.memory_space<vmem>>, vector<16xf32>,
      %swap3A_825 = arith.index_cast %scan3A_335 : i32 to index
      %swap3A_826 = arith.constant 2608 : index
      %swap3A_827 = tpu.vector_load %arg7[%swap3A_825, %swap3A_826] {strides = array<i32>} : memref<16x3200xf32, #tpu.memory_space<vmem>>, vector<16xf32>,
      tpu.vector_store %arg7[%swap3A_825, %swap3A_826], %broadcast_in_dim3A_179 {strides = array<i32>} : memref<16x3200xf32, #tpu.memory_space<vmem>>, vector<16xf32>,
      %swap3A_828 = arith.index_cast %scan3A_335 : i32 to index
      %swap3A_829 = arith.constant 2624 : index
      %swap3A_830 = tpu.vector_load %arg7[%swap3A_828, %swap3A_829] {strides = array<i32>} : memref<16x3200xf32, #tpu.memory_space<vmem>>, vector<16xf32>,
      tpu.vector_store %arg7[%swap3A_828, %swap3A_829], %broadcast_in_dim3A_179 {strides = array<i32>} : memref<16x3200xf32, #tpu.memory_space<vmem>>, vector<16xf32>,
      %swap3A_831 = arith.index_cast %scan3A_335 : i32 to index
      %swap3A_832 = arith.constant 2640 : index
      %swap3A_833 = tpu.vector_load %arg7[%swap3A_831, %swap3A_832] {strides = array<i32>} : memref<16x3200xf32, #tpu.memory_space<vmem>>, vector<16xf32>,
      tpu.vector_store %arg7[%swap3A_831, %swap3A_832], %broadcast_in_dim3A_179 {strides = array<i32>} : memref<16x3200xf32, #tpu.memory_space<vmem>>, vector<16xf32>,
      %swap3A_834 = arith.index_cast %scan3A_335 : i32 to index
      %swap3A_835 = arith.constant 2656 : index
      %swap3A_836 = tpu.vector_load %arg7[%swap3A_834, %swap3A_835] {strides = array<i32>} : memref<16x3200xf32, #tpu.memory_space<vmem>>, vector<16xf32>,
      tpu.vector_store %arg7[%swap3A_834, %swap3A_835], %broadcast_in_dim3A_179 {strides = array<i32>} : memref<16x3200xf32, #tpu.memory_space<vmem>>, vector<16xf32>,
      %swap3A_837 = arith.index_cast %scan3A_335 : i32 to index
      %swap3A_838 = arith.constant 2672 : index
      %swap3A_839 = tpu.vector_load %arg7[%swap3A_837, %swap3A_838] {strides = array<i32>} : memref<16x3200xf32, #tpu.memory_space<vmem>>, vector<16xf32>,
      tpu.vector_store %arg7[%swap3A_837, %swap3A_838], %broadcast_in_dim3A_179 {strides = array<i32>} : memref<16x3200xf32, #tpu.memory_space<vmem>>, vector<16xf32>,
      %swap3A_840 = arith.index_cast %scan3A_335 : i32 to index
      %swap3A_841 = arith.constant 2688 : index
      %swap3A_842 = tpu.vector_load %arg7[%swap3A_840, %swap3A_841] {strides = array<i32>} : memref<16x3200xf32, #tpu.memory_space<vmem>>, vector<16xf32>,
      tpu.vector_store %arg7[%swap3A_840, %swap3A_841], %broadcast_in_dim3A_179 {strides = array<i32>} : memref<16x3200xf32, #tpu.memory_space<vmem>>, vector<16xf32>,
      %swap3A_843 = arith.index_cast %scan3A_335 : i32 to index
      %swap3A_844 = arith.constant 2704 : index
      %swap3A_845 = tpu.vector_load %arg7[%swap3A_843, %swap3A_844] {strides = array<i32>} : memref<16x3200xf32, #tpu.memory_space<vmem>>, vector<16xf32>,
      tpu.vector_store %arg7[%swap3A_843, %swap3A_844], %broadcast_in_dim3A_179 {strides = array<i32>} : memref<16x3200xf32, #tpu.memory_space<vmem>>, vector<16xf32>,
      %swap3A_846 = arith.index_cast %scan3A_335 : i32 to index
      %swap3A_847 = arith.constant 2720 : index
      %swap3A_848 = tpu.vector_load %arg7[%swap3A_846, %swap3A_847] {strides = array<i32>} : memref<16x3200xf32, #tpu.memory_space<vmem>>, vector<16xf32>,
      tpu.vector_store %arg7[%swap3A_846, %swap3A_847], %broadcast_in_dim3A_179 {strides = array<i32>} : memref<16x3200xf32, #tpu.memory_space<vmem>>, vector<16xf32>,
      %swap3A_849 = arith.index_cast %scan3A_335 : i32 to index
      %swap3A_850 = arith.constant 2736 : index
      %swap3A_851 = tpu.vector_load %arg7[%swap3A_849, %swap3A_850] {strides = array<i32>} : memref<16x3200xf32, #tpu.memory_space<vmem>>, vector<16xf32>,
      tpu.vector_store %arg7[%swap3A_849, %swap3A_850], %broadcast_in_dim3A_179 {strides = array<i32>} : memref<16x3200xf32, #tpu.memory_space<vmem>>, vector<16xf32>,
      %swap3A_852 = arith.index_cast %scan3A_335 : i32 to index
      %swap3A_853 = arith.constant 2752 : index
      %swap3A_854 = tpu.vector_load %arg7[%swap3A_852, %swap3A_853] {strides = array<i32>} : memref<16x3200xf32, #tpu.memory_space<vmem>>, vector<16xf32>,
      tpu.vector_store %arg7[%swap3A_852, %swap3A_853], %broadcast_in_dim3A_179 {strides = array<i32>} : memref<16x3200xf32, #tpu.memory_space<vmem>>, vector<16xf32>,
      %swap3A_855 = arith.index_cast %scan3A_335 : i32 to index
      %swap3A_856 = arith.constant 2768 : index
      %swap3A_857 = tpu.vector_load %arg7[%swap3A_855, %swap3A_856] {strides = array<i32>} : memref<16x3200xf32, #tpu.memory_space<vmem>>, vector<16xf32>,
      tpu.vector_store %arg7[%swap3A_855, %swap3A_856], %broadcast_in_dim3A_179 {strides = array<i32>} : memref<16x3200xf32, #tpu.memory_space<vmem>>, vector<16xf32>,
      %swap3A_858 = arith.index_cast %scan3A_335 : i32 to index
      %swap3A_859 = arith.constant 2784 : index
      %swap3A_860 = tpu.vector_load %arg7[%swap3A_858, %swap3A_859] {strides = array<i32>} : memref<16x3200xf32, #tpu.memory_space<vmem>>, vector<16xf32>,
      tpu.vector_store %arg7[%swap3A_858, %swap3A_859], %broadcast_in_dim3A_179 {strides = array<i32>} : memref<16x3200xf32, #tpu.memory_space<vmem>>, vector<16xf32>,
      %swap3A_861 = arith.index_cast %scan3A_335 : i32 to index
      %swap3A_862 = arith.constant 2800 : index
      %swap3A_863 = tpu.vector_load %arg7[%swap3A_861, %swap3A_862] {strides = array<i32>} : memref<16x3200xf32, #tpu.memory_space<vmem>>, vector<16xf32>,
      tpu.vector_store %arg7[%swap3A_861, %swap3A_862], %broadcast_in_dim3A_179 {strides = array<i32>} : memref<16x3200xf32, #tpu.memory_space<vmem>>, vector<16xf32>,
      %swap3A_864 = arith.index_cast %scan3A_335 : i32 to index
      %swap3A_865 = arith.constant 2816 : index
      %swap3A_866 = tpu.vector_load %arg7[%swap3A_864, %swap3A_865] {strides = array<i32>} : memref<16x3200xf32, #tpu.memory_space<vmem>>, vector<16xf32>,
      tpu.vector_store %arg7[%swap3A_864, %swap3A_865], %broadcast_in_dim3A_179 {strides = array<i32>} : memref<16x3200xf32, #tpu.memory_space<vmem>>, vector<16xf32>,
      %swap3A_867 = arith.index_cast %scan3A_335 : i32 to index
      %swap3A_868 = arith.constant 2832 : index
      %swap3A_869 = tpu.vector_load %arg7[%swap3A_867, %swap3A_868] {strides = array<i32>} : memref<16x3200xf32, #tpu.memory_space<vmem>>, vector<16xf32>,
      tpu.vector_store %arg7[%swap3A_867, %swap3A_868], %broadcast_in_dim3A_179 {strides = array<i32>} : memref<16x3200xf32, #tpu.memory_space<vmem>>, vector<16xf32>,
      %swap3A_870 = arith.index_cast %scan3A_335 : i32 to index
      %swap3A_871 = arith.constant 2848 : index
      %swap3A_872 = tpu.vector_load %arg7[%swap3A_870, %swap3A_871] {strides = array<i32>} : memref<16x3200xf32, #tpu.memory_space<vmem>>, vector<16xf32>,
      tpu.vector_store %arg7[%swap3A_870, %swap3A_871], %broadcast_in_dim3A_179 {strides = array<i32>} : memref<16x3200xf32, #tpu.memory_space<vmem>>, vector<16xf32>,
      %swap3A_873 = arith.index_cast %scan3A_335 : i32 to index
      %swap3A_874 = arith.constant 2864 : index
      %swap3A_875 = tpu.vector_load %arg7[%swap3A_873, %swap3A_874] {strides = array<i32>} : memref<16x3200xf32, #tpu.memory_space<vmem>>, vector<16xf32>,
      tpu.vector_store %arg7[%swap3A_873, %swap3A_874], %broadcast_in_dim3A_179 {strides = array<i32>} : memref<16x3200xf32, #tpu.memory_space<vmem>>, vector<16xf32>,
      %swap3A_876 = arith.index_cast %scan3A_335 : i32 to index
      %swap3A_877 = arith.constant 2880 : index
      %swap3A_878 = tpu.vector_load %arg7[%swap3A_876, %swap3A_877] {strides = array<i32>} : memref<16x3200xf32, #tpu.memory_space<vmem>>, vector<16xf32>,
      tpu.vector_store %arg7[%swap3A_876, %swap3A_877], %broadcast_in_dim3A_179 {strides = array<i32>} : memref<16x3200xf32, #tpu.memory_space<vmem>>, vector<16xf32>,
      %swap3A_879 = arith.index_cast %scan3A_335 : i32 to index
      %swap3A_880 = arith.constant 2896 : index
      %swap3A_881 = tpu.vector_load %arg7[%swap3A_879, %swap3A_880] {strides = array<i32>} : memref<16x3200xf32, #tpu.memory_space<vmem>>, vector<16xf32>,
      tpu.vector_store %arg7[%swap3A_879, %swap3A_880], %broadcast_in_dim3A_179 {strides = array<i32>} : memref<16x3200xf32, #tpu.memory_space<vmem>>, vector<16xf32>,
      %swap3A_882 = arith.index_cast %scan3A_335 : i32 to index
      %swap3A_883 = arith.constant 2912 : index
      %swap3A_884 = tpu.vector_load %arg7[%swap3A_882, %swap3A_883] {strides = array<i32>} : memref<16x3200xf32, #tpu.memory_space<vmem>>, vector<16xf32>,
      tpu.vector_store %arg7[%swap3A_882, %swap3A_883], %broadcast_in_dim3A_179 {strides = array<i32>} : memref<16x3200xf32, #tpu.memory_space<vmem>>, vector<16xf32>,
      %swap3A_885 = arith.index_cast %scan3A_335 : i32 to index
      %swap3A_886 = arith.constant 2928 : index
      %swap3A_887 = tpu.vector_load %arg7[%swap3A_885, %swap3A_886] {strides = array<i32>} : memref<16x3200xf32, #tpu.memory_space<vmem>>, vector<16xf32>,
      tpu.vector_store %arg7[%swap3A_885, %swap3A_886], %broadcast_in_dim3A_179 {strides = array<i32>} : memref<16x3200xf32, #tpu.memory_space<vmem>>, vector<16xf32>,
      %swap3A_888 = arith.index_cast %scan3A_335 : i32 to index
      %swap3A_889 = arith.constant 2944 : index
      %swap3A_890 = tpu.vector_load %arg7[%swap3A_888, %swap3A_889] {strides = array<i32>} : memref<16x3200xf32, #tpu.memory_space<vmem>>, vector<16xf32>,
      tpu.vector_store %arg7[%swap3A_888, %swap3A_889], %broadcast_in_dim3A_179 {strides = array<i32>} : memref<16x3200xf32, #tpu.memory_space<vmem>>, vector<16xf32>,
      %swap3A_891 = arith.index_cast %scan3A_335 : i32 to index
      %swap3A_892 = arith.constant 2960 : index
      %swap3A_893 = tpu.vector_load %arg7[%swap3A_891, %swap3A_892] {strides = array<i32>} : memref<16x3200xf32, #tpu.memory_space<vmem>>, vector<16xf32>,
      tpu.vector_store %arg7[%swap3A_891, %swap3A_892], %broadcast_in_dim3A_179 {strides = array<i32>} : memref<16x3200xf32, #tpu.memory_space<vmem>>, vector<16xf32>,
      %swap3A_894 = arith.index_cast %scan3A_335 : i32 to index
      %swap3A_895 = arith.constant 2976 : index
      %swap3A_896 = tpu.vector_load %arg7[%swap3A_894, %swap3A_895] {strides = array<i32>} : memref<16x3200xf32, #tpu.memory_space<vmem>>, vector<16xf32>,
      tpu.vector_store %arg7[%swap3A_894, %swap3A_895], %broadcast_in_dim3A_179 {strides = array<i32>} : memref<16x3200xf32, #tpu.memory_space<vmem>>, vector<16xf32>,
      %swap3A_897 = arith.index_cast %scan3A_335 : i32 to index
      %swap3A_898 = arith.constant 2992 : index
      %swap3A_899 = tpu.vector_load %arg7[%swap3A_897, %swap3A_898] {strides = array<i32>} : memref<16x3200xf32, #tpu.memory_space<vmem>>, vector<16xf32>,
      tpu.vector_store %arg7[%swap3A_897, %swap3A_898], %broadcast_in_dim3A_179 {strides = array<i32>} : memref<16x3200xf32, #tpu.memory_space<vmem>>, vector<16xf32>,
      %swap3A_900 = arith.index_cast %scan3A_335 : i32 to index
      %swap3A_901 = arith.constant 3008 : index
      %swap3A_902 = tpu.vector_load %arg7[%swap3A_900, %swap3A_901] {strides = array<i32>} : memref<16x3200xf32, #tpu.memory_space<vmem>>, vector<16xf32>,
      tpu.vector_store %arg7[%swap3A_900, %swap3A_901], %broadcast_in_dim3A_179 {strides = array<i32>} : memref<16x3200xf32, #tpu.memory_space<vmem>>, vector<16xf32>,
      %swap3A_903 = arith.index_cast %scan3A_335 : i32 to index
      %swap3A_904 = arith.constant 3024 : index
      %swap3A_905 = tpu.vector_load %arg7[%swap3A_903, %swap3A_904] {strides = array<i32>} : memref<16x3200xf32, #tpu.memory_space<vmem>>, vector<16xf32>,
      tpu.vector_store %arg7[%swap3A_903, %swap3A_904], %broadcast_in_dim3A_179 {strides = array<i32>} : memref<16x3200xf32, #tpu.memory_space<vmem>>, vector<16xf32>,
      %swap3A_906 = arith.index_cast %scan3A_335 : i32 to index
      %swap3A_907 = arith.constant 3040 : index
      %swap3A_908 = tpu.vector_load %arg7[%swap3A_906, %swap3A_907] {strides = array<i32>} : memref<16x3200xf32, #tpu.memory_space<vmem>>, vector<16xf32>,
      tpu.vector_store %arg7[%swap3A_906, %swap3A_907], %broadcast_in_dim3A_179 {strides = array<i32>} : memref<16x3200xf32, #tpu.memory_space<vmem>>, vector<16xf32>,
      %swap3A_909 = arith.index_cast %scan3A_335 : i32 to index
      %swap3A_910 = arith.constant 3056 : index
      %swap3A_911 = tpu.vector_load %arg7[%swap3A_909, %swap3A_910] {strides = array<i32>} : memref<16x3200xf32, #tpu.memory_space<vmem>>, vector<16xf32>,
      tpu.vector_store %arg7[%swap3A_909, %swap3A_910], %broadcast_in_dim3A_179 {strides = array<i32>} : memref<16x3200xf32, #tpu.memory_space<vmem>>, vector<16xf32>,
      %swap3A_912 = arith.index_cast %scan3A_335 : i32 to index
      %swap3A_913 = arith.constant 3072 : index
      %swap3A_914 = tpu.vector_load %arg7[%swap3A_912, %swap3A_913] {strides = array<i32>} : memref<16x3200xf32, #tpu.memory_space<vmem>>, vector<16xf32>,
      tpu.vector_store %arg7[%swap3A_912, %swap3A_913], %broadcast_in_dim3A_179 {strides = array<i32>} : memref<16x3200xf32, #tpu.memory_space<vmem>>, vector<16xf32>,
      %swap3A_915 = arith.index_cast %scan3A_335 : i32 to index
      %swap3A_916 = arith.constant 3088 : index
      %swap3A_917 = tpu.vector_load %arg7[%swap3A_915, %swap3A_916] {strides = array<i32>} : memref<16x3200xf32, #tpu.memory_space<vmem>>, vector<16xf32>,
      tpu.vector_store %arg7[%swap3A_915, %swap3A_916], %broadcast_in_dim3A_179 {strides = array<i32>} : memref<16x3200xf32, #tpu.memory_space<vmem>>, vector<16xf32>,
      %swap3A_918 = arith.index_cast %scan3A_335 : i32 to index
      %swap3A_919 = arith.constant 3104 : index
      %swap3A_920 = tpu.vector_load %arg7[%swap3A_918, %swap3A_919] {strides = array<i32>} : memref<16x3200xf32, #tpu.memory_space<vmem>>, vector<16xf32>,
      tpu.vector_store %arg7[%swap3A_918, %swap3A_919], %broadcast_in_dim3A_179 {strides = array<i32>} : memref<16x3200xf32, #tpu.memory_space<vmem>>, vector<16xf32>,
      %swap3A_921 = arith.index_cast %scan3A_335 : i32 to index
      %swap3A_922 = arith.constant 3120 : index
      %swap3A_923 = tpu.vector_load %arg7[%swap3A_921, %swap3A_922] {strides = array<i32>} : memref<16x3200xf32, #tpu.memory_space<vmem>>, vector<16xf32>,
      tpu.vector_store %arg7[%swap3A_921, %swap3A_922], %broadcast_in_dim3A_179 {strides = array<i32>} : memref<16x3200xf32, #tpu.memory_space<vmem>>, vector<16xf32>,
      %swap3A_924 = arith.index_cast %scan3A_335 : i32 to index
      %swap3A_925 = arith.constant 3136 : index
      %swap3A_926 = tpu.vector_load %arg7[%swap3A_924, %swap3A_925] {strides = array<i32>} : memref<16x3200xf32, #tpu.memory_space<vmem>>, vector<16xf32>,
      tpu.vector_store %arg7[%swap3A_924, %swap3A_925], %broadcast_in_dim3A_179 {strides = array<i32>} : memref<16x3200xf32, #tpu.memory_space<vmem>>, vector<16xf32>,
      %swap3A_927 = arith.index_cast %scan3A_335 : i32 to index
      %swap3A_928 = arith.constant 3152 : index
      %swap3A_929 = tpu.vector_load %arg7[%swap3A_927, %swap3A_928] {strides = array<i32>} : memref<16x3200xf32, #tpu.memory_space<vmem>>, vector<16xf32>,
      tpu.vector_store %arg7[%swap3A_927, %swap3A_928], %broadcast_in_dim3A_179 {strides = array<i32>} : memref<16x3200xf32, #tpu.memory_space<vmem>>, vector<16xf32>,
      %swap3A_930 = arith.index_cast %scan3A_335 : i32 to index
      %swap3A_931 = arith.constant 3168 : index
      %swap3A_932 = tpu.vector_load %arg7[%swap3A_930, %swap3A_931] {strides = array<i32>} : memref<16x3200xf32, #tpu.memory_space<vmem>>, vector<16xf32>,
      tpu.vector_store %arg7[%swap3A_930, %swap3A_931], %broadcast_in_dim3A_179 {strides = array<i32>} : memref<16x3200xf32, #tpu.memory_space<vmem>>, vector<16xf32>,
      %swap3A_933 = arith.index_cast %scan3A_335 : i32 to index
      %swap3A_934 = arith.constant 3184 : index
      %swap3A_935 = tpu.vector_load %arg7[%swap3A_933, %swap3A_934] {strides = array<i32>} : memref<16x3200xf32, #tpu.memory_space<vmem>>, vector<16xf32>,
      tpu.vector_store %arg7[%swap3A_933, %swap3A_934], %broadcast_in_dim3A_179 {strides = array<i32>} : memref<16x3200xf32, #tpu.memory_space<vmem>>, vector<16xf32>,
    }
    %scan3A_207 = arith.constant 16 : i32
    %get3A_208 = arith.constant 16 : index
    %get3A_209 = tpu.vector_load %arg5[%get3A_208] {strides = array<i32>} : memref<128xf32, #tpu.memory_space<vmem>>, vector<16xf32>,
    tpu.vector_store_idx %arg7[%iota3A, %broadcast_in_dim3A_181], %get3A_209 : memref<16x3200xf32, #tpu.memory_space<vmem>>[vector<16xi32>, vector<16xi32>], vector<16xf32>,
    %add3A_210 = arith.constant 16 : i32
    %add3A_211 = arith.addi %mul3A_2, %add3A_210 : i32
    %add3A_212 = arith.constant 1 : i32
    %add3A_213 = arith.addi %add3A_211, %add3A_212 : i32
    %add3A_214 = vector.broadcast %add3A_213 : i32 to vector<16xi32>
    %add3A_215 = arith.addi %iota3A, %add3A_214 : vector<16xi32>
    %get3A_216 = arith.constant 16 : index
    %get3A_217 = tpu.vector_load %arg4[%get3A_216] {strides = array<i32>} : memref<128xf32, #tpu.memory_space<vmem>>, vector<16xf32>,
    tpu.vector_store_idx %arg7[%iota3A, %add3A_215], %get3A_217 : memref<16x3200xf32, #tpu.memory_space<vmem>>[vector<16xi32>, vector<16xi32>], vector<16xf32>,
    %add3A_218 = arith.constant 16 : i32
    %add3A_219 = arith.addi %mul3A_2, %add3A_218 : i32
    %dma_start3A_220 = arith.constant 0 : i32
    %dma_start3A_221 = tpu.memref_slice %arg3[%add3A_219, %dma_start3A_220] : memref<3072x3200xf32, #tpu.memory_space<hbm>> -> memref<16x3200xf32, #tpu.memory_space<hbm>>
    %dma_start3A_222 = arith.constant 0 : i32
    %dma_start3A_223 = tpu.memref_slice %arg3[%add3A_219, %dma_start3A_222] : memref<3072x3200xf32, #tpu.memory_space<hbm>> -> memref<16x3200xf32, #tpu.memory_space<hbm>>
    tpu.enqueue_dma source(%arg7 : memref<16x3200xf32, #tpu.memory_space<vmem>>) target(%dma_start3A_223 : memref<16x3200xf32, #tpu.memory_space<hbm>>) target_semaphore(%arg9 : memref<!tpu.dma_semaphore, #tpu.memory_space<semaphore_mem>>)
    %dma_wait3A = arith.constant 0 : i32
    %dma_wait3A_224 = tpu.memref_slice %arg3[%add3A_198, %dma_wait3A] : memref<3072x3200xf32, #tpu.memory_space<hbm>> -> memref<16x3200xf32, #tpu.memory_space<hbm>>
    %dma_wait3A_225 = arith.constant 0 : i32
    %dma_wait3A_226 = tpu.memref_slice %arg3[%add3A_198, %dma_wait3A_225] : memref<3072x3200xf32, #tpu.memory_space<hbm>> -> memref<16x3200xf32, #tpu.memory_space<hbm>>
    tpu.wait_dma2 semaphore(%arg8 : memref<!tpu.dma_semaphore, #tpu.memory_space<semaphore_mem>>) src(%arg6 : memref<16x3200xf32, #tpu.memory_space<vmem>>) dst(%dma_wait3A_226 : memref<16x3200xf32, #tpu.memory_space<hbm>>)
    %add3A_227 = arith.constant 0 : i32
    %add3A_228 = arith.addi %mul3A_2, %add3A_227 : i32
    %add3A_229 = arith.constant 1 : i32
    %add3A_230 = arith.addi %add3A_228, %add3A_229 : i32
    %add3A_231 = vector.broadcast %add3A_230 : i32 to vector<16xi32>
    %add3A_232 = arith.addi %iota3A, %add3A_231 : vector<16xi32>
    tpu.vector_store_idx %arg6[%iota3A, %add3A_232], %broadcast_in_dim3A_179 : memref<16x3200xf32, #tpu.memory_space<vmem>>[vector<16xi32>, vector<16xi32>], vector<16xf32>,
    %get3A_233 = arith.constant 32 : index
    %get3A_234 = tpu.vector_load %arg5[%get3A_233] {strides = array<i32>} : memref<128xf32, #tpu.memory_space<vmem>>, vector<16xf32>,
    tpu.vector_store_idx %arg6[%iota3A, %broadcast_in_dim3A_181], %get3A_234 : memref<16x3200xf32, #tpu.memory_space<vmem>>[vector<16xi32>, vector<16xi32>], vector<16xf32>,
    %add3A_235 = arith.constant 32 : i32
    %add3A_236 = arith.addi %mul3A_2, %add3A_235 : i32
    %add3A_237 = arith.constant 1 : i32
    %add3A_238 = arith.addi %add3A_236, %add3A_237 : i32
    %add3A_239 = vector.broadcast %add3A_238 : i32 to vector<16xi32>
    %add3A_240 = arith.addi %iota3A, %add3A_239 : vector<16xi32>
    %get3A_241 = arith.constant 32 : index
    %get3A_242 = tpu.vector_load %arg4[%get3A_241] {strides = array<i32>} : memref<128xf32, #tpu.memory_space<vmem>>, vector<16xf32>,
    tpu.vector_store_idx %arg6[%iota3A, %add3A_240], %get3A_242 : memref<16x3200xf32, #tpu.memory_space<vmem>>[vector<16xi32>, vector<16xi32>], vector<16xf32>,
    %add3A_243 = arith.constant 32 : i32
    %add3A_244 = arith.addi %mul3A_2, %add3A_243 : i32
    %dma_start3A_245 = arith.constant 0 : i32
    %dma_start3A_246 = tpu.memref_slice %arg3[%add3A_244, %dma_start3A_245] : memref<3072x3200xf32, #tpu.memory_space<hbm>> -> memref<16x3200xf32, #tpu.memory_space<hbm>>
    %dma_start3A_247 = arith.constant 0 : i32
    %dma_start3A_248 = tpu.memref_slice %arg3[%add3A_244, %dma_start3A_247] : memref<3072x3200xf32, #tpu.memory_space<hbm>> -> memref<16x3200xf32, #tpu.memory_space<hbm>>
    tpu.enqueue_dma source(%arg6 : memref<16x3200xf32, #tpu.memory_space<vmem>>) target(%dma_start3A_248 : memref<16x3200xf32, #tpu.memory_space<hbm>>) target_semaphore(%arg8 : memref<!tpu.dma_semaphore, #tpu.memory_space<semaphore_mem>>)
    %dma_wait3A_249 = arith.constant 0 : i32
    %dma_wait3A_250 = tpu.memref_slice %arg3[%add3A_219, %dma_wait3A_249] : memref<3072x3200xf32, #tpu.memory_space<hbm>> -> memref<16x3200xf32, #tpu.memory_space<hbm>>
    %dma_wait3A_251 = arith.constant 0 : i32
    %dma_wait3A_252 = tpu.memref_slice %arg3[%add3A_219, %dma_wait3A_251] : memref<3072x3200xf32, #tpu.memory_space<hbm>> -> memref<16x3200xf32, #tpu.memory_space<hbm>>
    tpu.wait_dma2 semaphore(%arg9 : memref<!tpu.dma_semaphore, #tpu.memory_space<semaphore_mem>>) src(%arg7 : memref<16x3200xf32, #tpu.memory_space<vmem>>) dst(%dma_wait3A_252 : memref<16x3200xf32, #tpu.memory_space<hbm>>)
    %add3A_253 = arith.constant 16 : i32
    %add3A_254 = arith.addi %mul3A_2, %add3A_253 : i32
    %add3A_255 = arith.constant 1 : i32
    %add3A_256 = arith.addi %add3A_254, %add3A_255 : i32
    %add3A_257 = vector.broadcast %add3A_256 : i32 to vector<16xi32>
    %add3A_258 = arith.addi %iota3A, %add3A_257 : vector<16xi32>
    tpu.vector_store_idx %arg7[%iota3A, %add3A_258], %broadcast_in_dim3A_179 : memref<16x3200xf32, #tpu.memory_space<vmem>>[vector<16xi32>, vector<16xi32>], vector<16xf32>,
    %get3A_259 = arith.constant 48 : index
    %get3A_260 = tpu.vector_load %arg5[%get3A_259] {strides = array<i32>} : memref<128xf32, #tpu.memory_space<vmem>>, vector<16xf32>,
    tpu.vector_store_idx %arg7[%iota3A, %broadcast_in_dim3A_181], %get3A_260 : memref<16x3200xf32, #tpu.memory_space<vmem>>[vector<16xi32>, vector<16xi32>], vector<16xf32>,
    %add3A_261 = arith.constant 48 : i32
    %add3A_262 = arith.addi %mul3A_2, %add3A_261 : i32
    %add3A_263 = arith.constant 1 : i32
    %add3A_264 = arith.addi %add3A_262, %add3A_263 : i32
    %add3A_265 = vector.broadcast %add3A_264 : i32 to vector<16xi32>
    %add3A_266 = arith.addi %iota3A, %add3A_265 : vector<16xi32>
    %get3A_267 = arith.constant 48 : index
    %get3A_268 = tpu.vector_load %arg4[%get3A_267] {strides = array<i32>} : memref<128xf32, #tpu.memory_space<vmem>>, vector<16xf32>,
    tpu.vector_store_idx %arg7[%iota3A, %add3A_266], %get3A_268 : memref<16x3200xf32, #tpu.memory_space<vmem>>[vector<16xi32>, vector<16xi32>], vector<16xf32>,
    %add3A_269 = arith.constant 48 : i32
    %add3A_270 = arith.addi %mul3A_2, %add3A_269 : i32
    %dma_start3A_271 = arith.constant 0 : i32
    %dma_start3A_272 = tpu.memref_slice %arg3[%add3A_270, %dma_start3A_271] : memref<3072x3200xf32, #tpu.memory_space<hbm>> -> memref<16x3200xf32, #tpu.memory_space<hbm>>
    %dma_start3A_273 = arith.constant 0 : i32
    %dma_start3A_274 = tpu.memref_slice %arg3[%add3A_270, %dma_start3A_273] : memref<3072x3200xf32, #tpu.memory_space<hbm>> -> memref<16x3200xf32, #tpu.memory_space<hbm>>
    tpu.enqueue_dma source(%arg7 : memref<16x3200xf32, #tpu.memory_space<vmem>>) target(%dma_start3A_274 : memref<16x3200xf32, #tpu.memory_space<hbm>>) target_semaphore(%arg9 : memref<!tpu.dma_semaphore, #tpu.memory_space<semaphore_mem>>)
    %dma_wait3A_275 = arith.constant 0 : i32
    %dma_wait3A_276 = tpu.memref_slice %arg3[%add3A_244, %dma_wait3A_275] : memref<3072x3200xf32, #tpu.memory_space<hbm>> -> memref<16x3200xf32, #tpu.memory_space<hbm>>
    %dma_wait3A_277 = arith.constant 0 : i32
    %dma_wait3A_278 = tpu.memref_slice %arg3[%add3A_244, %dma_wait3A_277] : memref<3072x3200xf32, #tpu.memory_space<hbm>> -> memref<16x3200xf32, #tpu.memory_space<hbm>>
    tpu.wait_dma2 semaphore(%arg8 : memref<!tpu.dma_semaphore, #tpu.memory_space<semaphore_mem>>) src(%arg6 : memref<16x3200xf32, #tpu.memory_space<vmem>>) dst(%dma_wait3A_278 : memref<16x3200xf32, #tpu.memory_space<hbm>>)
    %add3A_279 = arith.constant 32 : i32
    %add3A_280 = arith.addi %mul3A_2, %add3A_279 : i32
    %add3A_281 = arith.constant 1 : i32
    %add3A_282 = arith.addi %add3A_280, %add3A_281 : i32
    %add3A_283 = vector.broadcast %add3A_282 : i32 to vector<16xi32>
    %add3A_284 = arith.addi %iota3A, %add3A_283 : vector<16xi32>
    tpu.vector_store_idx %arg6[%iota3A, %add3A_284], %broadcast_in_dim3A_179 : memref<16x3200xf32, #tpu.memory_space<vmem>>[vector<16xi32>, vector<16xi32>], vector<16xf32>,
    %get3A_285 = arith.constant 64 : index
    %get3A_286 = tpu.vector_load %arg5[%get3A_285] {strides = array<i32>} : memref<128xf32, #tpu.memory_space<vmem>>, vector<16xf32>,
    tpu.vector_store_idx %arg6[%iota3A, %broadcast_in_dim3A_181], %get3A_286 : memref<16x3200xf32, #tpu.memory_space<vmem>>[vector<16xi32>, vector<16xi32>], vector<16xf32>,
    %add3A_287 = arith.constant 64 : i32
    %add3A_288 = arith.addi %mul3A_2, %add3A_287 : i32
    %add3A_289 = arith.constant 1 : i32
    %add3A_290 = arith.addi %add3A_288, %add3A_289 : i32
    %add3A_291 = vector.broadcast %add3A_290 : i32 to vector<16xi32>
    %add3A_292 = arith.addi %iota3A, %add3A_291 : vector<16xi32>
    %get3A_293 = arith.constant 64 : index
    %get3A_294 = tpu.vector_load %arg4[%get3A_293] {strides = array<i32>} : memref<128xf32, #tpu.memory_space<vmem>>, vector<16xf32>,
    tpu.vector_store_idx %arg6[%iota3A, %add3A_292], %get3A_294 : memref<16x3200xf32, #tpu.memory_space<vmem>>[vector<16xi32>, vector<16xi32>], vector<16xf32>,
    %add3A_295 = arith.constant 64 : i32
    %add3A_296 = arith.addi %mul3A_2, %add3A_295 : i32
    %dma_start3A_297 = arith.constant 0 : i32
    %dma_start3A_298 = tpu.memref_slice %arg3[%add3A_296, %dma_start3A_297] : memref<3072x3200xf32, #tpu.memory_space<hbm>> -> memref<16x3200xf32, #tpu.memory_space<hbm>>
    %dma_start3A_299 = arith.constant 0 : i32
    %dma_start3A_300 = tpu.memref_slice %arg3[%add3A_296, %dma_start3A_299] : memref<3072x3200xf32, #tpu.memory_space<hbm>> -> memref<16x3200xf32, #tpu.memory_space<hbm>>
    tpu.enqueue_dma source(%arg6 : memref<16x3200xf32, #tpu.memory_space<vmem>>) target(%dma_start3A_300 : memref<16x3200xf32, #tpu.memory_space<hbm>>) target_semaphore(%arg8 : memref<!tpu.dma_semaphore, #tpu.memory_space<semaphore_mem>>)
    %dma_wait3A_301 = arith.constant 0 : i32
    %dma_wait3A_302 = tpu.memref_slice %arg3[%add3A_270, %dma_wait3A_301] : memref<3072x3200xf32, #tpu.memory_space<hbm>> -> memref<16x3200xf32, #tpu.memory_space<hbm>>
    %dma_wait3A_303 = arith.constant 0 : i32
    %dma_wait3A_304 = tpu.memref_slice %arg3[%add3A_270, %dma_wait3A_303] : memref<3072x3200xf32, #tpu.memory_space<hbm>> -> memref<16x3200xf32, #tpu.memory_space<hbm>>
    tpu.wait_dma2 semaphore(%arg9 : memref<!tpu.dma_semaphore, #tpu.memory_space<semaphore_mem>>) src(%arg7 : memref<16x3200xf32, #tpu.memory_space<vmem>>) dst(%dma_wait3A_304 : memref<16x3200xf32, #tpu.memory_space<hbm>>)
    %add3A_305 = arith.constant 48 : i32
    %add3A_306 = arith.addi %mul3A_2, %add3A_305 : i32
    %add3A_307 = arith.constant 1 : i32
    %add3A_308 = arith.addi %add3A_306, %add3A_307 : i32
    %add3A_309 = vector.broadcast %add3A_308 : i32 to vector<16xi32>
    %add3A_310 = arith.addi %iota3A, %add3A_309 : vector<16xi32>
    tpu.vector_store_idx %arg7[%iota3A, %add3A_310], %broadcast_in_dim3A_179 : memref<16x3200xf32, #tpu.memory_space<vmem>>[vector<16xi32>, vector<16xi32>], vector<16xf32>,
    %get3A_311 = arith.constant 80 : index
    %get3A_312 = tpu.vector_load %arg5[%get3A_311] {strides = array<i32>} : memref<128xf32, #tpu.memory_space<vmem>>, vector<16xf32>,
    tpu.vector_store_idx %arg7[%iota3A, %broadcast_in_dim3A_181], %get3A_312 : memref<16x3200xf32, #tpu.memory_space<vmem>>[vector<16xi32>, vector<16xi32>], vector<16xf32>,
    %add3A_313 = arith.constant 80 : i32
    %add3A_314 = arith.addi %mul3A_2, %add3A_313 : i32
    %add3A_315 = arith.constant 1 : i32
    %add3A_316 = arith.addi %add3A_314, %add3A_315 : i32
    %add3A_317 = vector.broadcast %add3A_316 : i32 to vector<16xi32>
    %add3A_318 = arith.addi %iota3A, %add3A_317 : vector<16xi32>
    %get3A_319 = arith.constant 80 : index
    %get3A_320 = tpu.vector_load %arg4[%get3A_319] {strides = array<i32>} : memref<128xf32, #tpu.memory_space<vmem>>, vector<16xf32>,
    tpu.vector_store_idx %arg7[%iota3A, %add3A_318], %get3A_320 : memref<16x3200xf32, #tpu.memory_space<vmem>>[vector<16xi32>, vector<16xi32>], vector<16xf32>,
    %add3A_321 = arith.constant 80 : i32
    %add3A_322 = arith.addi %mul3A_2, %add3A_321 : i32
    %dma_start3A_323 = arith.constant 0 : i32
    %dma_start3A_324 = tpu.memref_slice %arg3[%add3A_322, %dma_start3A_323] : memref<3072x3200xf32, #tpu.memory_space<hbm>> -> memref<16x3200xf32, #tpu.memory_space<hbm>>
    %dma_start3A_325 = arith.constant 0 : i32
    %dma_start3A_326 = tpu.memref_slice %arg3[%add3A_322, %dma_start3A_325] : memref<3072x3200xf32, #tpu.memory_space<hbm>> -> memref<16x3200xf32, #tpu.memory_space<hbm>>
    tpu.enqueue_dma source(%arg7 : memref<16x3200xf32, #tpu.memory_space<vmem>>) target(%dma_start3A_326 : memref<16x3200xf32, #tpu.memory_space<hbm>>) target_semaphore(%arg9 : memref<!tpu.dma_semaphore, #tpu.memory_space<semaphore_mem>>)
    %dma_wait3A_327 = arith.constant 0 : i32
    %dma_wait3A_328 = tpu.memref_slice %arg3[%add3A_296, %dma_wait3A_327] : memref<3072x3200xf32, #tpu.memory_space<hbm>> -> memref<16x3200xf32, #tpu.memory_space<hbm>>
    %dma_wait3A_329 = arith.constant 0 : i32
    %dma_wait3A_330 = tpu.memref_slice %arg3[%add3A_296, %dma_wait3A_329] : memref<3072x3200xf32, #tpu.memory_space<hbm>> -> memref<16x3200xf32, #tpu.memory_space<hbm>>
    tpu.wait_dma2 semaphore(%arg8 : memref<!tpu.dma_semaphore, #tpu.memory_space<semaphore_mem>>) src(%arg6 : memref<16x3200xf32, #tpu.memory_space<vmem>>) dst(%dma_wait3A_330 : memref<16x3200xf32, #tpu.memory_space<hbm>>)
    %dma_wait3A_331 = arith.constant 0 : i32
    %dma_wait3A_332 = tpu.memref_slice %arg3[%add3A_322, %dma_wait3A_331] : memref<3072x3200xf32, #tpu.memory_space<hbm>> -> memref<16x3200xf32, #tpu.memory_space<hbm>>
    %dma_wait3A_333 = arith.constant 0 : i32
    %dma_wait3A_334 = tpu.memref_slice %arg3[%add3A_322, %dma_wait3A_333] : memref<3072x3200xf32, #tpu.memory_space<hbm>> -> memref<16x3200xf32, #tpu.memory_space<hbm>>
    tpu.wait_dma2 semaphore(%arg9 : memref<!tpu.dma_semaphore, #tpu.memory_space<semaphore_mem>>) src(%arg7 : memref<16x3200xf32, #tpu.memory_space<vmem>>) dst(%dma_wait3A_334 : memref<16x3200xf32, #tpu.memory_space<hbm>>)
    return
  }
}

</mosaic_0001>

<sc_bundles>
// kernel: kernel.3.cloned.1.call-start
scs
__scs_entry_jumppad:
0x0: {  	(pc) =	sbr.rel $0x88, $3  }
0x1: {  	(tag) =	ssettag $0x0;
	lr =	simm.s32 $0x1  }
0x2: {  	[smem:$0x3FA0] =	sst lr;
	_ =	strace $0xD0000000  }
0x3: {  	_ = 	snop  }
0x4: {  	_ = 	snop  }
0x5: {  	_ = 	snop  }
0x6: {  	_ = 	snop  }
0x7: {  	_ = 	snop  }
__scs_overlays_trampoline_lowered:
0x8: {  	[smem:$0x3FAF] =	sst s0  }
0x9: {  	[smem:$0x3FB0] =	sst s1  }
0xa: {  	[smem:$0x3FB1] =	sst s2  }
0xb: {  	[smem:$0x3FB2] =	sst s3  }
0xc: {  	[smem:$0x3FB3] =	sst s4  }
0xd: {  	[smem:$0x3FB4] =	sst s5  }
0xe: {  	[smem:$0x3FB5] =	sst s6  }
0xf: {  	[smem:$0x3FB6] =	sst s7  }
0x10: {  	[smem:$0x3FB7] =	sst s8  }
0x11: {  	[smem:$0x3FB8] =	sst s9;
	s0 =	simm.s32 @!p0 $0x0  }
0x12: {  	s1 =	sld [smem:$0x3F9E];
	s0 =	simm.s32 @p0 $0x1  }
0x13: {  	[smem:$0x3FB9] =	sst s0;
	s0 =	simm.s32 @!p1 $0x0  }
0x14: {  	s2 =	sld [smem:$0x3F9D];
	s0 =	simm.s32 @p1 $0x1  }
0x15: {  	[smem:$0x3FBA] =	sst s0;
	s0 =	simm.s32 @!p2 $0x0  }
0x16: {  	s3 =	sld [smem:$0x3FDB];
	s0 =	simm.s32 @p2 $0x1  }
0x17: {  	s4 =	simm.s32 $0x1BF5;
	[smem:$0x3FBC] =	sst s0  }
0x18: {  	s0 =	sld [smem:$0x3F9F];
	_ =	swait.ge [sflag:s4], $0x0  }
0x19: {  	s7 =	sld [smem:$0x3FA0]  }
0x1a: {  	s8 =	sadd.s32 $0xFFFFE003, lr  }
0x1b: {  	s9 =	sadd.s32 $0xFFFFFEF7, lr;
	s5 =	simm.s32 $0xFFFFFFFF;
	p2 =	slt.u32 s8, $0xFFFFF086  }
0x1c: {  	p1 =	slt.u32 s9, $0xF7A;
	s5 =	simm.s32 @!p2 $0x0  }
0x1d: {  	s5 =	simm.s32 @p1 $0x1;
	p0 =	seq.s32 s7, s2  }
0x1e: {  	s7 =	smul.u32 @!p0 $0xF7A, s2;
	p2 =	seq.s32 @!p0 s5, $0x0  }
0x1f: {  	s9 =	smul.u32 $0xF7A, s1;
	s8 =	simm.s32 @!p0 $0x1BF5;
	p2 =	por !p2, p0  }
0x20: {  	[sflag:s8] =	ssyncset.s32 @!p0 $0xFFFFF086;
	s6 =	sadd.s32 @!p0 s3, s7;
	s7 =	simm.s32 @!p0 $0x108  }
0x21: {  	s3 =	sadd.s32 s3, s9;
	s6 =	sadd.s32 @!p0 $0x88, s6;
	s7 =	simm.s32 @p2 $0x1082  }
0x22: {  	[simem:s7], [sflag:s8] =	dma.local @!p0 [hbm:s6], $0xF7A  }
0x23: {  	s9 =	sor.u32 $0xD0000000, s2;
	s6 =	simm.s32 $0x108;
	_ =	swait.ge @!p0 [sflag:s8], $0x0  }
0x24: {  	s3 =	sadd.s32 $0x88, s3;
	s6 =	simm.s32 @!p1 $0x1082;
	[sflag:s4] =	ssyncset.s32 $0xFFFFF086  }
0x25: {  	[simem:s6], [sflag:s4] =	dma.local [hbm:s3], $0xF7A  }
0x26: {  	[smem:$0x3FA0] =	sst s1;
	(tag) =	ssettag s2;
	_ =	strace s9  }
0x27: {  	s1 =	sld [smem:$0x3FB0]  }
0x28: {  	s2 =	sld [smem:$0x3FB1]  }
0x29: {  	s4 =	sld [smem:$0x3FB3]  }
0x2a: {  	p0 =	seq.s32 s5, $0x0;
	s5 =	sld [smem:$0x3FB4]  }
0x2b: {  	s6 =	sld [smem:$0x3FB5]  }
0x2c: {  	s7 =	sld [smem:$0x3FB6]  }
0x2d: {  	s3 =	simm.s32 $0x108;
	s8 =	sld [smem:$0x3FB7]  }
0x2e: {  	s3 =	simm.s32 @!p0 $0x1082;
	s9 =	sld [smem:$0x3FB8]  }
0x2f: {  	lr =	sadd.s32 s0, s3;
	s0 =	sld [smem:$0x3FAF]  }
0x30: {  	s3 =	sld [smem:$0x3FB2]  }
0x31: {  	[smem:$0x3FBB] =	sst s10  }
0x32: {  	s10 =	sld [smem:$0x3FB9];
	_ =	sdelay $0x3  }
0x33: {  	p0 =	seq.s32 s10, $0x1;
	s10 =	sld [smem:$0x3FBB];
	_ =	sdelay $0x3  }
0x34: {  	[smem:$0x3FBB] =	sst s10  }
0x35: {  	s10 =	sld [smem:$0x3FBA];
	_ =	sdelay $0x3  }
0x36: {  	p1 =	seq.s32 s10, $0x1;
	s10 =	sld [smem:$0x3FBB];
	_ =	sdelay $0x3  }
0x37: {  	[smem:$0x3FBB] =	sst s10  }
0x38: {  	s10 =	sld [smem:$0x3FBC]  }
0x39: {  	_ = 	snop;
	(pc) =	sbr.ind lr, $3  }
0x3a: {  	_ = 	snop  }
0x3b: {  	_ = 	snop  }
0x3c: {  	p2 =	seq.s32 s10, $0x1;
	s10 =	sld [smem:$0x3FBB]  }
0x3d: {  	_ =	shalt  }
0x3e: {  	_ =	shalt  }
0x3f: {  	_ =	shalt  }
0x40: {  	_ =	shalt  }
0x41: {  	_ =	shalt  }
0x42: {  	_ =	shalt  }
0x43: {  	_ =	shalt  }
0x44: {  	_ =	shalt  }
0x45: {  	_ =	shalt  }
0x46: {  	_ =	shalt  }
0x47: {  	_ =	shalt  }
0x48: {  	_ =	shalt  }
0x49: {  	_ =	shalt  }
0x4a: {  	_ =	shalt  }
0x4b: {  	_ =	shalt  }
0x4c: {  	_ =	shalt  }
0x4d: {  	_ =	shalt  }
0x4e: {  	_ =	shalt  }
0x4f: {  	_ =	shalt  }
0x50: {  	_ =	shalt  }
0x51: {  	_ =	shalt  }
0x52: {  	_ =	shalt  }
0x53: {  	_ =	shalt  }
0x54: {  	_ =	shalt  }
0x55: {  	_ =	shalt  }
0x56: {  	_ =	shalt  }
0x57: {  	_ =	shalt  }
0x58: {  	_ =	shalt  }
0x59: {  	_ =	shalt  }
0x5a: {  	_ =	shalt  }
0x5b: {  	_ =	shalt  }
0x5c: {  	_ =	shalt  }
0x5d: {  	_ =	shalt  }
0x5e: {  	_ =	shalt  }
0x5f: {  	_ =	shalt  }
0x60: {  	_ =	shalt  }
0x61: {  	_ =	shalt  }
0x62: {  	_ =	shalt  }
0x63: {  	_ =	shalt  }
0x64: {  	_ =	shalt  }
0x65: {  	_ =	shalt  }
0x66: {  	_ =	shalt  }
0x67: {  	_ =	shalt  }
0x68: {  	_ =	shalt  }
0x69: {  	_ =	shalt  }
0x6a: {  	_ =	shalt  }
0x6b: {  	_ =	shalt  }
0x6c: {  	_ =	shalt  }
0x6d: {  	_ =	shalt  }
0x6e: {  	_ =	shalt  }
0x6f: {  	_ =	shalt  }
0x70: {  	_ =	shalt  }
0x71: {  	_ =	shalt  }
0x72: {  	_ =	shalt  }
0x73: {  	_ =	shalt  }
0x74: {  	_ =	shalt  }
0x75: {  	_ =	shalt  }
0x76: {  	_ =	shalt  }
0x77: {  	_ =	shalt  }
0x78: {  	_ =	shalt  }
0x79: {  	_ =	shalt  }
0x7a: {  	_ =	shalt  }
0x7b: {  	_ =	shalt  }
0x7c: {  	_ =	shalt  }
0x7d: {  	_ =	shalt  }
0x7e: {  	_ =	shalt  }
0x7f: {  	_ =	shalt  }
0x80: {  	_ =	shalt  }
0x81: {  	_ =	shalt  }
0x82: {  	_ =	shalt  }
0x83: {  	_ =	shalt  }
0x84: {  	_ =	shalt  }
0x85: {  	_ =	shalt  }
0x86: {  	_ =	shalt  }
0x87: {  	_ =	shalt  }
.Lfunc_end0:
.L_simem_size_0:
called_computation_lowered:
.L_overlay_start_0:
0x88: {  	s2 =	sld [smem:$0x3FD9]  }
0x89: {  	s3 =	sld [smem:$0x3FFE];
	_ =	sdelay $0x1  }
0x8a: {  	s1 =	srdreg.scid  }
0x8b: {  	s0 =	sand.u32 $0x1, s1  }
0x8c: {  	s17 =	sshll.u32 s0, $0xA;
	s2 =	sadd.s32 s3, s2  }
0x8d: {  	s2 =	sadd.s32 s2, s17  }
0x8e: {  	[smem:$0x3FC7] =	sst s2  }
0x8f: {  	_ = 	snop  }
0x90: {  	s2 =	sld [smem:$0x3FD0];
	(tm) =	ssettm $0x1  }
0x91: {  	s18 =	sld [smem:$0x3FFB];
	_ =	sdelay $0x3  }
0x92: {  	_ =	strace s18  }
0x93: {  	s3 =	sld [smem:$0x3FFC];
	_ =	sdelay $0x3  }
0x94: {  	_ =	strace s3  }
0x95: {  	s3 =	sld [smem:$0x3FFD];
	_ =	sdelay $0x3  }
0x96: {  	_ =	strace s3  }
0x97: {  	_ =	strace $0x8FFFFFFF  }
0x98: {  	s19 =	sld [smem:$0x3FDB];
	_ =	sdelay $0x1  }
0x99: {  	s4 =	simm.s32 $_scs_section_size  }
0x9a: {  	s5 =	simm.s32 $_size__tile_overlayer_lowered;
	s6 =	simm.s32 $_tile_overlayer_lowered  }
0x9b: {  	s22 =	simm.s32 $0x1BFF;
	s21 =	sshll.u32 s6, $0x1;
	s3 =	sadd.s32 s4, s19  }
0x9c: {  	s7 =	simm.s32 $0x0;
	s20 =	sshll.u32 s5, $0x1;
	s5 =	sadd.s32 s21, s3  }
0x9d: {  	[timem:s7], [sflag:s22] =	dma.local [hbm:s5], s20  }
0x9e: {  	_ =	swait.ge [sflag:s22], s20  }
0x9f: {  	s4 =	ssub.s32 $0x0, s20;
	[sflag:s22] =	ssyncset.done $0x0  }
0xa0: {  	[sflag:s22] =	ssyncadd.s32 s4;
	_ =	sdelay $0x1  }
0xa1: {  	s23 =	simm.s32 $0x1B8B  }
0xa2: {  	_ =	swait.ge [sflag:s23], $0x1  }
0xa3: {  	[sflag:s23] =	ssyncset.done $0x0  }
0xa4: {  	s25 =	simm.s32 $0x1B8E;
	s24 =	sld [smem:$0x3FFE];
	[sflag:s23] =	ssyncadd.s32 $0xFFFFFFFF  }
0xa5: {  	s26 =	simm.s32 $execute0_lowered;
	[smem:$0x3FD2] =	sst s25  }
0xa6: {  	s5 =	sshll.u32 s26, $0x1;
	_ =	strace $0x80000046;
	[dreg:$0x1] =	wrdreg $0xFFFFFFFF  }
0xa7: {  	s28 =	simm.s32 $_size_execute0_lowered;
	s3 =	sadd.s32 s3, s5;
	[dreg:$0x0] =	wrdreg $0x0  }
0xa8: {  	s5 =	sshll.u32 s28, $0x1;
	[dreg:$0x2] =	wrdreg s3  }
0xa9: {  	[dreg:$0x3] =	wrdreg s5  }
0xaa: {  	[dreg:$0x4] =	wrdreg $0xC0  }
0xab: {  	_ =	task [dreg:s7], $0x5FFFF  }
0xac: {  	[dreg:$0x1] =	wrdreg $0xFFFFFFFF  }
0xad: {  	[dreg:$0x0] =	wrdreg $0x60  }
0xae: {  	[dreg:$0x2] =	wrdreg s24  }
0xaf: {  	[dreg:$0x3] =	wrdreg s2  }
0xb0: {  	[dreg:$0x4] =	wrdreg $0x9  }
0xb1: {  	_ =	task.clear_ibuf [dreg:s7], $0x5FFFF;
	_ =	strace $0x90000046  }
0xb2: {  	s29 =	simm.s32 $0x9;
	_ =	strace $0x80000048  }
0xb3: {  	_ =	swait.ge [sflag:s29], $0x1  }
0xb4: {  	[sflag:s29] =	ssyncadd.s32 $0xFFFFFFFF  }
0xb5: {  	_ =	strace $0x90000048  }
0xb6: {  	_ =	sfence  }
0xb7: {  	s30 =	sld [smem:$0x0];
	_ =	sdelay $0x2  }
0xb8: {  	s31 =	sshll.u32 s1, $0xD;
	s1 =	sshrl.u32 s1, $0x2  }
0xb9: {  	s3 =	sand.u32 $0x4000, s31;
	s1 =	sadd.s32 s1, s30  }
0xba: {  	s0 =	sor.u32 s3, s0;
	s1 =	sshll.u32 s1, $0x11  }
0xbb: {  	s0 =	sor.u32 s1, s0  }
0xbc: {  	s0 =	sadd.s32 $0x8F2B, s0  }
0xbd: {  	[sflag:s0] =	ssyncadd.remote.s32 $0x1  }
0xbe: {  	_ =	sfence.sel $0xFFFF  }
0xbf: {  	[dreg:$0x0] =	wrdreg $0xFFFFFFFF;
	(pc) =	sbr.abs _section_cstart, $3  }
0xc0: {  	[dreg:$0x1] =	wrdreg $0xFFFFFFFF  }
0xc1: {  	_ =	task.clear_ibuf [dreg:s7], $0x2FFFF;
	_ =	strace $0x9FFFFFFF  }
0xc2: {  	(tm) =	ssettm $0x7FFFFFFF  }
0xc3: {  	_ =	shalt  }
tec
execute0_lowered:
.L_overlay_start_1:
0x0: {  	(tag) =	ssettag $0x1  }
0x1: {  	v0 =	vimm.s32 $0x6780;
	vm0 =	vcmask $0x300;
	vm14 =	vcmask $0x704  }
0x2: {  	vm15 =	vcmask $0xB08;
	vm4 =	vcmask $0xF0C;
	s1 =	srdreg.scid;
	s0 =	stileid.u32;
	vm5 =	vcmask $0x1310  }
0x3: {  	vm6 =	vcmask $0x1714;
	vm7 =	vcmask $0x1B18;
	v0 =	vsel vm0, $0x0, v0;
	s3 =	sand.u32 $0x1, s1;
	s25 =	sshll.u32 s0, $0x1  }
0x4: {  	vm8 =	vcmask $0x1F1C;
	vm9 =	vcmask $0x2320;
	v0 =	vsel vm14, $0x80, v0;
	s1 =	sor.u32 s3, s25  }
0x5: {  	v1 =	vlaneseq.u32;
	vm10 =	vcmask $0x2724;
	v0 =	vsel vm15, $0x100, v0;
	s4 =	smul.u32 $0x60, s1  }
0x6: {  	vm11 =	vcmask $0x2B28;
	vm12 =	vcmask $0x2F2C;
	v0 =	vsel vm4, $0x180, v0  }
0x7: {  	vm13 =	vcmask $0x3330;
	vm14 =	vcmask $0x3734;
	v0 =	vsel vm5, $0x200, v0;
	s1 =	sor.u32 $0x1, s4  }
0x8: {  	vm15 =	vcmask $0x3B38;
	s7 =	sadd.s32 $0x21, s4;
	s28 =	sadd.s32 $0x31, s4;
	s30 =	sadd.s32 $0x51, s4;
	v0 =	vsel vm6, $0x280, v0;
	v2 =	vadd.s32 s1, v1  }
0x9: {  	v5 =	vadd.s32 s7, v1;
	v7 =	vadd.s32 s28, v1;
	v8 =	vadd.s32 s30, v1  }
0xa: {  	v0 =	vsel vm7, $0x300, v0;
	v3 =	vand.u32 $0x7F, v2;
	v2 =	vshll.u32 v2, $0x3  }
0xb: {  	s26 =	sor.u32 $0x11, s4;
	v6 =	vshll.u32 v5, $0x3;
	v0 =	vsel vm8, $0x380, v0;
	v2 =	vand.u32 $0xFFFFFC00, v2  }
0xc: {  	v0 =	vsel vm9, $0x6400, v0;
	v2 =	vor.u32 v3, v2;
	v3 =	vadd.s32 s26, v1  }
0xd: {  	s5 =	rddreg [dreg:$0x0];
	v5 =	vand.u32 $0x7F, v5;
	v0 =	vsel vm10, $0x6480, v0;
	v4 =	vshll.u32 v3, $0x3  }
0xe: {  	s6 =	rddreg [dreg:$0x1];
	s2 =	simm.s32 $0x0;
	v3 =	vand.u32 $0x7F, v3;
	v0 =	vsel vm11, $0x6500, v0;
	v4 =	vand.u32 $0xFFFFFC00, v4  }
0xf: {  	s11 =	simm.s32 $0x3;
	s12 =	simm.s32 $0x100;
	s13 =	simm.s32 $0xC900;
	v6 =	vand.u32 $0xFFFFFC00, v6;
	v0 =	vsel vm12, $0x6580, v0;
	v3 =	vor.u32 v3, v4  }
0x10: {  	s14 =	simm.s32 $0x1;
	s15 =	simm.s32 $0x2;
	s9 =	sadd.s32 $0x41, s4;
	v4 =	vor.u32 v5, v6;
	v5 =	vshll.u32 v7, $0x3;
	v6 =	vand.u32 $0x7F, v7  }
0x11: {  	s16 =	simm.s32 $0x0;
	s3 =	ssub.s32 $0x2, s3;
	s8 =	sshrl.u32 s4, $0x3;
	v7 =	vadd.s32 s9, v1;
	v0 =	vsel vm13, $0x6600, v0;
	v5 =	vand.u32 $0xFFFFFC00, v5  }
0x12: {  	[smem:$0x7FF] =	sst s2;
	s10 =	sshrl.u32 s3, $0x1;
	s29 =	smul.u32 $0x6400, s8;
	v0 =	vsel vm14, $0x6680, v0;
	v5 =	vor.u32 v6, v5;
	v6 =	vshll.u32 v7, $0x3  }
0x13: {  	s10 =	ssub.s32 s3, s10;
	s5 =	sadd.s32 s8, s5;
	s8 =	smul.u32 $0xC80, s8;
	v7 =	vand.u32 $0x7F, v7;
	v0 =	vsel vm15, $0x6700, v0;
	v6 =	vand.u32 $0xFFFFFC00, v6  }
0x14: {  	s10 =	smax.u32 s10, $0x1;
	s1 =	rddreg [dreg:$0x2];
	_ =	strace $0x80000047;
	v1 =	vadd.s32 v0, v2;
	v6 =	vor.u32 v7, v6;
	v7 =	vshll.u32 v8, $0x3  }
0x15: {  	s3 =	sadd.s32 $0x400, s5;
	s7 =	sshrl.u32 s29, $0x3;
	s4 =	sadd.s32 s6, s8;
	v2 =	vadd.s32 v0, v3;
	v8 =	vand.u32 $0x7F, v8;
	v7 =	vand.u32 $0xFFFFFC00, v7  }
0x16: {  	s31 =	sadd.s32 s6, s7;
	s6 =	sadd.s32 $0x3200, s4;
	s7 =	sadd.s32 $0x4B00, s4;
	v3 =	vadd.s32 v0, v4;
	v4 =	vadd.s32 v0, v5;
	v7 =	vor.u32 v8, v7  }
0x17: {  	s8 =	sadd.s32 $0x6400, s4;
	s5 =	sadd.s32 $0x1900, s31;
	s9 =	sadd.s32 $0x7D00, s4;
	v5 =	vadd.s32 v0, v6;
	v6 =	vadd.s32 v0, v7;
	v7 =	vimm.f32 $0.0e+00  }
.LBB2_1:
0x18: {  	[tilespmem:s2], [sflag:$0x3] =	stream.linear.gather [hbm4b:s3+s2], $0x60, $0x38;
	[tilespmem:$0x19100] =	vst v63  }
0x19: {  	_ =	swait.ge [sflag:s11], $0x60  }
0x1a: {  	[sflag:s11] =	ssyncset.done $0x0  }
0x1b: {  	[sflag:s11] =	ssyncadd.s32 $0xFFFFFFA0  }
0x1c: {  	v8 =	vld [tilespmem:$0x0]  }
0x1d: {  	v9 =	vld [tilespmem:$0x10]  }
0x1e: {  	v12 =	vld [tilespmem:$0x20]  }
0x1f: {  	v14 =	vld [tilespmem:$0x30]  }
0x20: {  	v17 =	vld [tilespmem:$0x40]  }
0x21: {  	v19 =	vld [tilespmem:$0x50];
	v10 =	vsub.f32 $1.000000010e-01, v8  }
0x22: {  	v11 =	vadd.f32 $-8.999999760e-01, v8;
	v13 =	vsub.f32 $1.000000010e-01, v9  }
0x23: {  	v15 =	vadd.f32 $-8.999999760e-01, v9;
	v16 =	vsub.f32 $1.000000010e-01, v12  }
0x24: {  	v43 =	vadd.f32 $-8.999999760e-01, v12;
	v18 =	vsub.f32 $1.000000010e-01, v14  }
0x25: {  	v20 =	vadd.f32 $-8.999999760e-01, v14;
	v47 =	vsub.f32 $1.000000010e-01, v17  }
0x26: {  	v50 =	vadd.f32 $-8.999999760e-01, v17;
	v51 =	vsub.f32 $1.000000010e-01, v19  }
0x27: {  	v56 =	vadd.f32 $-8.999999760e-01, v19;
	v10 =	vmax.f32 v10, $0.0e+00;
	v11 =	vmax.f32 v11, $0.0e+00  }
0x28: {  	v13 =	vmax.f32 v13, $0.0e+00;
	v42 =	vmax.f32 v15, $0.0e+00;
	v16 =	vmax.f32 v16, $0.0e+00  }
0x29: {  	v15 =	vmax.f32 v43, $0.0e+00;
	v18 =	vmax.f32 v18, $0.0e+00;
	v10 =	vmul.f32 $5.000000000e-01, v10  }
0x2a: {  	v46 =	vmax.f32 v20, $0.0e+00;
	v49 =	vmax.f32 v47, $0.0e+00;
	v13 =	vmul.f32 $5.000000000e-01, v13  }
0x2b: {  	v11 =	vmul.f32 $5.000000000e-01, v11;
	v16 =	vmul.f32 $5.000000000e-01, v16;
	v8 =	vadd.f32 v10, v8  }
0x2c: {  	v45 =	vmul.f32 $5.000000000e-01, v18;
	v10 =	vsub.f32 $1.000000010e-01, v10;
	v9 =	vadd.f32 v13, v9  }
0x2d: {  	v15 =	vmul.f32 $5.000000000e-01, v15;
	v12 =	vadd.f32 v16, v12;
	v8 =	vsub.f32 v8, v11  }
0x2e: {  	v48 =	vmul.f32 $5.000000000e-01, v46;
	v14 =	vadd.f32 v45, v14;
	v10 =	vsub.f32 v10, v11  }
0x2f: {  	v13 =	vsub.f32 $1.000000010e-01, v13;
	v11 =	vmul.f32 $5.000000000e-01, v42;
	v12 =	vsub.f32 v12, v15;
	[tilespmem:$0x80] =	vst v8  }
0x30: {  	v54 =	vmax.f32 v50, $0.0e+00;
	v44 =	vsub.f32 $1.000000010e-01, v16;
	v52 =	vsub.f32 v14, v48;
	[tilespmem:$0x0] =	vst v10  }
0x31: {  	v9 =	vsub.f32 v9, v11;
	v11 =	vsub.f32 v13, v11;
	v10 =	vmul.f32 $5.000000000e-01, v49;
	[tilespmem:$0xA0] =	vst v12  }
0x32: {  	v55 =	vmax.f32 v51, $0.0e+00;
	v53 =	vsub.f32 $1.000000010e-01, v45;
	v8 =	vsub.f32 v44, v15;
	[tilespmem:$0xB0] =	vst v52  }
0x33: {  	v15 =	vmul.f32 $5.000000000e-01, v55;
	[tilespmem:$0x10] =	vst v11;
	v11 =	vmul.f32 $5.000000000e-01, v54;
	v57 =	vadd.f32 v10, v17  }
0x34: {  	v58 =	vmax.f32 v56, $0.0e+00;
	[tilespmem:$0x20] =	vst v8;
	v8 =	vsub.f32 v53, v48;
	v10 =	vsub.f32 $1.000000010e-01, v10  }
0x35: {  	v60 =	vmul.f32 $5.000000000e-01, v58;
	[tilespmem:$0x90] =	vst v9;
	v61 =	vadd.f32 v15, v19;
	v59 =	vsub.f32 v57, v11  }
0x36: {  	s17 =	simm.s32 $0x0;
	v62 =	vsub.f32 $1.000000010e-01, v15;
	[tilespmem:$0x30] =	vst v8;
	v8 =	vsub.f32 v10, v11  }
0x37: {  	s17 =	smul.u32 $0x19000, s17;
	v63 =	vsub.f32 v61, v60;
	[tilespmem:$0xC0] =	vst v59  }
0x38: {  	[tilespmem:$0x40] =	vst v8;
	v8 =	vsub.f32 v62, v60  }
0x39: {  	s18 =	sand.u32 $0x380, s2;
	s17 =	sshra.s32 s17, $0x2;
	[tilespmem:$0xD0] =	vst v63  }
0x3a: {  	s17 =	sor.u32 s18, s17;
	[tilespmem:$0x50] =	vst v8  }
0x3b: {  	[tilespmem:s17+$0x6170] =	vst v7  }
0x3c: {  	[tilespmem:s17+$0x100] =	vst v7  }
0x3d: {  	[tilespmem:s17+$0x110] =	vst v7  }
0x3e: {  	[tilespmem:s17+$0x120] =	vst v7  }
0x3f: {  	[tilespmem:s17+$0x130] =	vst v7  }
0x40: {  	[tilespmem:s17+$0x140] =	vst v7  }
0x41: {  	[tilespmem:s17+$0x150] =	vst v7  }
0x42: {  	[tilespmem:s17+$0x160] =	vst v7  }
0x43: {  	[tilespmem:s17+$0x170] =	vst v7  }
0x44: {  	[tilespmem:s17+$0x500] =	vst v7  }
0x45: {  	[tilespmem:s17+$0x510] =	vst v7  }
0x46: {  	[tilespmem:s17+$0x520] =	vst v7  }
0x47: {  	[tilespmem:s17+$0x530] =	vst v7  }
0x48: {  	[tilespmem:s17+$0x540] =	vst v7  }
0x49: {  	[tilespmem:s17+$0x550] =	vst v7  }
0x4a: {  	[tilespmem:s17+$0x560] =	vst v7  }
0x4b: {  	[tilespmem:s17+$0x570] =	vst v7  }
0x4c: {  	[tilespmem:s17+$0x900] =	vst v7  }
0x4d: {  	[tilespmem:s17+$0x910] =	vst v7  }
0x4e: {  	[tilespmem:s17+$0x920] =	vst v7  }
0x4f: {  	[tilespmem:s17+$0x930] =	vst v7  }
0x50: {  	[tilespmem:s17+$0x940] =	vst v7  }
0x51: {  	[tilespmem:s17+$0x950] =	vst v7  }
0x52: {  	[tilespmem:s17+$0x960] =	vst v7  }
0x53: {  	[tilespmem:s17+$0x970] =	vst v7  }
0x54: {  	[tilespmem:s17+$0xD00] =	vst v7  }
0x55: {  	[tilespmem:s17+$0xD10] =	vst v7  }
0x56: {  	[tilespmem:s17+$0xD20] =	vst v7  }
0x57: {  	[tilespmem:s17+$0xD30] =	vst v7  }
0x58: {  	[tilespmem:s17+$0xD40] =	vst v7  }
0x59: {  	[tilespmem:s17+$0xD50] =	vst v7  }
0x5a: {  	[tilespmem:s17+$0xD60] =	vst v7  }
0x5b: {  	[tilespmem:s17+$0xD70] =	vst v7  }
0x5c: {  	[tilespmem:s17+$0x1100] =	vst v7  }
0x5d: {  	[tilespmem:s17+$0x1110] =	vst v7  }
0x5e: {  	[tilespmem:s17+$0x1120] =	vst v7  }
0x5f: {  	[tilespmem:s17+$0x1130] =	vst v7  }
0x60: {  	[tilespmem:s17+$0x1140] =	vst v7  }
0x61: {  	[tilespmem:s17+$0x1150] =	vst v7  }
0x62: {  	[tilespmem:s17+$0x1160] =	vst v7  }
0x63: {  	[tilespmem:s17+$0x1170] =	vst v7  }
0x64: {  	[tilespmem:s17+$0x1500] =	vst v7  }
0x65: {  	[tilespmem:s17+$0x1510] =	vst v7  }
0x66: {  	[tilespmem:s17+$0x1520] =	vst v7  }
0x67: {  	[tilespmem:s17+$0x1530] =	vst v7  }
0x68: {  	[tilespmem:s17+$0x1540] =	vst v7  }
0x69: {  	[tilespmem:s17+$0x1550] =	vst v7  }
0x6a: {  	[tilespmem:s17+$0x1560] =	vst v7  }
0x6b: {  	[tilespmem:s17+$0x1570] =	vst v7  }
0x6c: {  	[tilespmem:s17+$0x1900] =	vst v7  }
0x6d: {  	[tilespmem:s17+$0x1910] =	vst v7  }
0x6e: {  	[tilespmem:s17+$0x1920] =	vst v7  }
0x6f: {  	[tilespmem:s17+$0x1930] =	vst v7  }
0x70: {  	[tilespmem:s17+$0x1940] =	vst v7  }
0x71: {  	[tilespmem:s17+$0x1950] =	vst v7  }
0x72: {  	[tilespmem:s17+$0x1960] =	vst v7  }
0x73: {  	[tilespmem:s17+$0x1970] =	vst v7  }
0x74: {  	[tilespmem:s17+$0x1D00] =	vst v7  }
0x75: {  	[tilespmem:s17+$0x1D10] =	vst v7  }
0x76: {  	[tilespmem:s17+$0x1D20] =	vst v7  }
0x77: {  	[tilespmem:s17+$0x1D30] =	vst v7  }
0x78: {  	[tilespmem:s17+$0x1D40] =	vst v7  }
0x79: {  	[tilespmem:s17+$0x1D50] =	vst v7  }
0x7a: {  	[tilespmem:s17+$0x1D60] =	vst v7  }
0x7b: {  	[tilespmem:s17+$0x1D70] =	vst v7  }
0x7c: {  	[tilespmem:s17+$0x2100] =	vst v7  }
0x7d: {  	[tilespmem:s17+$0x2110] =	vst v7  }
0x7e: {  	[tilespmem:s17+$0x2120] =	vst v7  }
0x7f: {  	[tilespmem:s17+$0x2130] =	vst v7  }
0x80: {  	[tilespmem:s17+$0x2140] =	vst v7  }
0x81: {  	[tilespmem:s17+$0x2150] =	vst v7  }
0x82: {  	[tilespmem:s17+$0x2160] =	vst v7  }
0x83: {  	[tilespmem:s17+$0x2170] =	vst v7  }
0x84: {  	[tilespmem:s17+$0x2500] =	vst v7  }
0x85: {  	[tilespmem:s17+$0x2510] =	vst v7  }
0x86: {  	[tilespmem:s17+$0x2520] =	vst v7  }
0x87: {  	[tilespmem:s17+$0x2530] =	vst v7  }
0x88: {  	[tilespmem:s17+$0x2540] =	vst v7  }
0x89: {  	[tilespmem:s17+$0x2550] =	vst v7  }
0x8a: {  	[tilespmem:s17+$0x2560] =	vst v7  }
0x8b: {  	[tilespmem:s17+$0x2570] =	vst v7  }
0x8c: {  	[tilespmem:s17+$0x2900] =	vst v7  }
0x8d: {  	[tilespmem:s17+$0x2910] =	vst v7  }
0x8e: {  	[tilespmem:s17+$0x2920] =	vst v7  }
0x8f: {  	[tilespmem:s17+$0x2930] =	vst v7  }
0x90: {  	[tilespmem:s17+$0x2940] =	vst v7  }
0x91: {  	[tilespmem:s17+$0x2950] =	vst v7  }
0x92: {  	[tilespmem:s17+$0x2960] =	vst v7  }
0x93: {  	[tilespmem:s17+$0x2970] =	vst v7  }
0x94: {  	[tilespmem:s17+$0x2D00] =	vst v7  }
0x95: {  	[tilespmem:s17+$0x2D10] =	vst v7  }
0x96: {  	[tilespmem:s17+$0x2D20] =	vst v7  }
0x97: {  	[tilespmem:s17+$0x2D30] =	vst v7  }
0x98: {  	[tilespmem:s17+$0x2D40] =	vst v7  }
0x99: {  	[tilespmem:s17+$0x2D50] =	vst v7  }
0x9a: {  	[tilespmem:s17+$0x2D60] =	vst v7  }
0x9b: {  	[tilespmem:s17+$0x2D70] =	vst v7  }
0x9c: {  	[tilespmem:s17+$0x3100] =	vst v7  }
0x9d: {  	[tilespmem:s17+$0x3110] =	vst v7  }
0x9e: {  	[tilespmem:s17+$0x3120] =	vst v7  }
0x9f: {  	[tilespmem:s17+$0x3130] =	vst v7  }
0xa0: {  	[tilespmem:s17+$0x3140] =	vst v7  }
0xa1: {  	[tilespmem:s17+$0x3150] =	vst v7  }
0xa2: {  	[tilespmem:s17+$0x3160] =	vst v7  }
0xa3: {  	[tilespmem:s17+$0x3170] =	vst v7  }
0xa4: {  	[tilespmem:s17+$0x3500] =	vst v7  }
0xa5: {  	[tilespmem:s17+$0x3510] =	vst v7  }
0xa6: {  	[tilespmem:s17+$0x3520] =	vst v7  }
0xa7: {  	[tilespmem:s17+$0x3530] =	vst v7  }
0xa8: {  	[tilespmem:s17+$0x3540] =	vst v7  }
0xa9: {  	[tilespmem:s17+$0x3550] =	vst v7  }
0xaa: {  	[tilespmem:s17+$0x3560] =	vst v7  }
0xab: {  	[tilespmem:s17+$0x3570] =	vst v7  }
0xac: {  	[tilespmem:s17+$0x3900] =	vst v7  }
0xad: {  	[tilespmem:s17+$0x3910] =	vst v7  }
0xae: {  	[tilespmem:s17+$0x3920] =	vst v7  }
0xaf: {  	[tilespmem:s17+$0x3930] =	vst v7  }
0xb0: {  	[tilespmem:s17+$0x3940] =	vst v7  }
0xb1: {  	[tilespmem:s17+$0x3950] =	vst v7  }
0xb2: {  	[tilespmem:s17+$0x3960] =	vst v7  }
0xb3: {  	[tilespmem:s17+$0x3970] =	vst v7  }
0xb4: {  	[tilespmem:s17+$0x3D00] =	vst v7  }
0xb5: {  	[tilespmem:s17+$0x3D10] =	vst v7  }
0xb6: {  	[tilespmem:s17+$0x3D20] =	vst v7  }
0xb7: {  	[tilespmem:s17+$0x3D30] =	vst v7  }
0xb8: {  	[tilespmem:s17+$0x3D40] =	vst v7  }
0xb9: {  	[tilespmem:s17+$0x3D50] =	vst v7  }
0xba: {  	[tilespmem:s17+$0x3D60] =	vst v7  }
0xbb: {  	[tilespmem:s17+$0x3D70] =	vst v7  }
0xbc: {  	[tilespmem:s17+$0x4100] =	vst v7  }
0xbd: {  	[tilespmem:s17+$0x4110] =	vst v7  }
0xbe: {  	[tilespmem:s17+$0x4120] =	vst v7  }
0xbf: {  	[tilespmem:s17+$0x4130] =	vst v7  }
0xc0: {  	[tilespmem:s17+$0x4140] =	vst v7  }
0xc1: {  	[tilespmem:s17+$0x4150] =	vst v7  }
0xc2: {  	[tilespmem:s17+$0x4160] =	vst v7  }
0xc3: {  	[tilespmem:s17+$0x4170] =	vst v7  }
0xc4: {  	[tilespmem:s17+$0x4500] =	vst v7  }
0xc5: {  	[tilespmem:s17+$0x4510] =	vst v7  }
0xc6: {  	[tilespmem:s17+$0x4520] =	vst v7  }
0xc7: {  	[tilespmem:s17+$0x4530] =	vst v7  }
0xc8: {  	[tilespmem:s17+$0x4540] =	vst v7  }
0xc9: {  	[tilespmem:s17+$0x4550] =	vst v7  }
0xca: {  	[tilespmem:s17+$0x4560] =	vst v7  }
0xcb: {  	[tilespmem:s17+$0x4570] =	vst v7  }
0xcc: {  	[tilespmem:s17+$0x4900] =	vst v7  }
0xcd: {  	[tilespmem:s17+$0x4910] =	vst v7  }
0xce: {  	[tilespmem:s17+$0x4920] =	vst v7  }
0xcf: {  	[tilespmem:s17+$0x4930] =	vst v7  }
0xd0: {  	[tilespmem:s17+$0x4940] =	vst v7  }
0xd1: {  	[tilespmem:s17+$0x4950] =	vst v7  }
0xd2: {  	[tilespmem:s17+$0x4960] =	vst v7  }
0xd3: {  	[tilespmem:s17+$0x4970] =	vst v7  }
0xd4: {  	[tilespmem:s17+$0x4D00] =	vst v7  }
0xd5: {  	[tilespmem:s17+$0x4D10] =	vst v7  }
0xd6: {  	[tilespmem:s17+$0x4D20] =	vst v7  }
0xd7: {  	[tilespmem:s17+$0x4D30] =	vst v7  }
0xd8: {  	[tilespmem:s17+$0x4D40] =	vst v7  }
0xd9: {  	[tilespmem:s17+$0x4D50] =	vst v7  }
0xda: {  	[tilespmem:s17+$0x4D60] =	vst v7  }
0xdb: {  	[tilespmem:s17+$0x4D70] =	vst v7  }
0xdc: {  	[tilespmem:s17+$0x5100] =	vst v7  }
0xdd: {  	[tilespmem:s17+$0x5110] =	vst v7  }
0xde: {  	[tilespmem:s17+$0x5120] =	vst v7  }
0xdf: {  	[tilespmem:s17+$0x5130] =	vst v7  }
0xe0: {  	[tilespmem:s17+$0x5140] =	vst v7  }
0xe1: {  	[tilespmem:s17+$0x5150] =	vst v7  }
0xe2: {  	[tilespmem:s17+$0x5160] =	vst v7  }
0xe3: {  	[tilespmem:s17+$0x5170] =	vst v7  }
0xe4: {  	[tilespmem:s17+$0x5500] =	vst v7  }
0xe5: {  	[tilespmem:s17+$0x5510] =	vst v7  }
0xe6: {  	[tilespmem:s17+$0x5520] =	vst v7  }
0xe7: {  	[tilespmem:s17+$0x5530] =	vst v7  }
0xe8: {  	[tilespmem:s17+$0x5540] =	vst v7  }
0xe9: {  	[tilespmem:s17+$0x5550] =	vst v7  }
0xea: {  	[tilespmem:s17+$0x5560] =	vst v7  }
0xeb: {  	[tilespmem:s17+$0x5570] =	vst v7  }
0xec: {  	[tilespmem:s17+$0x5900] =	vst v7  }
0xed: {  	[tilespmem:s17+$0x5910] =	vst v7  }
0xee: {  	[tilespmem:s17+$0x5920] =	vst v7  }
0xef: {  	[tilespmem:s17+$0x5930] =	vst v7  }
0xf0: {  	[tilespmem:s17+$0x5940] =	vst v7  }
0xf1: {  	[tilespmem:s17+$0x5950] =	vst v7  }
0xf2: {  	[tilespmem:s17+$0x5960] =	vst v7  }
0xf3: {  	[tilespmem:s17+$0x5970] =	vst v7  }
0xf4: {  	[tilespmem:s17+$0x5D00] =	vst v7  }
0xf5: {  	[tilespmem:s17+$0x5D10] =	vst v7  }
0xf6: {  	[tilespmem:s17+$0x5D20] =	vst v7  }
0xf7: {  	[tilespmem:s17+$0x5D30] =	vst v7  }
0xf8: {  	[tilespmem:s17+$0x5D40] =	vst v7  }
0xf9: {  	[tilespmem:s17+$0x5D50] =	vst v7  }
0xfa: {  	[tilespmem:s17+$0x5D60] =	vst v7  }
0xfb: {  	[tilespmem:s17+$0x5D70] =	vst v7  }
0xfc: {  	[tilespmem:s17+$0x6100] =	vst v7  }
0xfd: {  	[tilespmem:s17+$0x6110] =	vst v7  }
0xfe: {  	s20 =	simm.s32 $0x0;
	s19 =	simm.s32 $0x2;
	s18 =	simm.s32 $0x0;
	[tilespmem:s17+$0x6120] =	vst v7  }
.LBB2_2:
0xff: {  	p0 =	sne.s32 s19, $0xF;
	s20 =	smul.u32 $0x19000, s20;
	[tilespmem:s17+$0x6130] =	vst v7  }
0x100: {  	s18 =	sadd.s32 $0x80, s18;
	[tilespmem:s17+$0x6140] =	vst v7  }
0x101: {  	s21 =	sand.u32 $0x380, s18;
	s20 =	sshra.s32 s20, $0x2;
	[tilespmem:s17+$0x6150] =	vst v7  }
0x102: {  	[tilespmem:s17+$0x6160] =	vst v7;
	s17 =	sor.u32 s21, s20  }
0x103: {  	[tilespmem:s17+$0x6170] =	vst v7  }
0x104: {  	[tilespmem:s17+$0x100] =	vst v7  }
0x105: {  	[tilespmem:s17+$0x110] =	vst v7  }
0x106: {  	[tilespmem:s17+$0x120] =	vst v7  }
0x107: {  	[tilespmem:s17+$0x130] =	vst v7  }
0x108: {  	[tilespmem:s17+$0x140] =	vst v7  }
0x109: {  	[tilespmem:s17+$0x150] =	vst v7  }
0x10a: {  	[tilespmem:s17+$0x160] =	vst v7  }
0x10b: {  	[tilespmem:s17+$0x170] =	vst v7  }
0x10c: {  	[tilespmem:s17+$0x500] =	vst v7  }
0x10d: {  	[tilespmem:s17+$0x510] =	vst v7  }
0x10e: {  	[tilespmem:s17+$0x520] =	vst v7  }
0x10f: {  	[tilespmem:s17+$0x530] =	vst v7  }
0x110: {  	[tilespmem:s17+$0x540] =	vst v7  }
0x111: {  	[tilespmem:s17+$0x550] =	vst v7  }
0x112: {  	[tilespmem:s17+$0x560] =	vst v7  }
0x113: {  	[tilespmem:s17+$0x570] =	vst v7  }
0x114: {  	[tilespmem:s17+$0x900] =	vst v7  }
0x115: {  	[tilespmem:s17+$0x910] =	vst v7  }
0x116: {  	[tilespmem:s17+$0x920] =	vst v7  }
0x117: {  	[tilespmem:s17+$0x930] =	vst v7  }
0x118: {  	[tilespmem:s17+$0x940] =	vst v7  }
0x119: {  	[tilespmem:s17+$0x950] =	vst v7  }
0x11a: {  	[tilespmem:s17+$0x960] =	vst v7  }
0x11b: {  	[tilespmem:s17+$0x970] =	vst v7  }
0x11c: {  	[tilespmem:s17+$0xD00] =	vst v7  }
0x11d: {  	[tilespmem:s17+$0xD10] =	vst v7  }
0x11e: {  	[tilespmem:s17+$0xD20] =	vst v7  }
0x11f: {  	[tilespmem:s17+$0xD30] =	vst v7  }
0x120: {  	[tilespmem:s17+$0xD40] =	vst v7  }
0x121: {  	[tilespmem:s17+$0xD50] =	vst v7  }
0x122: {  	[tilespmem:s17+$0xD60] =	vst v7  }
0x123: {  	[tilespmem:s17+$0xD70] =	vst v7  }
0x124: {  	[tilespmem:s17+$0x1100] =	vst v7  }
0x125: {  	[tilespmem:s17+$0x1110] =	vst v7  }
0x126: {  	[tilespmem:s17+$0x1120] =	vst v7  }
0x127: {  	[tilespmem:s17+$0x1130] =	vst v7  }
0x128: {  	[tilespmem:s17+$0x1140] =	vst v7  }
0x129: {  	[tilespmem:s17+$0x1150] =	vst v7  }
0x12a: {  	[tilespmem:s17+$0x1160] =	vst v7  }
0x12b: {  	[tilespmem:s17+$0x1170] =	vst v7  }
0x12c: {  	[tilespmem:s17+$0x1500] =	vst v7  }
0x12d: {  	[tilespmem:s17+$0x1510] =	vst v7  }
0x12e: {  	[tilespmem:s17+$0x1520] =	vst v7  }
0x12f: {  	[tilespmem:s17+$0x1530] =	vst v7  }
0x130: {  	[tilespmem:s17+$0x1540] =	vst v7  }
0x131: {  	[tilespmem:s17+$0x1550] =	vst v7  }
0x132: {  	[tilespmem:s17+$0x1560] =	vst v7  }
0x133: {  	[tilespmem:s17+$0x1570] =	vst v7  }
0x134: {  	[tilespmem:s17+$0x1900] =	vst v7  }
0x135: {  	[tilespmem:s17+$0x1910] =	vst v7  }
0x136: {  	[tilespmem:s17+$0x1920] =	vst v7  }
0x137: {  	[tilespmem:s17+$0x1930] =	vst v7  }
0x138: {  	[tilespmem:s17+$0x1940] =	vst v7  }
0x139: {  	[tilespmem:s17+$0x1950] =	vst v7  }
0x13a: {  	[tilespmem:s17+$0x1960] =	vst v7  }
0x13b: {  	[tilespmem:s17+$0x1970] =	vst v7  }
0x13c: {  	[tilespmem:s17+$0x1D00] =	vst v7  }
0x13d: {  	[tilespmem:s17+$0x1D10] =	vst v7  }
0x13e: {  	[tilespmem:s17+$0x1D20] =	vst v7  }
0x13f: {  	[tilespmem:s17+$0x1D30] =	vst v7  }
0x140: {  	[tilespmem:s17+$0x1D40] =	vst v7  }
0x141: {  	[tilespmem:s17+$0x1D50] =	vst v7  }
0x142: {  	[tilespmem:s17+$0x1D60] =	vst v7  }
0x143: {  	[tilespmem:s17+$0x1D70] =	vst v7  }
0x144: {  	[tilespmem:s17+$0x2100] =	vst v7  }
0x145: {  	[tilespmem:s17+$0x2110] =	vst v7  }
0x146: {  	[tilespmem:s17+$0x2120] =	vst v7  }
0x147: {  	[tilespmem:s17+$0x2130] =	vst v7  }
0x148: {  	[tilespmem:s17+$0x2140] =	vst v7  }
0x149: {  	[tilespmem:s17+$0x2150] =	vst v7  }
0x14a: {  	[tilespmem:s17+$0x2160] =	vst v7  }
0x14b: {  	[tilespmem:s17+$0x2170] =	vst v7  }
0x14c: {  	[tilespmem:s17+$0x2500] =	vst v7  }
0x14d: {  	[tilespmem:s17+$0x2510] =	vst v7  }
0x14e: {  	[tilespmem:s17+$0x2520] =	vst v7  }
0x14f: {  	[tilespmem:s17+$0x2530] =	vst v7  }
0x150: {  	[tilespmem:s17+$0x2540] =	vst v7  }
0x151: {  	[tilespmem:s17+$0x2550] =	vst v7  }
0x152: {  	[tilespmem:s17+$0x2560] =	vst v7  }
0x153: {  	[tilespmem:s17+$0x2570] =	vst v7  }
0x154: {  	[tilespmem:s17+$0x2900] =	vst v7  }
0x155: {  	[tilespmem:s17+$0x2910] =	vst v7  }
0x156: {  	[tilespmem:s17+$0x2920] =	vst v7  }
0x157: {  	[tilespmem:s17+$0x2930] =	vst v7  }
0x158: {  	[tilespmem:s17+$0x2940] =	vst v7  }
0x159: {  	[tilespmem:s17+$0x2950] =	vst v7  }
0x15a: {  	[tilespmem:s17+$0x2960] =	vst v7  }
0x15b: {  	[tilespmem:s17+$0x2970] =	vst v7  }
0x15c: {  	[tilespmem:s17+$0x2D00] =	vst v7  }
0x15d: {  	[tilespmem:s17+$0x2D10] =	vst v7  }
0x15e: {  	[tilespmem:s17+$0x2D20] =	vst v7  }
0x15f: {  	[tilespmem:s17+$0x2D30] =	vst v7  }
0x160: {  	[tilespmem:s17+$0x2D40] =	vst v7  }
0x161: {  	[tilespmem:s17+$0x2D50] =	vst v7  }
0x162: {  	[tilespmem:s17+$0x2D60] =	vst v7  }
0x163: {  	[tilespmem:s17+$0x2D70] =	vst v7  }
0x164: {  	[tilespmem:s17+$0x3100] =	vst v7  }
0x165: {  	[tilespmem:s17+$0x3110] =	vst v7  }
0x166: {  	[tilespmem:s17+$0x3120] =	vst v7  }
0x167: {  	[tilespmem:s17+$0x3130] =	vst v7  }
0x168: {  	[tilespmem:s17+$0x3140] =	vst v7  }
0x169: {  	[tilespmem:s17+$0x3150] =	vst v7  }
0x16a: {  	[tilespmem:s17+$0x3160] =	vst v7  }
0x16b: {  	[tilespmem:s17+$0x3170] =	vst v7  }
0x16c: {  	[tilespmem:s17+$0x3500] =	vst v7  }
0x16d: {  	[tilespmem:s17+$0x3510] =	vst v7  }
0x16e: {  	[tilespmem:s17+$0x3520] =	vst v7  }
0x16f: {  	[tilespmem:s17+$0x3530] =	vst v7  }
0x170: {  	[tilespmem:s17+$0x3540] =	vst v7  }
0x171: {  	[tilespmem:s17+$0x3550] =	vst v7  }
0x172: {  	[tilespmem:s17+$0x3560] =	vst v7  }
0x173: {  	[tilespmem:s17+$0x3570] =	vst v7  }
0x174: {  	[tilespmem:s17+$0x3900] =	vst v7  }
0x175: {  	[tilespmem:s17+$0x3910] =	vst v7  }
0x176: {  	[tilespmem:s17+$0x3920] =	vst v7  }
0x177: {  	[tilespmem:s17+$0x3930] =	vst v7  }
0x178: {  	[tilespmem:s17+$0x3940] =	vst v7  }
0x179: {  	[tilespmem:s17+$0x3950] =	vst v7  }
0x17a: {  	[tilespmem:s17+$0x3960] =	vst v7  }
0x17b: {  	[tilespmem:s17+$0x3970] =	vst v7  }
0x17c: {  	[tilespmem:s17+$0x3D00] =	vst v7  }
0x17d: {  	[tilespmem:s17+$0x3D10] =	vst v7  }
0x17e: {  	[tilespmem:s17+$0x3D20] =	vst v7  }
0x17f: {  	[tilespmem:s17+$0x3D30] =	vst v7  }
0x180: {  	[tilespmem:s17+$0x3D40] =	vst v7  }
0x181: {  	[tilespmem:s17+$0x3D50] =	vst v7  }
0x182: {  	[tilespmem:s17+$0x3D60] =	vst v7  }
0x183: {  	[tilespmem:s17+$0x3D70] =	vst v7  }
0x184: {  	[tilespmem:s17+$0x4100] =	vst v7  }
0x185: {  	[tilespmem:s17+$0x4110] =	vst v7  }
0x186: {  	[tilespmem:s17+$0x4120] =	vst v7  }
0x187: {  	[tilespmem:s17+$0x4130] =	vst v7  }
0x188: {  	[tilespmem:s17+$0x4140] =	vst v7  }
0x189: {  	[tilespmem:s17+$0x4150] =	vst v7  }
0x18a: {  	[tilespmem:s17+$0x4160] =	vst v7  }
0x18b: {  	[tilespmem:s17+$0x4170] =	vst v7  }
0x18c: {  	[tilespmem:s17+$0x4500] =	vst v7  }
0x18d: {  	[tilespmem:s17+$0x4510] =	vst v7  }
0x18e: {  	[tilespmem:s17+$0x4520] =	vst v7  }
0x18f: {  	[tilespmem:s17+$0x4530] =	vst v7  }
0x190: {  	[tilespmem:s17+$0x4540] =	vst v7  }
0x191: {  	[tilespmem:s17+$0x4550] =	vst v7  }
0x192: {  	[tilespmem:s17+$0x4560] =	vst v7  }
0x193: {  	[tilespmem:s17+$0x4570] =	vst v7  }
0x194: {  	[tilespmem:s17+$0x4900] =	vst v7  }
0x195: {  	[tilespmem:s17+$0x4910] =	vst v7  }
0x196: {  	[tilespmem:s17+$0x4920] =	vst v7  }
0x197: {  	[tilespmem:s17+$0x4930] =	vst v7  }
0x198: {  	[tilespmem:s17+$0x4940] =	vst v7  }
0x199: {  	[tilespmem:s17+$0x4950] =	vst v7  }
0x19a: {  	[tilespmem:s17+$0x4960] =	vst v7  }
0x19b: {  	[tilespmem:s17+$0x4970] =	vst v7  }
0x19c: {  	[tilespmem:s17+$0x4D00] =	vst v7  }
0x19d: {  	[tilespmem:s17+$0x4D10] =	vst v7  }
0x19e: {  	[tilespmem:s17+$0x4D20] =	vst v7  }
0x19f: {  	[tilespmem:s17+$0x4D30] =	vst v7  }
0x1a0: {  	[tilespmem:s17+$0x4D40] =	vst v7  }
0x1a1: {  	[tilespmem:s17+$0x4D50] =	vst v7  }
0x1a2: {  	[tilespmem:s17+$0x4D60] =	vst v7  }
0x1a3: {  	[tilespmem:s17+$0x4D70] =	vst v7  }
0x1a4: {  	[tilespmem:s17+$0x5100] =	vst v7  }
0x1a5: {  	[tilespmem:s17+$0x5110] =	vst v7  }
0x1a6: {  	[tilespmem:s17+$0x5120] =	vst v7  }
0x1a7: {  	[tilespmem:s17+$0x5130] =	vst v7  }
0x1a8: {  	[tilespmem:s17+$0x5140] =	vst v7  }
0x1a9: {  	[tilespmem:s17+$0x5150] =	vst v7  }
0x1aa: {  	[tilespmem:s17+$0x5160] =	vst v7  }
0x1ab: {  	[tilespmem:s17+$0x5170] =	vst v7  }
0x1ac: {  	[tilespmem:s17+$0x5500] =	vst v7  }
0x1ad: {  	[tilespmem:s17+$0x5510] =	vst v7  }
0x1ae: {  	[tilespmem:s17+$0x5520] =	vst v7  }
0x1af: {  	[tilespmem:s17+$0x5530] =	vst v7  }
0x1b0: {  	[tilespmem:s17+$0x5540] =	vst v7  }
0x1b1: {  	[tilespmem:s17+$0x5550] =	vst v7  }
0x1b2: {  	[tilespmem:s17+$0x5560] =	vst v7  }
0x1b3: {  	[tilespmem:s17+$0x5570] =	vst v7  }
0x1b4: {  	[tilespmem:s17+$0x5900] =	vst v7  }
0x1b5: {  	[tilespmem:s17+$0x5910] =	vst v7  }
0x1b6: {  	[tilespmem:s17+$0x5920] =	vst v7  }
0x1b7: {  	[tilespmem:s17+$0x5930] =	vst v7  }
0x1b8: {  	[tilespmem:s17+$0x5940] =	vst v7  }
0x1b9: {  	[tilespmem:s17+$0x5950] =	vst v7  }
0x1ba: {  	[tilespmem:s17+$0x5960] =	vst v7  }
0x1bb: {  	[tilespmem:s17+$0x5970] =	vst v7  }
0x1bc: {  	[tilespmem:s17+$0x5D00] =	vst v7  }
0x1bd: {  	[tilespmem:s17+$0x5D10] =	vst v7  }
0x1be: {  	[tilespmem:s17+$0x5D20] =	vst v7  }
0x1bf: {  	[tilespmem:s17+$0x5D30] =	vst v7  }
0x1c0: {  	[tilespmem:s17+$0x5D40] =	vst v7  }
0x1c1: {  	[tilespmem:s17+$0x5D50] =	vst v7  }
.Ltmp0:
0x1c2: {  	[tilespmem:s17+$0x5D60] =	vst v7;
	(pc) =	sbr.rel @p0 .LBB2_2-.Ltmp0, $4  }
0x1c3: {  	[tilespmem:s17+$0x5D70] =	vst v7  }
0x1c4: {  	[tilespmem:s17+$0x6100] =	vst v7  }
0x1c5: {  	[tilespmem:s17+$0x6110] =	vst v7  }
0x1c6: {  	s20 =	sshrl.u32 s19, $0x3;
	s19 =	sadd.s32 $0x1, s19;
	[tilespmem:s17+$0x6120] =	vst v7  }
0x1c7: {  	s19 =	smul.u32 $0x19000, s20;
	[tilespmem:s17+$0x6130] =	vst v7  }
0x1c8: {  	[tilespmem:s17+$0x6140] =	vst v7;
	s18 =	sadd.s32 $0x80, s18  }
0x1c9: {  	[tilespmem:s17+$0x6150] =	vst v7;
	s18 =	sand.u32 $0x380, s18;
	s19 =	sshra.s32 s19, $0x2  }
0x1ca: {  	[tilespmem:s17+$0x6160] =	vst v7;
	s18 =	sor.u32 s18, s19  }
0x1cb: {  	[tilespmem:s18+$0x6170] =	vst v7  }
0x1cc: {  	[tilespmem:s18+$0x100] =	vst v7  }
0x1cd: {  	[tilespmem:s18+$0x110] =	vst v7  }
0x1ce: {  	[tilespmem:s18+$0x120] =	vst v7  }
0x1cf: {  	[tilespmem:s18+$0x130] =	vst v7  }
0x1d0: {  	[tilespmem:s18+$0x140] =	vst v7  }
0x1d1: {  	[tilespmem:s18+$0x150] =	vst v7  }
0x1d2: {  	[tilespmem:s18+$0x160] =	vst v7  }
0x1d3: {  	[tilespmem:s18+$0x170] =	vst v7  }
0x1d4: {  	[tilespmem:s18+$0x500] =	vst v7  }
0x1d5: {  	[tilespmem:s18+$0x510] =	vst v7  }
0x1d6: {  	[tilespmem:s18+$0x520] =	vst v7  }
0x1d7: {  	[tilespmem:s18+$0x530] =	vst v7  }
0x1d8: {  	[tilespmem:s18+$0x540] =	vst v7  }
0x1d9: {  	[tilespmem:s18+$0x550] =	vst v7  }
0x1da: {  	[tilespmem:s18+$0x560] =	vst v7  }
0x1db: {  	[tilespmem:s18+$0x570] =	vst v7  }
0x1dc: {  	[tilespmem:s18+$0x900] =	vst v7  }
0x1dd: {  	[tilespmem:s18+$0x910] =	vst v7  }
0x1de: {  	[tilespmem:s18+$0x920] =	vst v7  }
0x1df: {  	[tilespmem:s18+$0x930] =	vst v7  }
0x1e0: {  	[tilespmem:s18+$0x940] =	vst v7  }
0x1e1: {  	[tilespmem:s18+$0x950] =	vst v7  }
0x1e2: {  	[tilespmem:s18+$0x960] =	vst v7  }
0x1e3: {  	[tilespmem:s18+$0x970] =	vst v7  }
0x1e4: {  	[tilespmem:s18+$0xD00] =	vst v7  }
0x1e5: {  	[tilespmem:s18+$0xD10] =	vst v7  }
0x1e6: {  	[tilespmem:s18+$0xD20] =	vst v7  }
0x1e7: {  	[tilespmem:s18+$0xD30] =	vst v7  }
0x1e8: {  	[tilespmem:s18+$0xD40] =	vst v7  }
0x1e9: {  	[tilespmem:s18+$0xD50] =	vst v7  }
0x1ea: {  	[tilespmem:s18+$0xD60] =	vst v7  }
0x1eb: {  	[tilespmem:s18+$0xD70] =	vst v7  }
0x1ec: {  	[tilespmem:s18+$0x1100] =	vst v7  }
0x1ed: {  	[tilespmem:s18+$0x1110] =	vst v7  }
0x1ee: {  	[tilespmem:s18+$0x1120] =	vst v7  }
0x1ef: {  	[tilespmem:s18+$0x1130] =	vst v7  }
0x1f0: {  	[tilespmem:s18+$0x1140] =	vst v7  }
0x1f1: {  	[tilespmem:s18+$0x1150] =	vst v7  }
0x1f2: {  	[tilespmem:s18+$0x1160] =	vst v7  }
0x1f3: {  	[tilespmem:s18+$0x1170] =	vst v7  }
0x1f4: {  	[tilespmem:s18+$0x1500] =	vst v7  }
0x1f5: {  	[tilespmem:s18+$0x1510] =	vst v7  }
0x1f6: {  	[tilespmem:s18+$0x1520] =	vst v7  }
0x1f7: {  	[tilespmem:s18+$0x1530] =	vst v7  }
0x1f8: {  	[tilespmem:s18+$0x1540] =	vst v7  }
0x1f9: {  	[tilespmem:s18+$0x1550] =	vst v7  }
0x1fa: {  	[tilespmem:s18+$0x1560] =	vst v7  }
0x1fb: {  	[tilespmem:s18+$0x1570] =	vst v7  }
0x1fc: {  	[tilespmem:s18+$0x1900] =	vst v7  }
0x1fd: {  	[tilespmem:s18+$0x1910] =	vst v7  }
0x1fe: {  	[tilespmem:s18+$0x1920] =	vst v7  }
0x1ff: {  	[tilespmem:s18+$0x1930] =	vst v7  }
0x200: {  	[tilespmem:s18+$0x1940] =	vst v7  }
0x201: {  	[tilespmem:s18+$0x1950] =	vst v7  }
0x202: {  	[tilespmem:s18+$0x1960] =	vst v7  }
0x203: {  	[tilespmem:s18+$0x1970] =	vst v7  }
0x204: {  	[tilespmem:s18+$0x1D00] =	vst v7  }
0x205: {  	[tilespmem:s18+$0x1D10] =	vst v7  }
0x206: {  	[tilespmem:s18+$0x1D20] =	vst v7  }
0x207: {  	[tilespmem:s18+$0x1D30] =	vst v7  }
0x208: {  	[tilespmem:s18+$0x1D40] =	vst v7  }
0x209: {  	[tilespmem:s18+$0x1D50] =	vst v7  }
0x20a: {  	[tilespmem:s18+$0x1D60] =	vst v7  }
0x20b: {  	[tilespmem:s18+$0x1D70] =	vst v7  }
0x20c: {  	[tilespmem:s18+$0x2100] =	vst v7  }
0x20d: {  	[tilespmem:s18+$0x2110] =	vst v7  }
0x20e: {  	[tilespmem:s18+$0x2120] =	vst v7  }
0x20f: {  	[tilespmem:s18+$0x2130] =	vst v7  }
0x210: {  	[tilespmem:s18+$0x2140] =	vst v7  }
0x211: {  	[tilespmem:s18+$0x2150] =	vst v7  }
0x212: {  	[tilespmem:s18+$0x2160] =	vst v7  }
0x213: {  	[tilespmem:s18+$0x2170] =	vst v7  }
0x214: {  	[tilespmem:s18+$0x2500] =	vst v7  }
0x215: {  	[tilespmem:s18+$0x2510] =	vst v7  }
0x216: {  	[tilespmem:s18+$0x2520] =	vst v7  }
0x217: {  	[tilespmem:s18+$0x2530] =	vst v7  }
0x218: {  	[tilespmem:s18+$0x2540] =	vst v7  }
0x219: {  	[tilespmem:s18+$0x2550] =	vst v7  }
0x21a: {  	[tilespmem:s18+$0x2560] =	vst v7  }
0x21b: {  	[tilespmem:s18+$0x2570] =	vst v7  }
0x21c: {  	[tilespmem:s18+$0x2900] =	vst v7  }
0x21d: {  	[tilespmem:s18+$0x2910] =	vst v7  }
0x21e: {  	[tilespmem:s18+$0x2920] =	vst v7  }
0x21f: {  	[tilespmem:s18+$0x2930] =	vst v7  }
0x220: {  	[tilespmem:s18+$0x2940] =	vst v7  }
0x221: {  	[tilespmem:s18+$0x2950] =	vst v7  }
0x222: {  	[tilespmem:s18+$0x2960] =	vst v7  }
0x223: {  	[tilespmem:s18+$0x2970] =	vst v7  }
0x224: {  	[tilespmem:s18+$0x2D00] =	vst v7  }
0x225: {  	[tilespmem:s18+$0x2D10] =	vst v7  }
0x226: {  	[tilespmem:s18+$0x2D20] =	vst v7  }
0x227: {  	[tilespmem:s18+$0x2D30] =	vst v7  }
0x228: {  	[tilespmem:s18+$0x2D40] =	vst v7  }
0x229: {  	[tilespmem:s18+$0x2D50] =	vst v7  }
0x22a: {  	[tilespmem:s18+$0x2D60] =	vst v7  }
0x22b: {  	[tilespmem:s18+$0x2D70] =	vst v7  }
0x22c: {  	[tilespmem:s18+$0x3100] =	vst v7  }
0x22d: {  	[tilespmem:s18+$0x3110] =	vst v7  }
0x22e: {  	[tilespmem:s18+$0x3120] =	vst v7  }
0x22f: {  	[tilespmem:s18+$0x3130] =	vst v7  }
0x230: {  	[tilespmem:s18+$0x3140] =	vst v7  }
0x231: {  	[tilespmem:s18+$0x3150] =	vst v7  }
0x232: {  	[tilespmem:s18+$0x3160] =	vst v7  }
0x233: {  	[tilespmem:s18+$0x3170] =	vst v7  }
0x234: {  	[tilespmem:s18+$0x3500] =	vst v7  }
0x235: {  	[tilespmem:s18+$0x3510] =	vst v7  }
0x236: {  	[tilespmem:s18+$0x3520] =	vst v7  }
0x237: {  	[tilespmem:s18+$0x3530] =	vst v7  }
0x238: {  	[tilespmem:s18+$0x3540] =	vst v7  }
0x239: {  	[tilespmem:s18+$0x3550] =	vst v7  }
0x23a: {  	[tilespmem:s18+$0x3560] =	vst v7  }
0x23b: {  	[tilespmem:s18+$0x3570] =	vst v7  }
0x23c: {  	[tilespmem:s18+$0x3900] =	vst v7  }
0x23d: {  	[tilespmem:s18+$0x3910] =	vst v7  }
0x23e: {  	[tilespmem:s18+$0x3920] =	vst v7  }
0x23f: {  	[tilespmem:s18+$0x3930] =	vst v7  }
0x240: {  	[tilespmem:s18+$0x3940] =	vst v7  }
0x241: {  	[tilespmem:s18+$0x3950] =	vst v7  }
0x242: {  	[tilespmem:s18+$0x3960] =	vst v7  }
0x243: {  	[tilespmem:s18+$0x3970] =	vst v7  }
0x244: {  	[tilespmem:s18+$0x3D00] =	vst v7  }
0x245: {  	[tilespmem:s18+$0x3D10] =	vst v7  }
0x246: {  	[tilespmem:s18+$0x3D20] =	vst v7  }
0x247: {  	[tilespmem:s18+$0x3D30] =	vst v7  }
0x248: {  	[tilespmem:s18+$0x3D40] =	vst v7  }
0x249: {  	[tilespmem:s18+$0x3D50] =	vst v7  }
0x24a: {  	[tilespmem:s18+$0x3D60] =	vst v7  }
0x24b: {  	[tilespmem:s18+$0x3D70] =	vst v7  }
0x24c: {  	[tilespmem:s18+$0x4100] =	vst v7  }
0x24d: {  	[tilespmem:s18+$0x4110] =	vst v7  }
0x24e: {  	[tilespmem:s18+$0x4120] =	vst v7  }
0x24f: {  	[tilespmem:s18+$0x4130] =	vst v7  }
0x250: {  	[tilespmem:s18+$0x4140] =	vst v7  }
0x251: {  	[tilespmem:s18+$0x4150] =	vst v7  }
0x252: {  	[tilespmem:s18+$0x4160] =	vst v7  }
0x253: {  	[tilespmem:s18+$0x4170] =	vst v7  }
0x254: {  	[tilespmem:s18+$0x4500] =	vst v7  }
0x255: {  	[tilespmem:s18+$0x4510] =	vst v7  }
0x256: {  	[tilespmem:s18+$0x4520] =	vst v7  }
0x257: {  	[tilespmem:s18+$0x4530] =	vst v7  }
0x258: {  	[tilespmem:s18+$0x4540] =	vst v7  }
0x259: {  	[tilespmem:s18+$0x4550] =	vst v7  }
0x25a: {  	[tilespmem:s18+$0x4560] =	vst v7  }
0x25b: {  	[tilespmem:s18+$0x4570] =	vst v7  }
0x25c: {  	[tilespmem:s18+$0x4900] =	vst v7  }
0x25d: {  	[tilespmem:s18+$0x4910] =	vst v7  }
0x25e: {  	[tilespmem:s18+$0x4920] =	vst v7  }
0x25f: {  	[tilespmem:s18+$0x4930] =	vst v7  }
0x260: {  	[tilespmem:s18+$0x4940] =	vst v7  }
0x261: {  	[tilespmem:s18+$0x4950] =	vst v7  }
0x262: {  	[tilespmem:s18+$0x4960] =	vst v7  }
0x263: {  	[tilespmem:s18+$0x4970] =	vst v7  }
0x264: {  	[tilespmem:s18+$0x4D00] =	vst v7  }
0x265: {  	[tilespmem:s18+$0x4D10] =	vst v7  }
0x266: {  	[tilespmem:s18+$0x4D20] =	vst v7  }
0x267: {  	[tilespmem:s18+$0x4D30] =	vst v7  }
0x268: {  	[tilespmem:s18+$0x4D40] =	vst v7  }
0x269: {  	[tilespmem:s18+$0x4D50] =	vst v7  }
0x26a: {  	[tilespmem:s18+$0x4D60] =	vst v7  }
0x26b: {  	[tilespmem:s18+$0x4D70] =	vst v7  }
0x26c: {  	[tilespmem:s18+$0x5100] =	vst v7  }
0x26d: {  	[tilespmem:s18+$0x5110] =	vst v7  }
0x26e: {  	[tilespmem:s18+$0x5120] =	vst v7  }
0x26f: {  	[tilespmem:s18+$0x5130] =	vst v7  }
0x270: {  	[tilespmem:s18+$0x5140] =	vst v7  }
0x271: {  	[tilespmem:s18+$0x5150] =	vst v7  }
0x272: {  	[tilespmem:s18+$0x5160] =	vst v7  }
0x273: {  	[tilespmem:s18+$0x5170] =	vst v7  }
0x274: {  	[tilespmem:s18+$0x5500] =	vst v7  }
0x275: {  	[tilespmem:s18+$0x5510] =	vst v7  }
0x276: {  	[tilespmem:s18+$0x5520] =	vst v7  }
0x277: {  	[tilespmem:s18+$0x5530] =	vst v7  }
0x278: {  	[tilespmem:s18+$0x5540] =	vst v7  }
0x279: {  	[tilespmem:s18+$0x5550] =	vst v7  }
0x27a: {  	[tilespmem:s18+$0x5560] =	vst v7  }
0x27b: {  	[tilespmem:s18+$0x5570] =	vst v7  }
0x27c: {  	[tilespmem:s18+$0x5900] =	vst v7  }
0x27d: {  	[tilespmem:s18+$0x5910] =	vst v7  }
0x27e: {  	[tilespmem:s18+$0x5920] =	vst v7  }
0x27f: {  	[tilespmem:s18+$0x5930] =	vst v7  }
0x280: {  	[tilespmem:s18+$0x5940] =	vst v7  }
0x281: {  	[tilespmem:s18+$0x5950] =	vst v7  }
0x282: {  	[tilespmem:s18+$0x5960] =	vst v7  }
0x283: {  	[tilespmem:s18+$0x5970] =	vst v7  }
0x284: {  	[tilespmem:s18+$0x5D00] =	vst v7  }
0x285: {  	[tilespmem:s18+$0x5D10] =	vst v7  }
0x286: {  	[tilespmem:s18+$0x5D20] =	vst v7  }
0x287: {  	[tilespmem:s18+$0x5D30] =	vst v7  }
0x288: {  	[tilespmem:s18+$0x5D40] =	vst v7  }
0x289: {  	[tilespmem:s18+$0x5D50] =	vst v7  }
0x28a: {  	[tilespmem:s18+$0x5D60] =	vst v7  }
0x28b: {  	[tilespmem:s18+$0x5D70] =	vst v7  }
0x28c: {  	[tilespmem:s18+$0x6100] =	vst v7  }
0x28d: {  	[tilespmem:s18+$0x6110] =	vst v7  }
0x28e: {  	[tilespmem:s18+$0x6120] =	vst v7  }
0x28f: {  	[tilespmem:s18+$0x6130] =	vst v7  }
0x290: {  	[tilespmem:s18+$0x6140] =	vst v7  }
0x291: {  	[tilespmem:s18+$0x6150] =	vst v7  }
0x292: {  	[tilespmem:s18+$0x6160] =	vst v7  }
0x293: {  	v8 =	vld [tilespmem:$0x80];
	_ =	sdelay $0x4  }
0x294: {  	[tilespmem:v0+s12+$0x0] =	vst.idx.msk $0xffff, v8  }
0x295: {  	v8 =	vld [tilespmem:$0x0];
	_ =	sdelay $0x4  }
0x296: {  	s17 =	simm.s32 $0x0;
	s18 =	simm.s32 $0x0;
	[tilespmem:v1+s12+$0x0] =	vst.idx.msk $0xffff, v8  }
0x297: {  	[hbm4b:s4+s17] =	stream.linear.scatter [tilespmem:s12], [sflag:$0x1], $0xC800, $0x38;
	[tilespmem:$0x19100] =	vst v63  }
.LBB2_4:
0x298: {  	s19 =	sshrl.u32 s18, $0x3  }
0x299: {  	s19 =	smul.u32 $0x19000, s19;
	_ =	sdelay $0x1  }
0x29a: {  	s20 =	sand.u32 $0x380, s17;
	s19 =	sshra.s32 s19, $0x2  }
0x29b: {  	s19 =	sor.u32 s20, s19  }
0x29c: {  	[tilespmem:s19+$0xC900] =	vst v7  }
0x29d: {  	[tilespmem:s19+$0xC910] =	vst v7  }
0x29e: {  	[tilespmem:s19+$0xC920] =	vst v7  }
0x29f: {  	[tilespmem:s19+$0xC930] =	vst v7  }
0x2a0: {  	[tilespmem:s19+$0xC940] =	vst v7  }
0x2a1: {  	[tilespmem:s19+$0xC950] =	vst v7  }
0x2a2: {  	[tilespmem:s19+$0xC960] =	vst v7  }
0x2a3: {  	[tilespmem:s19+$0xC970] =	vst v7  }
0x2a4: {  	[tilespmem:s19+$0xCD00] =	vst v7  }
0x2a5: {  	[tilespmem:s19+$0xCD10] =	vst v7  }
0x2a6: {  	[tilespmem:s19+$0xCD20] =	vst v7  }
0x2a7: {  	[tilespmem:s19+$0xCD30] =	vst v7  }
0x2a8: {  	[tilespmem:s19+$0xCD40] =	vst v7  }
0x2a9: {  	[tilespmem:s19+$0xCD50] =	vst v7  }
0x2aa: {  	[tilespmem:s19+$0xCD60] =	vst v7  }
0x2ab: {  	[tilespmem:s19+$0xCD70] =	vst v7  }
0x2ac: {  	[tilespmem:s19+$0xD100] =	vst v7  }
0x2ad: {  	[tilespmem:s19+$0xD110] =	vst v7  }
0x2ae: {  	[tilespmem:s19+$0xD120] =	vst v7  }
0x2af: {  	[tilespmem:s19+$0xD130] =	vst v7  }
0x2b0: {  	[tilespmem:s19+$0xD140] =	vst v7  }
0x2b1: {  	[tilespmem:s19+$0xD150] =	vst v7  }
0x2b2: {  	[tilespmem:s19+$0xD160] =	vst v7  }
0x2b3: {  	[tilespmem:s19+$0xD170] =	vst v7  }
0x2b4: {  	[tilespmem:s19+$0xD500] =	vst v7  }
0x2b5: {  	[tilespmem:s19+$0xD510] =	vst v7  }
0x2b6: {  	[tilespmem:s19+$0xD520] =	vst v7  }
0x2b7: {  	[tilespmem:s19+$0xD530] =	vst v7  }
0x2b8: {  	[tilespmem:s19+$0xD540] =	vst v7  }
0x2b9: {  	[tilespmem:s19+$0xD550] =	vst v7  }
0x2ba: {  	[tilespmem:s19+$0xD560] =	vst v7  }
0x2bb: {  	[tilespmem:s19+$0xD570] =	vst v7  }
0x2bc: {  	[tilespmem:s19+$0xD900] =	vst v7  }
0x2bd: {  	[tilespmem:s19+$0xD910] =	vst v7  }
0x2be: {  	[tilespmem:s19+$0xD920] =	vst v7  }
0x2bf: {  	[tilespmem:s19+$0xD930] =	vst v7  }
0x2c0: {  	[tilespmem:s19+$0xD940] =	vst v7  }
0x2c1: {  	[tilespmem:s19+$0xD950] =	vst v7  }
0x2c2: {  	[tilespmem:s19+$0xD960] =	vst v7  }
0x2c3: {  	[tilespmem:s19+$0xD970] =	vst v7  }
0x2c4: {  	[tilespmem:s19+$0xDD00] =	vst v7  }
0x2c5: {  	[tilespmem:s19+$0xDD10] =	vst v7  }
0x2c6: {  	[tilespmem:s19+$0xDD20] =	vst v7  }
0x2c7: {  	[tilespmem:s19+$0xDD30] =	vst v7  }
0x2c8: {  	[tilespmem:s19+$0xDD40] =	vst v7  }
0x2c9: {  	[tilespmem:s19+$0xDD50] =	vst v7  }
0x2ca: {  	[tilespmem:s19+$0xDD60] =	vst v7  }
0x2cb: {  	[tilespmem:s19+$0xDD70] =	vst v7  }
0x2cc: {  	[tilespmem:s19+$0xE100] =	vst v7  }
0x2cd: {  	[tilespmem:s19+$0xE110] =	vst v7  }
0x2ce: {  	[tilespmem:s19+$0xE120] =	vst v7  }
0x2cf: {  	[tilespmem:s19+$0xE130] =	vst v7  }
0x2d0: {  	[tilespmem:s19+$0xE140] =	vst v7  }
0x2d1: {  	[tilespmem:s19+$0xE150] =	vst v7  }
0x2d2: {  	[tilespmem:s19+$0xE160] =	vst v7  }
0x2d3: {  	[tilespmem:s19+$0xE170] =	vst v7  }
0x2d4: {  	[tilespmem:s19+$0xE500] =	vst v7  }
0x2d5: {  	[tilespmem:s19+$0xE510] =	vst v7  }
0x2d6: {  	[tilespmem:s19+$0xE520] =	vst v7  }
0x2d7: {  	[tilespmem:s19+$0xE530] =	vst v7  }
0x2d8: {  	[tilespmem:s19+$0xE540] =	vst v7  }
0x2d9: {  	[tilespmem:s19+$0xE550] =	vst v7  }
0x2da: {  	[tilespmem:s19+$0xE560] =	vst v7  }
0x2db: {  	[tilespmem:s19+$0xE570] =	vst v7  }
0x2dc: {  	[tilespmem:s19+$0xE900] =	vst v7  }
0x2dd: {  	[tilespmem:s19+$0xE910] =	vst v7  }
0x2de: {  	[tilespmem:s19+$0xE920] =	vst v7  }
0x2df: {  	[tilespmem:s19+$0xE930] =	vst v7  }
0x2e0: {  	[tilespmem:s19+$0xE940] =	vst v7  }
0x2e1: {  	[tilespmem:s19+$0xE950] =	vst v7  }
0x2e2: {  	[tilespmem:s19+$0xE960] =	vst v7  }
0x2e3: {  	[tilespmem:s19+$0xE970] =	vst v7  }
0x2e4: {  	[tilespmem:s19+$0xED00] =	vst v7  }
0x2e5: {  	[tilespmem:s19+$0xED10] =	vst v7  }
0x2e6: {  	[tilespmem:s19+$0xED20] =	vst v7  }
0x2e7: {  	[tilespmem:s19+$0xED30] =	vst v7  }
0x2e8: {  	[tilespmem:s19+$0xED40] =	vst v7  }
0x2e9: {  	[tilespmem:s19+$0xED50] =	vst v7  }
0x2ea: {  	[tilespmem:s19+$0xED60] =	vst v7  }
0x2eb: {  	[tilespmem:s19+$0xED70] =	vst v7  }
0x2ec: {  	[tilespmem:s19+$0xF100] =	vst v7  }
0x2ed: {  	[tilespmem:s19+$0xF110] =	vst v7  }
0x2ee: {  	[tilespmem:s19+$0xF120] =	vst v7  }
0x2ef: {  	[tilespmem:s19+$0xF130] =	vst v7  }
0x2f0: {  	[tilespmem:s19+$0xF140] =	vst v7  }
0x2f1: {  	[tilespmem:s19+$0xF150] =	vst v7  }
0x2f2: {  	[tilespmem:s19+$0xF160] =	vst v7  }
0x2f3: {  	[tilespmem:s19+$0xF170] =	vst v7  }
0x2f4: {  	[tilespmem:s19+$0xF500] =	vst v7  }
0x2f5: {  	[tilespmem:s19+$0xF510] =	vst v7  }
0x2f6: {  	[tilespmem:s19+$0xF520] =	vst v7  }
0x2f7: {  	[tilespmem:s19+$0xF530] =	vst v7  }
0x2f8: {  	[tilespmem:s19+$0xF540] =	vst v7  }
0x2f9: {  	[tilespmem:s19+$0xF550] =	vst v7  }
0x2fa: {  	[tilespmem:s19+$0xF560] =	vst v7  }
0x2fb: {  	[tilespmem:s19+$0xF570] =	vst v7  }
0x2fc: {  	[tilespmem:s19+$0xF900] =	vst v7  }
0x2fd: {  	[tilespmem:s19+$0xF910] =	vst v7  }
0x2fe: {  	[tilespmem:s19+$0xF920] =	vst v7  }
0x2ff: {  	[tilespmem:s19+$0xF930] =	vst v7  }
0x300: {  	[tilespmem:s19+$0xF940] =	vst v7  }
0x301: {  	[tilespmem:s19+$0xF950] =	vst v7  }
0x302: {  	[tilespmem:s19+$0xF960] =	vst v7  }
0x303: {  	[tilespmem:s19+$0xF970] =	vst v7  }
0x304: {  	[tilespmem:s19+$0xFD00] =	vst v7  }
0x305: {  	[tilespmem:s19+$0xFD10] =	vst v7  }
0x306: {  	[tilespmem:s19+$0xFD20] =	vst v7  }
0x307: {  	[tilespmem:s19+$0xFD30] =	vst v7  }
0x308: {  	[tilespmem:s19+$0xFD40] =	vst v7  }
0x309: {  	[tilespmem:s19+$0xFD50] =	vst v7  }
0x30a: {  	[tilespmem:s19+$0xFD60] =	vst v7  }
0x30b: {  	[tilespmem:s19+$0xFD70] =	vst v7  }
0x30c: {  	s20 =	sadd.s32 $0x10100, s19;
	[tilespmem:s19+$0x10100] =	vst v7  }
0x30d: {  	[tilespmem:s20+$0x10] =	vst v7  }
0x30e: {  	[tilespmem:s20+$0x20] =	vst v7  }
0x30f: {  	[tilespmem:s20+$0x30] =	vst v7  }
0x310: {  	[tilespmem:s20+$0x40] =	vst v7  }
0x311: {  	[tilespmem:s20+$0x50] =	vst v7  }
0x312: {  	[tilespmem:s20+$0x60] =	vst v7  }
0x313: {  	[tilespmem:s20+$0x70] =	vst v7  }
0x314: {  	s21 =	sadd.s32 $0x10500, s19;
	[tilespmem:s19+$0x10500] =	vst v7  }
0x315: {  	[tilespmem:s21+$0x40] =	vst v7  }
0x316: {  	[tilespmem:s21+$0x50] =	vst v7  }
0x317: {  	[tilespmem:s21+$0x60] =	vst v7  }
0x318: {  	[tilespmem:s21+$0x70] =	vst v7  }
0x319: {  	[tilespmem:s21+$0x10] =	vst v7  }
0x31a: {  	[tilespmem:s21+$0x20] =	vst v7  }
0x31b: {  	[tilespmem:s21+$0x30] =	vst v7  }
0x31c: {  	s22 =	sadd.s32 $0x10900, s19;
	[tilespmem:s19+$0x10900] =	vst v7  }
0x31d: {  	[tilespmem:s22+$0x40] =	vst v7  }
0x31e: {  	[tilespmem:s22+$0x50] =	vst v7  }
0x31f: {  	[tilespmem:s22+$0x60] =	vst v7  }
0x320: {  	[tilespmem:s22+$0x70] =	vst v7  }
0x321: {  	[tilespmem:s22+$0x10] =	vst v7  }
0x322: {  	[tilespmem:s22+$0x20] =	vst v7  }
0x323: {  	[tilespmem:s22+$0x30] =	vst v7  }
0x324: {  	s23 =	sadd.s32 $0x10D00, s19;
	[tilespmem:s19+$0x10D00] =	vst v7  }
0x325: {  	[tilespmem:s23+$0x40] =	vst v7  }
0x326: {  	[tilespmem:s23+$0x50] =	vst v7  }
0x327: {  	[tilespmem:s23+$0x60] =	vst v7  }
0x328: {  	[tilespmem:s23+$0x70] =	vst v7  }
0x329: {  	[tilespmem:s23+$0x10] =	vst v7  }
0x32a: {  	[tilespmem:s23+$0x20] =	vst v7  }
0x32b: {  	[tilespmem:s23+$0x30] =	vst v7  }
0x32c: {  	s24 =	sadd.s32 $0x11100, s19;
	[tilespmem:s19+$0x11100] =	vst v7  }
0x32d: {  	[tilespmem:s24+$0x40] =	vst v7  }
0x32e: {  	[tilespmem:s24+$0x50] =	vst v7  }
0x32f: {  	[tilespmem:s24+$0x60] =	vst v7  }
0x330: {  	[tilespmem:s24+$0x70] =	vst v7  }
0x331: {  	[tilespmem:s24+$0x10] =	vst v7  }
0x332: {  	[tilespmem:s24+$0x20] =	vst v7  }
0x333: {  	[tilespmem:s24+$0x30] =	vst v7  }
0x334: {  	s25 =	sadd.s32 $0x11500, s19;
	[tilespmem:s19+$0x11500] =	vst v7  }
0x335: {  	[tilespmem:s25+$0x40] =	vst v7  }
0x336: {  	[tilespmem:s25+$0x50] =	vst v7  }
0x337: {  	[tilespmem:s25+$0x60] =	vst v7  }
0x338: {  	[tilespmem:s25+$0x70] =	vst v7  }
0x339: {  	[tilespmem:s25+$0x10] =	vst v7  }
0x33a: {  	[tilespmem:s25+$0x20] =	vst v7  }
0x33b: {  	[tilespmem:s25+$0x30] =	vst v7  }
0x33c: {  	s26 =	sadd.s32 $0x11900, s19;
	[tilespmem:s19+$0x11900] =	vst v7  }
0x33d: {  	[tilespmem:s26+$0x40] =	vst v7  }
0x33e: {  	[tilespmem:s26+$0x50] =	vst v7  }
0x33f: {  	[tilespmem:s26+$0x60] =	vst v7  }
0x340: {  	[tilespmem:s26+$0x70] =	vst v7  }
0x341: {  	[tilespmem:s26+$0x10] =	vst v7  }
0x342: {  	[tilespmem:s26+$0x20] =	vst v7  }
0x343: {  	[tilespmem:s26+$0x30] =	vst v7  }
0x344: {  	s28 =	sadd.s32 $0x11D00, s19;
	[tilespmem:s19+$0x11D00] =	vst v7  }
0x345: {  	[tilespmem:s28+$0x40] =	vst v7  }
0x346: {  	[tilespmem:s28+$0x50] =	vst v7  }
0x347: {  	[tilespmem:s28+$0x60] =	vst v7  }
0x348: {  	[tilespmem:s28+$0x70] =	vst v7  }
0x349: {  	[tilespmem:s28+$0x10] =	vst v7  }
0x34a: {  	[tilespmem:s28+$0x20] =	vst v7  }
0x34b: {  	[tilespmem:s28+$0x30] =	vst v7  }
0x34c: {  	s29 =	sadd.s32 $0x12100, s19;
	[tilespmem:s19+$0x12100] =	vst v7  }
0x34d: {  	[tilespmem:s29+$0x40] =	vst v7  }
0x34e: {  	[tilespmem:s29+$0x50] =	vst v7  }
0x34f: {  	[tilespmem:s29+$0x60] =	vst v7  }
0x350: {  	[tilespmem:s29+$0x70] =	vst v7  }
0x351: {  	[tilespmem:s29+$0x10] =	vst v7  }
0x352: {  	[tilespmem:s29+$0x20] =	vst v7  }
0x353: {  	[tilespmem:s29+$0x30] =	vst v7  }
0x354: {  	s30 =	sadd.s32 $0x12500, s19;
	[tilespmem:s19+$0x12500] =	vst v7  }
0x355: {  	[tilespmem:s30+$0x40] =	vst v7  }
0x356: {  	[tilespmem:s30+$0x50] =	vst v7  }
0x357: {  	[tilespmem:s30+$0x60] =	vst v7  }
0x358: {  	[tilespmem:s30+$0x70] =	vst v7  }
0x359: {  	[tilespmem:s30+$0x10] =	vst v7  }
0x35a: {  	[tilespmem:s30+$0x20] =	vst v7  }
0x35b: {  	[tilespmem:s30+$0x30] =	vst v7  }
0x35c: {  	s31 =	sadd.s32 $0x12900, s19;
	[tilespmem:s19+$0x12900] =	vst v7  }
0x35d: {  	[tilespmem:s31+$0x40] =	vst v7  }
0x35e: {  	p0 =	sne.s32 s18, $0xF;
	[tilespmem:s31+$0x50] =	vst v7  }
.Ltmp1:
0x35f: {  	[tilespmem:s31+$0x60] =	vst v7;
	(pc) =	sbr.rel @p0 .LBB2_4-.Ltmp1, $4  }
0x360: {  	[tilespmem:s31+$0x70] =	vst v7  }
0x361: {  	[tilespmem:s31+$0x10] =	vst v7  }
0x362: {  	[tilespmem:s31+$0x20] =	vst v7  }
0x363: {  	s17 =	sadd.s32 $0x80, s17;
	s18 =	sadd.s32 $0x1, s18;
	[tilespmem:s31+$0x30] =	vst v7  }
0x364: {  	v8 =	vld [tilespmem:$0x90];
	_ =	sdelay $0x4  }
0x365: {  	[tilespmem:v0+s13+$0x0] =	vst.idx.msk $0xffff, v8  }
0x366: {  	v8 =	vld [tilespmem:$0x10];
	_ =	sdelay $0x4  }
0x367: {  	[tilespmem:v2+s13+$0x0] =	vst.idx.msk $0xffff, v8  }
0x368: {  	[hbm4b:s5+s2] =	stream.linear.scatter [tilespmem:s13], [sflag:$0x2], $0xC800, $0x38;
	[tilespmem:$0x19100] =	vst v63  }
0x369: {  	_ =	swait.ge [sflag:s14], $0xC800  }
0x36a: {  	[sflag:s14] =	ssyncset.done $0x0  }
0x36b: {  	[sflag:s14] =	ssyncadd.s32 $0xFFFF3800  }
0x36c: {  	[tilespmem:v1+s12+$0x0] =	vst.idx.msk $0xffff, v7  }
0x36d: {  	v8 =	vld [tilespmem:$0xA0];
	_ =	sdelay $0x4  }
0x36e: {  	[tilespmem:v0+s12+$0x0] =	vst.idx.msk $0xffff, v8  }
0x36f: {  	v8 =	vld [tilespmem:$0x20];
	_ =	sdelay $0x4  }
0x370: {  	[tilespmem:v3+s12+$0x0] =	vst.idx.msk $0xffff, v8  }
0x371: {  	[hbm4b:s6+s2] =	stream.linear.scatter [tilespmem:s12], [sflag:$0x1], $0xC800, $0x38;
	[tilespmem:$0x19100] =	vst v63  }
0x372: {  	_ =	swait.ge [sflag:s15], $0xC800  }
0x373: {  	[sflag:s15] =	ssyncset.done $0x0  }
0x374: {  	[sflag:s15] =	ssyncadd.s32 $0xFFFF3800  }
0x375: {  	[tilespmem:v2+s13+$0x0] =	vst.idx.msk $0xffff, v7  }
0x376: {  	v8 =	vld [tilespmem:$0xB0];
	_ =	sdelay $0x4  }
0x377: {  	[tilespmem:v0+s13+$0x0] =	vst.idx.msk $0xffff, v8  }
0x378: {  	v8 =	vld [tilespmem:$0x30];
	_ =	sdelay $0x4  }
0x379: {  	[tilespmem:v4+s13+$0x0] =	vst.idx.msk $0xffff, v8  }
0x37a: {  	[hbm4b:s7+s2] =	stream.linear.scatter [tilespmem:s13], [sflag:$0x2], $0xC800, $0x38;
	[tilespmem:$0x19100] =	vst v63  }
0x37b: {  	_ =	swait.ge [sflag:s14], $0xC800  }
0x37c: {  	[sflag:s14] =	ssyncset.done $0x0  }
0x37d: {  	[sflag:s14] =	ssyncadd.s32 $0xFFFF3800  }
0x37e: {  	[tilespmem:v3+s12+$0x0] =	vst.idx.msk $0xffff, v7  }
0x37f: {  	v8 =	vld [tilespmem:$0xC0];
	_ =	sdelay $0x4  }
0x380: {  	[tilespmem:v0+s12+$0x0] =	vst.idx.msk $0xffff, v8  }
0x381: {  	v8 =	vld [tilespmem:$0x40];
	_ =	sdelay $0x4  }
0x382: {  	[tilespmem:v5+s12+$0x0] =	vst.idx.msk $0xffff, v8  }
0x383: {  	[hbm4b:s8+s2] =	stream.linear.scatter [tilespmem:s12], [sflag:$0x1], $0xC800, $0x38;
	[tilespmem:$0x19100] =	vst v63  }
0x384: {  	_ =	swait.ge [sflag:s15], $0xC800  }
0x385: {  	[sflag:s15] =	ssyncset.done $0x0  }
0x386: {  	[sflag:s15] =	ssyncadd.s32 $0xFFFF3800  }
0x387: {  	[tilespmem:v4+s13+$0x0] =	vst.idx.msk $0xffff, v7  }
0x388: {  	v8 =	vld [tilespmem:$0xD0];
	_ =	sdelay $0x4  }
0x389: {  	[tilespmem:v0+s13+$0x0] =	vst.idx.msk $0xffff, v8  }
0x38a: {  	v8 =	vld [tilespmem:$0x50];
	_ =	sdelay $0x4  }
0x38b: {  	s16 =	sadd.s32 $0x1, s16;
	[tilespmem:v6+s13+$0x0] =	vst.idx.msk $0xffff, v8  }
0x38c: {  	[hbm4b:s9+s2] =	stream.linear.scatter [tilespmem:s13], [sflag:$0x2], $0xC800, $0x38;
	[tilespmem:$0x19100] =	vst v63  }
0x38d: {  	p0 =	sne.s32 s16, s10;
	_ =	swait.ge [sflag:s14], $0xC800  }
.Ltmp2:
0x38e: {  	[sflag:s14] =	ssyncset.done $0x0;
	(pc) =	sbr.rel @p0 .LBB2_1-.Ltmp2, $4  }
0x38f: {  	[sflag:s14] =	ssyncadd.s32 $0xFFFF3800  }
0x390: {  	_ =	swait.ge [sflag:s15], $0xC800  }
0x391: {  	[sflag:s15] =	ssyncset.done $0x0  }
0x392: {  	[sflag:s15] =	ssyncadd.s32 $0xFFFF3800  }
0x393: {  	_ =	sfence.sel $0x180000  }
0x394: {  	[bflag:$0x0] =	sbarrier.arrive $0xFFFF  }
0x395: {  	p0 =	sne.s32 s0, $0x0;
	_ =	strace $0x90000047  }
0x396: {  	s0 =	sadd.s32 @!p0 $0x100000, s1;
	[bflag:$0x2] =	sbarrier.arrive $0xFFFF  }
0x397: {  	[sflag:s0] =	ssyncadd.tile.s32 @!p0 $0x1;
	_ =	shalt  }
.Lfunc_end2:
_tile_overlayer_lowered:
.L_overlay_start_2:
0x398: {  	(tag) =	ssettag $0x2  }
0x399: {  	s0 =	rddreg [dreg:$0x0];
	s2 =	stileid.u32  }
0x39a: {  	s1 =	rddreg [dreg:$0x1];
	p0 =	sne.s32 s2, $0x0  }
0x39b: {  	s3 =	rddreg [dreg:$0x2];
	[bflag:$0x3] =	sbarrier.arrive $0xFFFF;
	s2 =	simm.s32 @!p0 $0x1C03  }
0x39c: {  	[timem:s3], [sflag:s2] =	dma.local @!p0 [hbm:s0], s1  }
0x39d: {  	s0 =	simm.s32 @!p0 $0x3  }
0x39e: {  	_ =	swait.ge @!p0 [sflag:s0], s1  }
0x39f: {  	s1 =	ssub.s32 @!p0 $0x0, s1;
	[sflag:s0] =	ssyncset.done @!p0 $0x0  }
0x3a0: {  	[sflag:s0] =	ssyncadd.s32 @!p0 s1  }
0x3a1: {  	[bflag:$0x3] =	sbarrier.arrive $0xFFFF  }
0x3a2: {  	_ =	shalt  }

</sc_bundles>
